<compile_context>
chip_gen: v7x
topology: tpu7x:2x2x1
jax: 0.10.2.dev20260603
libtpu: 0.0.44.dev20260713+nightly
codegen_flags: <defaults>
</compile_context>

<pallas_src>
import functools

import jax
import jax.numpy as jnp
from jax import lax
from jax.experimental import pallas as pl
from jax.experimental.pallas import tpu as pltpu
from jax.experimental.pallas import tpu_sc as plsc

_B = 16384
_V = 53
_D = 128
_NC = 2
_NS = 16
_NW = _NC * _NS
_BPW = _B // _NW
_CHR = 256
_NCHK = _BPW // _CHR


def _table_body(rank_ref, suit_ref, dist_ref, pw_ref, pb_ref,
                rw_ref, rb_ref, sw_ref, sb_ref, dw_ref, db_ref, out_ref):
    cat = jnp.concatenate([rank_ref[...], suit_ref[...], dist_ref[...]],
                          axis=1)
    card = jnp.dot(cat, pw_ref[...],
                   preferred_element_type=jnp.float32) + pb_ref[...]
    out_ref[...] = jnp.zeros((_V, _D), jnp.float32)
    out_ref[:, 0:13] = jnp.dot(card, rw_ref[...],
                               preferred_element_type=jnp.float32) + rb_ref[...]
    out_ref[:, 16:20] = jnp.dot(card, sw_ref[...],
                                preferred_element_type=jnp.float32) + sb_ref[...]
    out_ref[:, 32:84] = jnp.dot(card, dw_ref[...],
                                preferred_element_type=jnp.float32) + db_ref[...]


_table_call = pl.pallas_call(
    _table_body,
    out_shape=jax.ShapeDtypeStruct((_V, _D), jnp.float32),
)


@functools.cache
def _make_gather():
    @functools.partial(
        pl.kernel,
        mesh=plsc.VectorSubcoreMesh(core_axis_name="c", subcore_axis_name="s"),
        out_type=(
            jax.ShapeDtypeStruct((_B, 13), jnp.float32),
            jax.ShapeDtypeStruct((_B, 4), jnp.float32),
            jax.ShapeDtypeStruct((_B, 52), jnp.float32),
        ),
        scratch_types=[
            pltpu.VMEM((_BPW,), jnp.int32),
            pltpu.VMEM((_V, _D), jnp.float32),
            pltpu.VMEM((_CHR, 13), jnp.float32),
            pltpu.VMEM((_CHR, 4), jnp.float32),
            pltpu.VMEM((_CHR, 52), jnp.float32),
            pltpu.SemaphoreType.DMA,
        ],
        compiler_params=pltpu.CompilerParams(needs_layout_passes=False),
    )
    def _gather(table_hbm, idx_hbm, rank_hbm, suit_hbm, dist_hbm,
                idx_v, tab_v, rank_v, suit_v, dist_v, sem):
        wid = lax.axis_index("s") * _NC + lax.axis_index("c")
        base = wid * _BPW
        pltpu.sync_copy(idx_hbm.at[pl.ds(base, _BPW)], idx_v)
        pltpu.sync_copy(table_hbm, tab_v)
        lane = lax.iota(jnp.int32, 16)
        lane16 = lane + 16
        lane32 = lane + 32
        lane48 = lane + 48
        lane64 = lane + 64
        lane80 = lane + 80
        m13 = lane < 13
        m4 = lane < 4
        jsplats = [jnp.full((16,), j, jnp.int32) for j in range(16)]

        for chunk in range(_NCHK):
            def body(g, carry):
                g16 = g * 16
                rows16 = idx_v[pl.ds(chunk * _CHR + g16, 16)]
                for j in range(16):
                    r = g16 + j
                    isplat = jnp.take(rows16, jsplats[j])
                    rsplat = jnp.full((16,), r, jnp.int32)
                    plsc.store_scatter(
                        rank_v, [rsplat, lane],
                        plsc.load_gather(tab_v, [isplat, lane]), mask=m13)
                    plsc.store_scatter(
                        suit_v, [rsplat, lane],
                        plsc.load_gather(tab_v, [isplat, lane16]), mask=m4)
                    dist_v[r, pl.ds(0, 16)] = plsc.load_gather(
                        tab_v, [isplat, lane32])
                    dist_v[r, pl.ds(16, 16)] = plsc.load_gather(
                        tab_v, [isplat, lane48])
                    dist_v[r, pl.ds(32, 16)] = plsc.load_gather(
                        tab_v, [isplat, lane64])
                    plsc.store_scatter(
                        dist_v, [rsplat, lane48],
                        plsc.load_gather(tab_v, [isplat, lane80]), mask=m4)
                return carry

            lax.fori_loop(0, _CHR // 16, body, jnp.int32(0))
            cbase = base + chunk * _CHR
            pltpu.sync_copy(rank_v, rank_hbm.at[pl.ds(cbase, _CHR)])
            pltpu.sync_copy(suit_v, suit_hbm.at[pl.ds(cbase, _CHR)])
            pltpu.sync_copy(dist_v, dist_hbm.at[pl.ds(cbase, _CHR)])

    return _gather


def kernel(card_id, rank_tab, suit_tab, dist_tab, proj_W, proj_b,
           rank_W, rank_b, suit_W, suit_b, dist_W, dist_b):
    table = _table_call(rank_tab, suit_tab, dist_tab,
                        proj_W, proj_b.reshape(1, 16),
                        rank_W, rank_b.reshape(1, 13),
                        suit_W, suit_b.reshape(1, 4),
                        dist_W, dist_b.reshape(1, 52))
    idx = card_id.astype(jnp.int32)
    rank_pred, suit_pred, dist_pred = _make_gather()(table, idx)
    return rank_pred, suit_pred, dist_pred

# --- scband reference (transcript-rebuilt; emitter-appended) ---
"""Pipeline reference for scband-card-encoder-6940667150949 (READ-ONLY COPY).

The authoritative reference and input builder live on the scoring server;
editing this copy changes nothing except your own understanding.
"""

import jax, jax.numpy as jnp
import numpy as np

B = 16384
VOCAB = 53
RANK_DIM = 2
SUIT_DIM = 2
DIST_DIM = 12
CARD_DIM = RANK_DIM + SUIT_DIM + DIST_DIM


def setup_inputs(seed: int = 0) -> dict:
    key = jax.random.key(seed)
    ks = jax.random.split(key, 12)
    card_id = jax.random.randint(ks[0], (B,), 0, 52)  # avoid padding idx 52
    # embedding tables; padding_idx=52 row zeroed like torch init
    rank_tab = (jax.random.normal(ks[1], (VOCAB, RANK_DIM), jnp.float32)).at[52].set(0.0)
    suit_tab = (jax.random.normal(ks[2], (VOCAB, SUIT_DIM), jnp.float32)).at[52].set(0.0)
    dist_tab = (jax.random.normal(ks[3], (VOCAB, DIST_DIM), jnp.float32)).at[52].set(0.0)
    # linear layers stored as [in, out] so y = x @ W + b (equivalent to torch x @ W.T + b)
    s = 1.0 / np.sqrt(CARD_DIM)
    proj_W = jax.random.uniform(ks[4], (CARD_DIM, CARD_DIM), jnp.float32, -s, s)
    proj_b = jax.random.uniform(ks[5], (CARD_DIM,), jnp.float32, -s, s)
    rank_W = jax.random.uniform(ks[6], (CARD_DIM, 13), jnp.float32, -s, s)
    rank_b = jax.random.uniform(ks[7], (13,), jnp.float32, -s, s)
    suit_W = jax.random.uniform(ks[8], (CARD_DIM, 4), jnp.float32, -s, s)
    suit_b = jax.random.uniform(ks[9], (4,), jnp.float32, -s, s)
    dist_W = jax.random.uniform(ks[10], (CARD_DIM, 52), jnp.float32, -s, s)
    dist_b = jax.random.uniform(ks[11], (52,), jnp.float32, -s, s)
    return {
        "card_id": card_id,
        "rank_tab": rank_tab,
        "suit_tab": suit_tab,
        "dist_tab": dist_tab,
        "proj_W": proj_W,
        "proj_b": proj_b,
        "rank_W": rank_W,
        "rank_b": rank_b,
        "suit_W": suit_W,
        "suit_b": suit_b,
        "dist_W": dist_W,
        "dist_b": dist_b,
    }


def reference(card_id, rank_tab, suit_tab, dist_tab, proj_W, proj_b,
              rank_W, rank_b, suit_W, suit_b, dist_W, dist_b):
    rank_emb = jnp.take(rank_tab, card_id, axis=0)
    suit_emb = jnp.take(suit_tab, card_id, axis=0)
    dist_emb = jnp.take(dist_tab, card_id, axis=0)
    emb_cat = jnp.concatenate([rank_emb, suit_emb, dist_emb], axis=1)
    card_emb = emb_cat @ proj_W + proj_b
    rank_pred = card_emb @ rank_W + rank_b
    suit_pred = card_emb @ suit_W + suit_b
    dist_pred = card_emb @ dist_W + dist_b
    return (rank_pred, suit_pred, dist_pred)

if __name__ == "__main__":
    import jax
    _d = setup_inputs()
    print(jax.jit(kernel)(*tuple(_d.values())))

</pallas_src>

<mosaic_0001>
#map = affine_map<(d0, d1) -> (0, 0)>
#map1 = affine_map<(d0, d1) -> (0)>
module attributes {stable_mosaic.version = 14 : i64} {
  func.func @_gather(%arg0: i32, %arg1: i32, %arg2: memref<53x128xf32, #tpu.memory_space<hbm>>, %arg3: memref<16384xi32, #tpu.memory_space<hbm>>, %arg4: memref<16384x13xf32, #tpu.memory_space<hbm>>, %arg5: memref<16384x4xf32, #tpu.memory_space<hbm>>, %arg6: memref<16384x52xf32, #tpu.memory_space<hbm>>, %arg7: memref<512xi32, #tpu.memory_space<vmem>>, %arg8: memref<53x128xf32, #tpu.memory_space<vmem>>, %arg9: memref<256x13xf32, #tpu.memory_space<vmem>>, %arg10: memref<256x4xf32, #tpu.memory_space<vmem>>, %arg11: memref<256x52xf32, #tpu.memory_space<vmem>>, %arg12: memref<!tpu.dma_semaphore, #tpu.memory_space<semaphore_mem>>) attributes {dimension_semantics = [#tpu.dimension_semantics<core_parallel>, #tpu.dimension_semantics<subcore_parallel>], iteration_bounds = array<i64: 2, 16>, scalar_prefetch = 0 : i64, scratch_operands = 6 : i64, tpu.core_type = #tpu.core_type<sc_vector_subcore>, window_params = [{transform_indices = #map}, {transform_indices = #map1}, {transform_indices = #map}, {transform_indices = #map}, {transform_indices = #map}]} {
    %mul3A = arith.constant 2 : i32
    %mul3A_0 = arith.muli %arg1, %mul3A : i32
    %add3A = arith.addi %mul3A_0, %arg0 : i32
    %mul3A_1 = arith.constant 512 : i32
    %mul3A_2 = arith.muli %add3A, %mul3A_1 : i32
    "tpu.region"() ({
      %run_scoped3A = tpu.sem_alloc : memref<!tpu.dma_semaphore, #tpu.memory_space<semaphore_mem>>
      %dma_start3A = tpu.memref_slice %arg3[%mul3A_2] : memref<16384xi32, #tpu.memory_space<hbm>> -> memref<512xi32, #tpu.memory_space<hbm>>
      %dma_start3A_69 = tpu.memref_slice %arg3[%mul3A_2] : memref<16384xi32, #tpu.memory_space<hbm>> -> memref<512xi32, #tpu.memory_space<hbm>>
      tpu.enqueue_dma source(%dma_start3A_69 : memref<512xi32, #tpu.memory_space<hbm>>) target(%arg7 : memref<512xi32, #tpu.memory_space<vmem>>) target_semaphore(%run_scoped3A : memref<!tpu.dma_semaphore, #tpu.memory_space<semaphore_mem>>)
      %dma_wait3A = tpu.memref_slice %arg3[%mul3A_2] : memref<16384xi32, #tpu.memory_space<hbm>> -> memref<512xi32, #tpu.memory_space<hbm>>
      %dma_wait3A_70 = tpu.memref_slice %arg3[%mul3A_2] : memref<16384xi32, #tpu.memory_space<hbm>> -> memref<512xi32, #tpu.memory_space<hbm>>
      tpu.wait_dma2 semaphore(%run_scoped3A : memref<!tpu.dma_semaphore, #tpu.memory_space<semaphore_mem>>) src(%dma_wait3A_70 : memref<512xi32, #tpu.memory_space<hbm>>) dst(%arg7 : memref<512xi32, #tpu.memory_space<vmem>>)
      tpu.yield
    }) : () -> ()
    "tpu.region"() ({
      %run_scoped3A = tpu.sem_alloc : memref<!tpu.dma_semaphore, #tpu.memory_space<semaphore_mem>>
      tpu.enqueue_dma source(%arg2 : memref<53x128xf32, #tpu.memory_space<hbm>>) target(%arg8 : memref<53x128xf32, #tpu.memory_space<vmem>>) target_semaphore(%run_scoped3A : memref<!tpu.dma_semaphore, #tpu.memory_space<semaphore_mem>>)
      tpu.wait_dma2 semaphore(%run_scoped3A : memref<!tpu.dma_semaphore, #tpu.memory_space<semaphore_mem>>) src(%arg2 : memref<53x128xf32, #tpu.memory_space<hbm>>) dst(%arg8 : memref<53x128xf32, #tpu.memory_space<vmem>>)
      tpu.yield
    }) : () -> ()
    %iota3A = tpu.iota {dimensions = array<i32: 0>} : vector<16xi32>
    %add3A_3 = arith.constant 16 : i32
    %add3A_4 = vector.broadcast %add3A_3 : i32 to vector<16xi32>
    %add3A_5 = arith.addi %iota3A, %add3A_4 : vector<16xi32>
    %add3A_6 = arith.constant 32 : i32
    %add3A_7 = vector.broadcast %add3A_6 : i32 to vector<16xi32>
    %add3A_8 = arith.addi %iota3A, %add3A_7 : vector<16xi32>
    %add3A_9 = arith.constant 48 : i32
    %add3A_10 = vector.broadcast %add3A_9 : i32 to vector<16xi32>
    %add3A_11 = arith.addi %iota3A, %add3A_10 : vector<16xi32>
    %add3A_12 = arith.constant 64 : i32
    %add3A_13 = vector.broadcast %add3A_12 : i32 to vector<16xi32>
    %add3A_14 = arith.addi %iota3A, %add3A_13 : vector<16xi32>
    %add3A_15 = arith.constant 80 : i32
    %add3A_16 = vector.broadcast %add3A_15 : i32 to vector<16xi32>
    %add3A_17 = arith.addi %iota3A, %add3A_16 : vector<16xi32>
    %lt3A = arith.constant 13 : i32
    %lt3A_18 = vector.broadcast %lt3A : i32 to vector<16xi32>
    %lt3A_19 = arith.cmpi slt, %iota3A, %lt3A_18 : vector<16xi32>
    %lt3A_20 = arith.constant 4 : i32
    %lt3A_21 = vector.broadcast %lt3A_20 : i32 to vector<16xi32>
    %lt3A_22 = arith.cmpi slt, %iota3A, %lt3A_21 : vector<16xi32>
    %broadcast_in_dim3A = arith.constant 0 : i32
    %broadcast_in_dim3A_23 = vector.broadcast %broadcast_in_dim3A : i32 to vector<16xi32>
    %broadcast_in_dim3A_24 = arith.constant 1 : i32
    %broadcast_in_dim3A_25 = vector.broadcast %broadcast_in_dim3A_24 : i32 to vector<16xi32>
    %broadcast_in_dim3A_26 = arith.constant 2 : i32
    %broadcast_in_dim3A_27 = vector.broadcast %broadcast_in_dim3A_26 : i32 to vector<16xi32>
    %broadcast_in_dim3A_28 = arith.constant 3 : i32
    %broadcast_in_dim3A_29 = vector.broadcast %broadcast_in_dim3A_28 : i32 to vector<16xi32>
    %broadcast_in_dim3A_30 = arith.constant 4 : i32
    %broadcast_in_dim3A_31 = vector.broadcast %broadcast_in_dim3A_30 : i32 to vector<16xi32>
    %broadcast_in_dim3A_32 = arith.constant 5 : i32
    %broadcast_in_dim3A_33 = vector.broadcast %broadcast_in_dim3A_32 : i32 to vector<16xi32>
    %broadcast_in_dim3A_34 = arith.constant 6 : i32
    %broadcast_in_dim3A_35 = vector.broadcast %broadcast_in_dim3A_34 : i32 to vector<16xi32>
    %broadcast_in_dim3A_36 = arith.constant 7 : i32
    %broadcast_in_dim3A_37 = vector.broadcast %broadcast_in_dim3A_36 : i32 to vector<16xi32>
    %broadcast_in_dim3A_38 = arith.constant 8 : i32
    %broadcast_in_dim3A_39 = vector.broadcast %broadcast_in_dim3A_38 : i32 to vector<16xi32>
    %broadcast_in_dim3A_40 = arith.constant 9 : i32
    %broadcast_in_dim3A_41 = vector.broadcast %broadcast_in_dim3A_40 : i32 to vector<16xi32>
    %broadcast_in_dim3A_42 = arith.constant 10 : i32
    %broadcast_in_dim3A_43 = vector.broadcast %broadcast_in_dim3A_42 : i32 to vector<16xi32>
    %broadcast_in_dim3A_44 = arith.constant 11 : i32
    %broadcast_in_dim3A_45 = vector.broadcast %broadcast_in_dim3A_44 : i32 to vector<16xi32>
    %broadcast_in_dim3A_46 = arith.constant 12 : i32
    %broadcast_in_dim3A_47 = vector.broadcast %broadcast_in_dim3A_46 : i32 to vector<16xi32>
    %broadcast_in_dim3A_48 = arith.constant 13 : i32
    %broadcast_in_dim3A_49 = vector.broadcast %broadcast_in_dim3A_48 : i32 to vector<16xi32>
    %broadcast_in_dim3A_50 = arith.constant 14 : i32
    %broadcast_in_dim3A_51 = vector.broadcast %broadcast_in_dim3A_50 : i32 to vector<16xi32>
    %broadcast_in_dim3A_52 = arith.constant 15 : i32
    %broadcast_in_dim3A_53 = vector.broadcast %broadcast_in_dim3A_52 : i32 to vector<16xi32>
    %scan3A = arith.constant 0 : i32
    %scan3A_54 = arith.constant 0 : i32
    %scan3A_55 = arith.constant 16 : i32
    %scan3A_56 = arith.addi %scan3A_54, %scan3A_55 : i32
    %scan3A_57 = arith.constant 1 : i32
    scf.for %scan3A_69 = %scan3A_54 to %scan3A_56 step %scan3A_57  : i32 {
      %mul3A_70 = arith.constant 16 : i32
      %mul3A_71 = arith.muli %scan3A_69, %mul3A_70 : i32
      %add3A_72 = arith.constant 0 : i32
      %add3A_73 = arith.addi %add3A_72, %mul3A_71 : i32
      %get3A = arith.index_cast %add3A_73 : i32 to index
      %get3A_74 = tpu.vector_load %arg7[%get3A] {strides = array<i32>} : memref<512xi32, #tpu.memory_space<vmem>>, vector<16xi32>,
      %add3A_75 = arith.constant 0 : i32
      %add3A_76 = arith.addi %mul3A_71, %add3A_75 : i32
      %lt3A_77 = arith.constant 0 : i32
      %lt3A_78 = vector.broadcast %lt3A_77 : i32 to vector<16xi32>
      %lt3A_79 = arith.cmpi slt, %broadcast_in_dim3A_23, %lt3A_78 : vector<16xi32>
      %add3A_80 = arith.constant 16 : i32
      %add3A_81 = vector.broadcast %add3A_80 : i32 to vector<16xi32>
      %add3A_82 = arith.addi %broadcast_in_dim3A_23, %add3A_81 : vector<16xi32>
      %select_n3A = arith.select %lt3A_79, %add3A_82, %broadcast_in_dim3A_23 : vector<16xi1>, vector<16xi32>
      %broadcast_in_dim3A_83 = vector.shape_cast %select_n3A : vector<16xi32> to vector<16x1xi32>
      %gather3A = vector.shape_cast %broadcast_in_dim3A_83 : vector<16x1xi32> to vector<16xi32>
      %gather3A_84 = tpu.dynamic_gather %get3A_74[%gather3A] in [0] : vector<16xi32>, vector<16xi32> -> vector<16xi32>
      %broadcast_in_dim3A_85 = vector.broadcast %add3A_76 : i32 to vector<16xi32>
      %gather3A_86 = tpu.vector_load_idx %arg8[%gather3A_84, %iota3A] : memref<53x128xf32, #tpu.memory_space<vmem>>[vector<16xi32>, vector<16xi32>], vector<16xf32>,
      tpu.vector_store_idx %arg9[%broadcast_in_dim3A_85, %iota3A], %gather3A_86 masked %lt3A_19 : memref<256x13xf32, #tpu.memory_space<vmem>>[vector<16xi32>, vector<16xi32>], vector<16xf32>, vector<16xi1>
      %gather3A_87 = tpu.vector_load_idx %arg8[%gather3A_84, %add3A_5] : memref<53x128xf32, #tpu.memory_space<vmem>>[vector<16xi32>, vector<16xi32>], vector<16xf32>,
      tpu.vector_store_idx %arg10[%broadcast_in_dim3A_85, %iota3A], %gather3A_87 masked %lt3A_22 : memref<256x4xf32, #tpu.memory_space<vmem>>[vector<16xi32>, vector<16xi32>], vector<16xf32>, vector<16xi1>
      %gather3A_88 = tpu.vector_load_idx %arg8[%gather3A_84, %add3A_8] : memref<53x128xf32, #tpu.memory_space<vmem>>[vector<16xi32>, vector<16xi32>], vector<16xf32>,
      %swap3A = arith.index_cast %add3A_76 : i32 to index
      %swap3A_89 = arith.constant 0 : index
      %swap3A_90 = tpu.vector_load %arg11[%swap3A, %swap3A_89] {strides = array<i32>} : memref<256x52xf32, #tpu.memory_space<vmem>>, vector<16xf32>,
      tpu.vector_store %arg11[%swap3A, %swap3A_89], %gather3A_88 {strides = array<i32>} : memref<256x52xf32, #tpu.memory_space<vmem>>, vector<16xf32>,
      %gather3A_91 = tpu.vector_load_idx %arg8[%gather3A_84, %add3A_11] : memref<53x128xf32, #tpu.memory_space<vmem>>[vector<16xi32>, vector<16xi32>], vector<16xf32>,
      %swap3A_92 = arith.index_cast %add3A_76 : i32 to index
      %swap3A_93 = arith.constant 16 : index
      %swap3A_94 = tpu.vector_load %arg11[%swap3A_92, %swap3A_93] {strides = array<i32>} : memref<256x52xf32, #tpu.memory_space<vmem>>, vector<16xf32>,
      tpu.vector_store %arg11[%swap3A_92, %swap3A_93], %gather3A_91 {strides = array<i32>} : memref<256x52xf32, #tpu.memory_space<vmem>>, vector<16xf32>,
      %gather3A_95 = tpu.vector_load_idx %arg8[%gather3A_84, %add3A_14] : memref<53x128xf32, #tpu.memory_space<vmem>>[vector<16xi32>, vector<16xi32>], vector<16xf32>,
      %swap3A_96 = arith.index_cast %add3A_76 : i32 to index
      %swap3A_97 = arith.constant 32 : index
      %swap3A_98 = tpu.vector_load %arg11[%swap3A_96, %swap3A_97] {strides = array<i32>} : memref<256x52xf32, #tpu.memory_space<vmem>>, vector<16xf32>,
      tpu.vector_store %arg11[%swap3A_96, %swap3A_97], %gather3A_95 {strides = array<i32>} : memref<256x52xf32, #tpu.memory_space<vmem>>, vector<16xf32>,
      %gather3A_99 = tpu.vector_load_idx %arg8[%gather3A_84, %add3A_17] : memref<53x128xf32, #tpu.memory_space<vmem>>[vector<16xi32>, vector<16xi32>], vector<16xf32>,
      tpu.vector_store_idx %arg11[%broadcast_in_dim3A_85, %add3A_11], %gather3A_99 masked %lt3A_22 : memref<256x52xf32, #tpu.memory_space<vmem>>[vector<16xi32>, vector<16xi32>], vector<16xf32>, vector<16xi1>
      %add3A_100 = arith.constant 1 : i32
      %add3A_101 = arith.addi %mul3A_71, %add3A_100 : i32
      %lt3A_102 = arith.constant 0 : i32
      %lt3A_103 = vector.broadcast %lt3A_102 : i32 to vector<16xi32>
      %lt3A_104 = arith.cmpi slt, %broadcast_in_dim3A_25, %lt3A_103 : vector<16xi32>
      %add3A_105 = arith.constant 16 : i32
      %add3A_106 = vector.broadcast %add3A_105 : i32 to vector<16xi32>
      %add3A_107 = arith.addi %broadcast_in_dim3A_25, %add3A_106 : vector<16xi32>
      %select_n3A_108 = arith.select %lt3A_104, %add3A_107, %broadcast_in_dim3A_25 : vector<16xi1>, vector<16xi32>
      %broadcast_in_dim3A_109 = vector.shape_cast %select_n3A_108 : vector<16xi32> to vector<16x1xi32>
      %gather3A_110 = vector.shape_cast %broadcast_in_dim3A_109 : vector<16x1xi32> to vector<16xi32>
      %gather3A_111 = tpu.dynamic_gather %get3A_74[%gather3A_110] in [0] : vector<16xi32>, vector<16xi32> -> vector<16xi32>
      %broadcast_in_dim3A_112 = vector.broadcast %add3A_101 : i32 to vector<16xi32>
      %gather3A_113 = tpu.vector_load_idx %arg8[%gather3A_111, %iota3A] : memref<53x128xf32, #tpu.memory_space<vmem>>[vector<16xi32>, vector<16xi32>], vector<16xf32>,
      tpu.vector_store_idx %arg9[%broadcast_in_dim3A_112, %iota3A], %gather3A_113 masked %lt3A_19 : memref<256x13xf32, #tpu.memory_space<vmem>>[vector<16xi32>, vector<16xi32>], vector<16xf32>, vector<16xi1>
      %gather3A_114 = tpu.vector_load_idx %arg8[%gather3A_111, %add3A_5] : memref<53x128xf32, #tpu.memory_space<vmem>>[vector<16xi32>, vector<16xi32>], vector<16xf32>,
      tpu.vector_store_idx %arg10[%broadcast_in_dim3A_112, %iota3A], %gather3A_114 masked %lt3A_22 : memref<256x4xf32, #tpu.memory_space<vmem>>[vector<16xi32>, vector<16xi32>], vector<16xf32>, vector<16xi1>
      %gather3A_115 = tpu.vector_load_idx %arg8[%gather3A_111, %add3A_8] : memref<53x128xf32, #tpu.memory_space<vmem>>[vector<16xi32>, vector<16xi32>], vector<16xf32>,
      %swap3A_116 = arith.index_cast %add3A_101 : i32 to index
      %swap3A_117 = arith.constant 0 : index
      %swap3A_118 = tpu.vector_load %arg11[%swap3A_116, %swap3A_117] {strides = array<i32>} : memref<256x52xf32, #tpu.memory_space<vmem>>, vector<16xf32>,
      tpu.vector_store %arg11[%swap3A_116, %swap3A_117], %gather3A_115 {strides = array<i32>} : memref<256x52xf32, #tpu.memory_space<vmem>>, vector<16xf32>,
      %gather3A_119 = tpu.vector_load_idx %arg8[%gather3A_111, %add3A_11] : memref<53x128xf32, #tpu.memory_space<vmem>>[vector<16xi32>, vector<16xi32>], vector<16xf32>,
      %swap3A_120 = arith.index_cast %add3A_101 : i32 to index
      %swap3A_121 = arith.constant 16 : index
      %swap3A_122 = tpu.vector_load %arg11[%swap3A_120, %swap3A_121] {strides = array<i32>} : memref<256x52xf32, #tpu.memory_space<vmem>>, vector<16xf32>,
      tpu.vector_store %arg11[%swap3A_120, %swap3A_121], %gather3A_119 {strides = array<i32>} : memref<256x52xf32, #tpu.memory_space<vmem>>, vector<16xf32>,
      %gather3A_123 = tpu.vector_load_idx %arg8[%gather3A_111, %add3A_14] : memref<53x128xf32, #tpu.memory_space<vmem>>[vector<16xi32>, vector<16xi32>], vector<16xf32>,
      %swap3A_124 = arith.index_cast %add3A_101 : i32 to index
      %swap3A_125 = arith.constant 32 : index
      %swap3A_126 = tpu.vector_load %arg11[%swap3A_124, %swap3A_125] {strides = array<i32>} : memref<256x52xf32, #tpu.memory_space<vmem>>, vector<16xf32>,
      tpu.vector_store %arg11[%swap3A_124, %swap3A_125], %gather3A_123 {strides = array<i32>} : memref<256x52xf32, #tpu.memory_space<vmem>>, vector<16xf32>,
      %gather3A_127 = tpu.vector_load_idx %arg8[%gather3A_111, %add3A_17] : memref<53x128xf32, #tpu.memory_space<vmem>>[vector<16xi32>, vector<16xi32>], vector<16xf32>,
      tpu.vector_store_idx %arg11[%broadcast_in_dim3A_112, %add3A_11], %gather3A_127 masked %lt3A_22 : memref<256x52xf32, #tpu.memory_space<vmem>>[vector<16xi32>, vector<16xi32>], vector<16xf32>, vector<16xi1>
      %add3A_128 = arith.constant 2 : i32
      %add3A_129 = arith.addi %mul3A_71, %add3A_128 : i32
      %lt3A_130 = arith.constant 0 : i32
      %lt3A_131 = vector.broadcast %lt3A_130 : i32 to vector<16xi32>
      %lt3A_132 = arith.cmpi slt, %broadcast_in_dim3A_27, %lt3A_131 : vector<16xi32>
      %add3A_133 = arith.constant 16 : i32
      %add3A_134 = vector.broadcast %add3A_133 : i32 to vector<16xi32>
      %add3A_135 = arith.addi %broadcast_in_dim3A_27, %add3A_134 : vector<16xi32>
      %select_n3A_136 = arith.select %lt3A_132, %add3A_135, %broadcast_in_dim3A_27 : vector<16xi1>, vector<16xi32>
      %broadcast_in_dim3A_137 = vector.shape_cast %select_n3A_136 : vector<16xi32> to vector<16x1xi32>
      %gather3A_138 = vector.shape_cast %broadcast_in_dim3A_137 : vector<16x1xi32> to vector<16xi32>
      %gather3A_139 = tpu.dynamic_gather %get3A_74[%gather3A_138] in [0] : vector<16xi32>, vector<16xi32> -> vector<16xi32>
      %broadcast_in_dim3A_140 = vector.broadcast %add3A_129 : i32 to vector<16xi32>
      %gather3A_141 = tpu.vector_load_idx %arg8[%gather3A_139, %iota3A] : memref<53x128xf32, #tpu.memory_space<vmem>>[vector<16xi32>, vector<16xi32>], vector<16xf32>,
      tpu.vector_store_idx %arg9[%broadcast_in_dim3A_140, %iota3A], %gather3A_141 masked %lt3A_19 : memref<256x13xf32, #tpu.memory_space<vmem>>[vector<16xi32>, vector<16xi32>], vector<16xf32>, vector<16xi1>
      %gather3A_142 = tpu.vector_load_idx %arg8[%gather3A_139, %add3A_5] : memref<53x128xf32, #tpu.memory_space<vmem>>[vector<16xi32>, vector<16xi32>], vector<16xf32>,
      tpu.vector_store_idx %arg10[%broadcast_in_dim3A_140, %iota3A], %gather3A_142 masked %lt3A_22 : memref<256x4xf32, #tpu.memory_space<vmem>>[vector<16xi32>, vector<16xi32>], vector<16xf32>, vector<16xi1>
      %gather3A_143 = tpu.vector_load_idx %arg8[%gather3A_139, %add3A_8] : memref<53x128xf32, #tpu.memory_space<vmem>>[vector<16xi32>, vector<16xi32>], vector<16xf32>,
      %swap3A_144 = arith.index_cast %add3A_129 : i32 to index
      %swap3A_145 = arith.constant 0 : index
      %swap3A_146 = tpu.vector_load %arg11[%swap3A_144, %swap3A_145] {strides = array<i32>} : memref<256x52xf32, #tpu.memory_space<vmem>>, vector<16xf32>,
      tpu.vector_store %arg11[%swap3A_144, %swap3A_145], %gather3A_143 {strides = array<i32>} : memref<256x52xf32, #tpu.memory_space<vmem>>, vector<16xf32>,
      %gather3A_147 = tpu.vector_load_idx %arg8[%gather3A_139, %add3A_11] : memref<53x128xf32, #tpu.memory_space<vmem>>[vector<16xi32>, vector<16xi32>], vector<16xf32>,
      %swap3A_148 = arith.index_cast %add3A_129 : i32 to index
      %swap3A_149 = arith.constant 16 : index
      %swap3A_150 = tpu.vector_load %arg11[%swap3A_148, %swap3A_149] {strides = array<i32>} : memref<256x52xf32, #tpu.memory_space<vmem>>, vector<16xf32>,
      tpu.vector_store %arg11[%swap3A_148, %swap3A_149], %gather3A_147 {strides = array<i32>} : memref<256x52xf32, #tpu.memory_space<vmem>>, vector<16xf32>,
      %gather3A_151 = tpu.vector_load_idx %arg8[%gather3A_139, %add3A_14] : memref<53x128xf32, #tpu.memory_space<vmem>>[vector<16xi32>, vector<16xi32>], vector<16xf32>,
      %swap3A_152 = arith.index_cast %add3A_129 : i32 to index
      %swap3A_153 = arith.constant 32 : index
      %swap3A_154 = tpu.vector_load %arg11[%swap3A_152, %swap3A_153] {strides = array<i32>} : memref<256x52xf32, #tpu.memory_space<vmem>>, vector<16xf32>,
      tpu.vector_store %arg11[%swap3A_152, %swap3A_153], %gather3A_151 {strides = array<i32>} : memref<256x52xf32, #tpu.memory_space<vmem>>, vector<16xf32>,
      %gather3A_155 = tpu.vector_load_idx %arg8[%gather3A_139, %add3A_17] : memref<53x128xf32, #tpu.memory_space<vmem>>[vector<16xi32>, vector<16xi32>], vector<16xf32>,
      tpu.vector_store_idx %arg11[%broadcast_in_dim3A_140, %add3A_11], %gather3A_155 masked %lt3A_22 : memref<256x52xf32, #tpu.memory_space<vmem>>[vector<16xi32>, vector<16xi32>], vector<16xf32>, vector<16xi1>
      %add3A_156 = arith.constant 3 : i32
      %add3A_157 = arith.addi %mul3A_71, %add3A_156 : i32
      %lt3A_158 = arith.constant 0 : i32
      %lt3A_159 = vector.broadcast %lt3A_158 : i32 to vector<16xi32>
      %lt3A_160 = arith.cmpi slt, %broadcast_in_dim3A_29, %lt3A_159 : vector<16xi32>
      %add3A_161 = arith.constant 16 : i32
      %add3A_162 = vector.broadcast %add3A_161 : i32 to vector<16xi32>
      %add3A_163 = arith.addi %broadcast_in_dim3A_29, %add3A_162 : vector<16xi32>
      %select_n3A_164 = arith.select %lt3A_160, %add3A_163, %broadcast_in_dim3A_29 : vector<16xi1>, vector<16xi32>
      %broadcast_in_dim3A_165 = vector.shape_cast %select_n3A_164 : vector<16xi32> to vector<16x1xi32>
      %gather3A_166 = vector.shape_cast %broadcast_in_dim3A_165 : vector<16x1xi32> to vector<16xi32>
      %gather3A_167 = tpu.dynamic_gather %get3A_74[%gather3A_166] in [0] : vector<16xi32>, vector<16xi32> -> vector<16xi32>
      %broadcast_in_dim3A_168 = vector.broadcast %add3A_157 : i32 to vector<16xi32>
      %gather3A_169 = tpu.vector_load_idx %arg8[%gather3A_167, %iota3A] : memref<53x128xf32, #tpu.memory_space<vmem>>[vector<16xi32>, vector<16xi32>], vector<16xf32>,
      tpu.vector_store_idx %arg9[%broadcast_in_dim3A_168, %iota3A], %gather3A_169 masked %lt3A_19 : memref<256x13xf32, #tpu.memory_space<vmem>>[vector<16xi32>, vector<16xi32>], vector<16xf32>, vector<16xi1>
      %gather3A_170 = tpu.vector_load_idx %arg8[%gather3A_167, %add3A_5] : memref<53x128xf32, #tpu.memory_space<vmem>>[vector<16xi32>, vector<16xi32>], vector<16xf32>,
      tpu.vector_store_idx %arg10[%broadcast_in_dim3A_168, %iota3A], %gather3A_170 masked %lt3A_22 : memref<256x4xf32, #tpu.memory_space<vmem>>[vector<16xi32>, vector<16xi32>], vector<16xf32>, vector<16xi1>
      %gather3A_171 = tpu.vector_load_idx %arg8[%gather3A_167, %add3A_8] : memref<53x128xf32, #tpu.memory_space<vmem>>[vector<16xi32>, vector<16xi32>], vector<16xf32>,
      %swap3A_172 = arith.index_cast %add3A_157 : i32 to index
      %swap3A_173 = arith.constant 0 : index
      %swap3A_174 = tpu.vector_load %arg11[%swap3A_172, %swap3A_173] {strides = array<i32>} : memref<256x52xf32, #tpu.memory_space<vmem>>, vector<16xf32>,
      tpu.vector_store %arg11[%swap3A_172, %swap3A_173], %gather3A_171 {strides = array<i32>} : memref<256x52xf32, #tpu.memory_space<vmem>>, vector<16xf32>,
      %gather3A_175 = tpu.vector_load_idx %arg8[%gather3A_167, %add3A_11] : memref<53x128xf32, #tpu.memory_space<vmem>>[vector<16xi32>, vector<16xi32>], vector<16xf32>,
      %swap3A_176 = arith.index_cast %add3A_157 : i32 to index
      %swap3A_177 = arith.constant 16 : index
      %swap3A_178 = tpu.vector_load %arg11[%swap3A_176, %swap3A_177] {strides = array<i32>} : memref<256x52xf32, #tpu.memory_space<vmem>>, vector<16xf32>,
      tpu.vector_store %arg11[%swap3A_176, %swap3A_177], %gather3A_175 {strides = array<i32>} : memref<256x52xf32, #tpu.memory_space<vmem>>, vector<16xf32>,
      %gather3A_179 = tpu.vector_load_idx %arg8[%gather3A_167, %add3A_14] : memref<53x128xf32, #tpu.memory_space<vmem>>[vector<16xi32>, vector<16xi32>], vector<16xf32>,
      %swap3A_180 = arith.index_cast %add3A_157 : i32 to index
      %swap3A_181 = arith.constant 32 : index
      %swap3A_182 = tpu.vector_load %arg11[%swap3A_180, %swap3A_181] {strides = array<i32>} : memref<256x52xf32, #tpu.memory_space<vmem>>, vector<16xf32>,
      tpu.vector_store %arg11[%swap3A_180, %swap3A_181], %gather3A_179 {strides = array<i32>} : memref<256x52xf32, #tpu.memory_space<vmem>>, vector<16xf32>,
      %gather3A_183 = tpu.vector_load_idx %arg8[%gather3A_167, %add3A_17] : memref<53x128xf32, #tpu.memory_space<vmem>>[vector<16xi32>, vector<16xi32>], vector<16xf32>,
      tpu.vector_store_idx %arg11[%broadcast_in_dim3A_168, %add3A_11], %gather3A_183 masked %lt3A_22 : memref<256x52xf32, #tpu.memory_space<vmem>>[vector<16xi32>, vector<16xi32>], vector<16xf32>, vector<16xi1>
      %add3A_184 = arith.constant 4 : i32
      %add3A_185 = arith.addi %mul3A_71, %add3A_184 : i32
      %lt3A_186 = arith.constant 0 : i32
      %lt3A_187 = vector.broadcast %lt3A_186 : i32 to vector<16xi32>
      %lt3A_188 = arith.cmpi slt, %broadcast_in_dim3A_31, %lt3A_187 : vector<16xi32>
      %add3A_189 = arith.constant 16 : i32
      %add3A_190 = vector.broadcast %add3A_189 : i32 to vector<16xi32>
      %add3A_191 = arith.addi %broadcast_in_dim3A_31, %add3A_190 : vector<16xi32>
      %select_n3A_192 = arith.select %lt3A_188, %add3A_191, %broadcast_in_dim3A_31 : vector<16xi1>, vector<16xi32>
      %broadcast_in_dim3A_193 = vector.shape_cast %select_n3A_192 : vector<16xi32> to vector<16x1xi32>
      %gather3A_194 = vector.shape_cast %broadcast_in_dim3A_193 : vector<16x1xi32> to vector<16xi32>
      %gather3A_195 = tpu.dynamic_gather %get3A_74[%gather3A_194] in [0] : vector<16xi32>, vector<16xi32> -> vector<16xi32>
      %broadcast_in_dim3A_196 = vector.broadcast %add3A_185 : i32 to vector<16xi32>
      %gather3A_197 = tpu.vector_load_idx %arg8[%gather3A_195, %iota3A] : memref<53x128xf32, #tpu.memory_space<vmem>>[vector<16xi32>, vector<16xi32>], vector<16xf32>,
      tpu.vector_store_idx %arg9[%broadcast_in_dim3A_196, %iota3A], %gather3A_197 masked %lt3A_19 : memref<256x13xf32, #tpu.memory_space<vmem>>[vector<16xi32>, vector<16xi32>], vector<16xf32>, vector<16xi1>
      %gather3A_198 = tpu.vector_load_idx %arg8[%gather3A_195, %add3A_5] : memref<53x128xf32, #tpu.memory_space<vmem>>[vector<16xi32>, vector<16xi32>], vector<16xf32>,
      tpu.vector_store_idx %arg10[%broadcast_in_dim3A_196, %iota3A], %gather3A_198 masked %lt3A_22 : memref<256x4xf32, #tpu.memory_space<vmem>>[vector<16xi32>, vector<16xi32>], vector<16xf32>, vector<16xi1>
      %gather3A_199 = tpu.vector_load_idx %arg8[%gather3A_195, %add3A_8] : memref<53x128xf32, #tpu.memory_space<vmem>>[vector<16xi32>, vector<16xi32>], vector<16xf32>,
      %swap3A_200 = arith.index_cast %add3A_185 : i32 to index
      %swap3A_201 = arith.constant 0 : index
      %swap3A_202 = tpu.vector_load %arg11[%swap3A_200, %swap3A_201] {strides = array<i32>} : memref<256x52xf32, #tpu.memory_space<vmem>>, vector<16xf32>,
      tpu.vector_store %arg11[%swap3A_200, %swap3A_201], %gather3A_199 {strides = array<i32>} : memref<256x52xf32, #tpu.memory_space<vmem>>, vector<16xf32>,
      %gather3A_203 = tpu.vector_load_idx %arg8[%gather3A_195, %add3A_11] : memref<53x128xf32, #tpu.memory_space<vmem>>[vector<16xi32>, vector<16xi32>], vector<16xf32>,
      %swap3A_204 = arith.index_cast %add3A_185 : i32 to index
      %swap3A_205 = arith.constant 16 : index
      %swap3A_206 = tpu.vector_load %arg11[%swap3A_204, %swap3A_205] {strides = array<i32>} : memref<256x52xf32, #tpu.memory_space<vmem>>, vector<16xf32>,
      tpu.vector_store %arg11[%swap3A_204, %swap3A_205], %gather3A_203 {strides = array<i32>} : memref<256x52xf32, #tpu.memory_space<vmem>>, vector<16xf32>,
      %gather3A_207 = tpu.vector_load_idx %arg8[%gather3A_195, %add3A_14] : memref<53x128xf32, #tpu.memory_space<vmem>>[vector<16xi32>, vector<16xi32>], vector<16xf32>,
      %swap3A_208 = arith.index_cast %add3A_185 : i32 to index
      %swap3A_209 = arith.constant 32 : index
      %swap3A_210 = tpu.vector_load %arg11[%swap3A_208, %swap3A_209] {strides = array<i32>} : memref<256x52xf32, #tpu.memory_space<vmem>>, vector<16xf32>,
      tpu.vector_store %arg11[%swap3A_208, %swap3A_209], %gather3A_207 {strides = array<i32>} : memref<256x52xf32, #tpu.memory_space<vmem>>, vector<16xf32>,
      %gather3A_211 = tpu.vector_load_idx %arg8[%gather3A_195, %add3A_17] : memref<53x128xf32, #tpu.memory_space<vmem>>[vector<16xi32>, vector<16xi32>], vector<16xf32>,
      tpu.vector_store_idx %arg11[%broadcast_in_dim3A_196, %add3A_11], %gather3A_211 masked %lt3A_22 : memref<256x52xf32, #tpu.memory_space<vmem>>[vector<16xi32>, vector<16xi32>], vector<16xf32>, vector<16xi1>
      %add3A_212 = arith.constant 5 : i32
      %add3A_213 = arith.addi %mul3A_71, %add3A_212 : i32
      %lt3A_214 = arith.constant 0 : i32
      %lt3A_215 = vector.broadcast %lt3A_214 : i32 to vector<16xi32>
      %lt3A_216 = arith.cmpi slt, %broadcast_in_dim3A_33, %lt3A_215 : vector<16xi32>
      %add3A_217 = arith.constant 16 : i32
      %add3A_218 = vector.broadcast %add3A_217 : i32 to vector<16xi32>
      %add3A_219 = arith.addi %broadcast_in_dim3A_33, %add3A_218 : vector<16xi32>
      %select_n3A_220 = arith.select %lt3A_216, %add3A_219, %broadcast_in_dim3A_33 : vector<16xi1>, vector<16xi32>
      %broadcast_in_dim3A_221 = vector.shape_cast %select_n3A_220 : vector<16xi32> to vector<16x1xi32>
      %gather3A_222 = vector.shape_cast %broadcast_in_dim3A_221 : vector<16x1xi32> to vector<16xi32>
      %gather3A_223 = tpu.dynamic_gather %get3A_74[%gather3A_222] in [0] : vector<16xi32>, vector<16xi32> -> vector<16xi32>
      %broadcast_in_dim3A_224 = vector.broadcast %add3A_213 : i32 to vector<16xi32>
      %gather3A_225 = tpu.vector_load_idx %arg8[%gather3A_223, %iota3A] : memref<53x128xf32, #tpu.memory_space<vmem>>[vector<16xi32>, vector<16xi32>], vector<16xf32>,
      tpu.vector_store_idx %arg9[%broadcast_in_dim3A_224, %iota3A], %gather3A_225 masked %lt3A_19 : memref<256x13xf32, #tpu.memory_space<vmem>>[vector<16xi32>, vector<16xi32>], vector<16xf32>, vector<16xi1>
      %gather3A_226 = tpu.vector_load_idx %arg8[%gather3A_223, %add3A_5] : memref<53x128xf32, #tpu.memory_space<vmem>>[vector<16xi32>, vector<16xi32>], vector<16xf32>,
      tpu.vector_store_idx %arg10[%broadcast_in_dim3A_224, %iota3A], %gather3A_226 masked %lt3A_22 : memref<256x4xf32, #tpu.memory_space<vmem>>[vector<16xi32>, vector<16xi32>], vector<16xf32>, vector<16xi1>
      %gather3A_227 = tpu.vector_load_idx %arg8[%gather3A_223, %add3A_8] : memref<53x128xf32, #tpu.memory_space<vmem>>[vector<16xi32>, vector<16xi32>], vector<16xf32>,
      %swap3A_228 = arith.index_cast %add3A_213 : i32 to index
      %swap3A_229 = arith.constant 0 : index
      %swap3A_230 = tpu.vector_load %arg11[%swap3A_228, %swap3A_229] {strides = array<i32>} : memref<256x52xf32, #tpu.memory_space<vmem>>, vector<16xf32>,
      tpu.vector_store %arg11[%swap3A_228, %swap3A_229], %gather3A_227 {strides = array<i32>} : memref<256x52xf32, #tpu.memory_space<vmem>>, vector<16xf32>,
      %gather3A_231 = tpu.vector_load_idx %arg8[%gather3A_223, %add3A_11] : memref<53x128xf32, #tpu.memory_space<vmem>>[vector<16xi32>, vector<16xi32>], vector<16xf32>,
      %swap3A_232 = arith.index_cast %add3A_213 : i32 to index
      %swap3A_233 = arith.constant 16 : index
      %swap3A_234 = tpu.vector_load %arg11[%swap3A_232, %swap3A_233] {strides = array<i32>} : memref<256x52xf32, #tpu.memory_space<vmem>>, vector<16xf32>,
      tpu.vector_store %arg11[%swap3A_232, %swap3A_233], %gather3A_231 {strides = array<i32>} : memref<256x52xf32, #tpu.memory_space<vmem>>, vector<16xf32>,
      %gather3A_235 = tpu.vector_load_idx %arg8[%gather3A_223, %add3A_14] : memref<53x128xf32, #tpu.memory_space<vmem>>[vector<16xi32>, vector<16xi32>], vector<16xf32>,
      %swap3A_236 = arith.index_cast %add3A_213 : i32 to index
      %swap3A_237 = arith.constant 32 : index
      %swap3A_238 = tpu.vector_load %arg11[%swap3A_236, %swap3A_237] {strides = array<i32>} : memref<256x52xf32, #tpu.memory_space<vmem>>, vector<16xf32>,
      tpu.vector_store %arg11[%swap3A_236, %swap3A_237], %gather3A_235 {strides = array<i32>} : memref<256x52xf32, #tpu.memory_space<vmem>>, vector<16xf32>,
      %gather3A_239 = tpu.vector_load_idx %arg8[%gather3A_223, %add3A_17] : memref<53x128xf32, #tpu.memory_space<vmem>>[vector<16xi32>, vector<16xi32>], vector<16xf32>,
      tpu.vector_store_idx %arg11[%broadcast_in_dim3A_224, %add3A_11], %gather3A_239 masked %lt3A_22 : memref<256x52xf32, #tpu.memory_space<vmem>>[vector<16xi32>, vector<16xi32>], vector<16xf32>, vector<16xi1>
      %add3A_240 = arith.constant 6 : i32
      %add3A_241 = arith.addi %mul3A_71, %add3A_240 : i32
      %lt3A_242 = arith.constant 0 : i32
      %lt3A_243 = vector.broadcast %lt3A_242 : i32 to vector<16xi32>
      %lt3A_244 = arith.cmpi slt, %broadcast_in_dim3A_35, %lt3A_243 : vector<16xi32>
      %add3A_245 = arith.constant 16 : i32
      %add3A_246 = vector.broadcast %add3A_245 : i32 to vector<16xi32>
      %add3A_247 = arith.addi %broadcast_in_dim3A_35, %add3A_246 : vector<16xi32>
      %select_n3A_248 = arith.select %lt3A_244, %add3A_247, %broadcast_in_dim3A_35 : vector<16xi1>, vector<16xi32>
      %broadcast_in_dim3A_249 = vector.shape_cast %select_n3A_248 : vector<16xi32> to vector<16x1xi32>
      %gather3A_250 = vector.shape_cast %broadcast_in_dim3A_249 : vector<16x1xi32> to vector<16xi32>
      %gather3A_251 = tpu.dynamic_gather %get3A_74[%gather3A_250] in [0] : vector<16xi32>, vector<16xi32> -> vector<16xi32>
      %broadcast_in_dim3A_252 = vector.broadcast %add3A_241 : i32 to vector<16xi32>
      %gather3A_253 = tpu.vector_load_idx %arg8[%gather3A_251, %iota3A] : memref<53x128xf32, #tpu.memory_space<vmem>>[vector<16xi32>, vector<16xi32>], vector<16xf32>,
      tpu.vector_store_idx %arg9[%broadcast_in_dim3A_252, %iota3A], %gather3A_253 masked %lt3A_19 : memref<256x13xf32, #tpu.memory_space<vmem>>[vector<16xi32>, vector<16xi32>], vector<16xf32>, vector<16xi1>
      %gather3A_254 = tpu.vector_load_idx %arg8[%gather3A_251, %add3A_5] : memref<53x128xf32, #tpu.memory_space<vmem>>[vector<16xi32>, vector<16xi32>], vector<16xf32>,
      tpu.vector_store_idx %arg10[%broadcast_in_dim3A_252, %iota3A], %gather3A_254 masked %lt3A_22 : memref<256x4xf32, #tpu.memory_space<vmem>>[vector<16xi32>, vector<16xi32>], vector<16xf32>, vector<16xi1>
      %gather3A_255 = tpu.vector_load_idx %arg8[%gather3A_251, %add3A_8] : memref<53x128xf32, #tpu.memory_space<vmem>>[vector<16xi32>, vector<16xi32>], vector<16xf32>,
      %swap3A_256 = arith.index_cast %add3A_241 : i32 to index
      %swap3A_257 = arith.constant 0 : index
      %swap3A_258 = tpu.vector_load %arg11[%swap3A_256, %swap3A_257] {strides = array<i32>} : memref<256x52xf32, #tpu.memory_space<vmem>>, vector<16xf32>,
      tpu.vector_store %arg11[%swap3A_256, %swap3A_257], %gather3A_255 {strides = array<i32>} : memref<256x52xf32, #tpu.memory_space<vmem>>, vector<16xf32>,
      %gather3A_259 = tpu.vector_load_idx %arg8[%gather3A_251, %add3A_11] : memref<53x128xf32, #tpu.memory_space<vmem>>[vector<16xi32>, vector<16xi32>], vector<16xf32>,
      %swap3A_260 = arith.index_cast %add3A_241 : i32 to index
      %swap3A_261 = arith.constant 16 : index
      %swap3A_262 = tpu.vector_load %arg11[%swap3A_260, %swap3A_261] {strides = array<i32>} : memref<256x52xf32, #tpu.memory_space<vmem>>, vector<16xf32>,
      tpu.vector_store %arg11[%swap3A_260, %swap3A_261], %gather3A_259 {strides = array<i32>} : memref<256x52xf32, #tpu.memory_space<vmem>>, vector<16xf32>,
      %gather3A_263 = tpu.vector_load_idx %arg8[%gather3A_251, %add3A_14] : memref<53x128xf32, #tpu.memory_space<vmem>>[vector<16xi32>, vector<16xi32>], vector<16xf32>,
      %swap3A_264 = arith.index_cast %add3A_241 : i32 to index
      %swap3A_265 = arith.constant 32 : index
      %swap3A_266 = tpu.vector_load %arg11[%swap3A_264, %swap3A_265] {strides = array<i32>} : memref<256x52xf32, #tpu.memory_space<vmem>>, vector<16xf32>,
      tpu.vector_store %arg11[%swap3A_264, %swap3A_265], %gather3A_263 {strides = array<i32>} : memref<256x52xf32, #tpu.memory_space<vmem>>, vector<16xf32>,
      %gather3A_267 = tpu.vector_load_idx %arg8[%gather3A_251, %add3A_17] : memref<53x128xf32, #tpu.memory_space<vmem>>[vector<16xi32>, vector<16xi32>], vector<16xf32>,
      tpu.vector_store_idx %arg11[%broadcast_in_dim3A_252, %add3A_11], %gather3A_267 masked %lt3A_22 : memref<256x52xf32, #tpu.memory_space<vmem>>[vector<16xi32>, vector<16xi32>], vector<16xf32>, vector<16xi1>
      %add3A_268 = arith.constant 7 : i32
      %add3A_269 = arith.addi %mul3A_71, %add3A_268 : i32
      %lt3A_270 = arith.constant 0 : i32
      %lt3A_271 = vector.broadcast %lt3A_270 : i32 to vector<16xi32>
      %lt3A_272 = arith.cmpi slt, %broadcast_in_dim3A_37, %lt3A_271 : vector<16xi32>
      %add3A_273 = arith.constant 16 : i32
      %add3A_274 = vector.broadcast %add3A_273 : i32 to vector<16xi32>
      %add3A_275 = arith.addi %broadcast_in_dim3A_37, %add3A_274 : vector<16xi32>
      %select_n3A_276 = arith.select %lt3A_272, %add3A_275, %broadcast_in_dim3A_37 : vector<16xi1>, vector<16xi32>
      %broadcast_in_dim3A_277 = vector.shape_cast %select_n3A_276 : vector<16xi32> to vector<16x1xi32>
      %gather3A_278 = vector.shape_cast %broadcast_in_dim3A_277 : vector<16x1xi32> to vector<16xi32>
      %gather3A_279 = tpu.dynamic_gather %get3A_74[%gather3A_278] in [0] : vector<16xi32>, vector<16xi32> -> vector<16xi32>
      %broadcast_in_dim3A_280 = vector.broadcast %add3A_269 : i32 to vector<16xi32>
      %gather3A_281 = tpu.vector_load_idx %arg8[%gather3A_279, %iota3A] : memref<53x128xf32, #tpu.memory_space<vmem>>[vector<16xi32>, vector<16xi32>], vector<16xf32>,
      tpu.vector_store_idx %arg9[%broadcast_in_dim3A_280, %iota3A], %gather3A_281 masked %lt3A_19 : memref<256x13xf32, #tpu.memory_space<vmem>>[vector<16xi32>, vector<16xi32>], vector<16xf32>, vector<16xi1>
      %gather3A_282 = tpu.vector_load_idx %arg8[%gather3A_279, %add3A_5] : memref<53x128xf32, #tpu.memory_space<vmem>>[vector<16xi32>, vector<16xi32>], vector<16xf32>,
      tpu.vector_store_idx %arg10[%broadcast_in_dim3A_280, %iota3A], %gather3A_282 masked %lt3A_22 : memref<256x4xf32, #tpu.memory_space<vmem>>[vector<16xi32>, vector<16xi32>], vector<16xf32>, vector<16xi1>
      %gather3A_283 = tpu.vector_load_idx %arg8[%gather3A_279, %add3A_8] : memref<53x128xf32, #tpu.memory_space<vmem>>[vector<16xi32>, vector<16xi32>], vector<16xf32>,
      %swap3A_284 = arith.index_cast %add3A_269 : i32 to index
      %swap3A_285 = arith.constant 0 : index
      %swap3A_286 = tpu.vector_load %arg11[%swap3A_284, %swap3A_285] {strides = array<i32>} : memref<256x52xf32, #tpu.memory_space<vmem>>, vector<16xf32>,
      tpu.vector_store %arg11[%swap3A_284, %swap3A_285], %gather3A_283 {strides = array<i32>} : memref<256x52xf32, #tpu.memory_space<vmem>>, vector<16xf32>,
      %gather3A_287 = tpu.vector_load_idx %arg8[%gather3A_279, %add3A_11] : memref<53x128xf32, #tpu.memory_space<vmem>>[vector<16xi32>, vector<16xi32>], vector<16xf32>,
      %swap3A_288 = arith.index_cast %add3A_269 : i32 to index
      %swap3A_289 = arith.constant 16 : index
      %swap3A_290 = tpu.vector_load %arg11[%swap3A_288, %swap3A_289] {strides = array<i32>} : memref<256x52xf32, #tpu.memory_space<vmem>>, vector<16xf32>,
      tpu.vector_store %arg11[%swap3A_288, %swap3A_289], %gather3A_287 {strides = array<i32>} : memref<256x52xf32, #tpu.memory_space<vmem>>, vector<16xf32>,
      %gather3A_291 = tpu.vector_load_idx %arg8[%gather3A_279, %add3A_14] : memref<53x128xf32, #tpu.memory_space<vmem>>[vector<16xi32>, vector<16xi32>], vector<16xf32>,
      %swap3A_292 = arith.index_cast %add3A_269 : i32 to index
      %swap3A_293 = arith.constant 32 : index
      %swap3A_294 = tpu.vector_load %arg11[%swap3A_292, %swap3A_293] {strides = array<i32>} : memref<256x52xf32, #tpu.memory_space<vmem>>, vector<16xf32>,
      tpu.vector_store %arg11[%swap3A_292, %swap3A_293], %gather3A_291 {strides = array<i32>} : memref<256x52xf32, #tpu.memory_space<vmem>>, vector<16xf32>,
      %gather3A_295 = tpu.vector_load_idx %arg8[%gather3A_279, %add3A_17] : memref<53x128xf32, #tpu.memory_space<vmem>>[vector<16xi32>, vector<16xi32>], vector<16xf32>,
      tpu.vector_store_idx %arg11[%broadcast_in_dim3A_280, %add3A_11], %gather3A_295 masked %lt3A_22 : memref<256x52xf32, #tpu.memory_space<vmem>>[vector<16xi32>, vector<16xi32>], vector<16xf32>, vector<16xi1>
      %add3A_296 = arith.constant 8 : i32
      %add3A_297 = arith.addi %mul3A_71, %add3A_296 : i32
      %lt3A_298 = arith.constant 0 : i32
      %lt3A_299 = vector.broadcast %lt3A_298 : i32 to vector<16xi32>
      %lt3A_300 = arith.cmpi slt, %broadcast_in_dim3A_39, %lt3A_299 : vector<16xi32>
      %add3A_301 = arith.constant 16 : i32
      %add3A_302 = vector.broadcast %add3A_301 : i32 to vector<16xi32>
      %add3A_303 = arith.addi %broadcast_in_dim3A_39, %add3A_302 : vector<16xi32>
      %select_n3A_304 = arith.select %lt3A_300, %add3A_303, %broadcast_in_dim3A_39 : vector<16xi1>, vector<16xi32>
      %broadcast_in_dim3A_305 = vector.shape_cast %select_n3A_304 : vector<16xi32> to vector<16x1xi32>
      %gather3A_306 = vector.shape_cast %broadcast_in_dim3A_305 : vector<16x1xi32> to vector<16xi32>
      %gather3A_307 = tpu.dynamic_gather %get3A_74[%gather3A_306] in [0] : vector<16xi32>, vector<16xi32> -> vector<16xi32>
      %broadcast_in_dim3A_308 = vector.broadcast %add3A_297 : i32 to vector<16xi32>
      %gather3A_309 = tpu.vector_load_idx %arg8[%gather3A_307, %iota3A] : memref<53x128xf32, #tpu.memory_space<vmem>>[vector<16xi32>, vector<16xi32>], vector<16xf32>,
      tpu.vector_store_idx %arg9[%broadcast_in_dim3A_308, %iota3A], %gather3A_309 masked %lt3A_19 : memref<256x13xf32, #tpu.memory_space<vmem>>[vector<16xi32>, vector<16xi32>], vector<16xf32>, vector<16xi1>
      %gather3A_310 = tpu.vector_load_idx %arg8[%gather3A_307, %add3A_5] : memref<53x128xf32, #tpu.memory_space<vmem>>[vector<16xi32>, vector<16xi32>], vector<16xf32>,
      tpu.vector_store_idx %arg10[%broadcast_in_dim3A_308, %iota3A], %gather3A_310 masked %lt3A_22 : memref<256x4xf32, #tpu.memory_space<vmem>>[vector<16xi32>, vector<16xi32>], vector<16xf32>, vector<16xi1>
      %gather3A_311 = tpu.vector_load_idx %arg8[%gather3A_307, %add3A_8] : memref<53x128xf32, #tpu.memory_space<vmem>>[vector<16xi32>, vector<16xi32>], vector<16xf32>,
      %swap3A_312 = arith.index_cast %add3A_297 : i32 to index
      %swap3A_313 = arith.constant 0 : index
      %swap3A_314 = tpu.vector_load %arg11[%swap3A_312, %swap3A_313] {strides = array<i32>} : memref<256x52xf32, #tpu.memory_space<vmem>>, vector<16xf32>,
      tpu.vector_store %arg11[%swap3A_312, %swap3A_313], %gather3A_311 {strides = array<i32>} : memref<256x52xf32, #tpu.memory_space<vmem>>, vector<16xf32>,
      %gather3A_315 = tpu.vector_load_idx %arg8[%gather3A_307, %add3A_11] : memref<53x128xf32, #tpu.memory_space<vmem>>[vector<16xi32>, vector<16xi32>], vector<16xf32>,
      %swap3A_316 = arith.index_cast %add3A_297 : i32 to index
      %swap3A_317 = arith.constant 16 : index
      %swap3A_318 = tpu.vector_load %arg11[%swap3A_316, %swap3A_317] {strides = array<i32>} : memref<256x52xf32, #tpu.memory_space<vmem>>, vector<16xf32>,
      tpu.vector_store %arg11[%swap3A_316, %swap3A_317], %gather3A_315 {strides = array<i32>} : memref<256x52xf32, #tpu.memory_space<vmem>>, vector<16xf32>,
      %gather3A_319 = tpu.vector_load_idx %arg8[%gather3A_307, %add3A_14] : memref<53x128xf32, #tpu.memory_space<vmem>>[vector<16xi32>, vector<16xi32>], vector<16xf32>,
      %swap3A_320 = arith.index_cast %add3A_297 : i32 to index
      %swap3A_321 = arith.constant 32 : index
      %swap3A_322 = tpu.vector_load %arg11[%swap3A_320, %swap3A_321] {strides = array<i32>} : memref<256x52xf32, #tpu.memory_space<vmem>>, vector<16xf32>,
      tpu.vector_store %arg11[%swap3A_320, %swap3A_321], %gather3A_319 {strides = array<i32>} : memref<256x52xf32, #tpu.memory_space<vmem>>, vector<16xf32>,
      %gather3A_323 = tpu.vector_load_idx %arg8[%gather3A_307, %add3A_17] : memref<53x128xf32, #tpu.memory_space<vmem>>[vector<16xi32>, vector<16xi32>], vector<16xf32>,
      tpu.vector_store_idx %arg11[%broadcast_in_dim3A_308, %add3A_11], %gather3A_323 masked %lt3A_22 : memref<256x52xf32, #tpu.memory_space<vmem>>[vector<16xi32>, vector<16xi32>], vector<16xf32>, vector<16xi1>
      %add3A_324 = arith.constant 9 : i32
      %add3A_325 = arith.addi %mul3A_71, %add3A_324 : i32
      %lt3A_326 = arith.constant 0 : i32
      %lt3A_327 = vector.broadcast %lt3A_326 : i32 to vector<16xi32>
      %lt3A_328 = arith.cmpi slt, %broadcast_in_dim3A_41, %lt3A_327 : vector<16xi32>
      %add3A_329 = arith.constant 16 : i32
      %add3A_330 = vector.broadcast %add3A_329 : i32 to vector<16xi32>
      %add3A_331 = arith.addi %broadcast_in_dim3A_41, %add3A_330 : vector<16xi32>
      %select_n3A_332 = arith.select %lt3A_328, %add3A_331, %broadcast_in_dim3A_41 : vector<16xi1>, vector<16xi32>
      %broadcast_in_dim3A_333 = vector.shape_cast %select_n3A_332 : vector<16xi32> to vector<16x1xi32>
      %gather3A_334 = vector.shape_cast %broadcast_in_dim3A_333 : vector<16x1xi32> to vector<16xi32>
      %gather3A_335 = tpu.dynamic_gather %get3A_74[%gather3A_334] in [0] : vector<16xi32>, vector<16xi32> -> vector<16xi32>
      %broadcast_in_dim3A_336 = vector.broadcast %add3A_325 : i32 to vector<16xi32>
      %gather3A_337 = tpu.vector_load_idx %arg8[%gather3A_335, %iota3A] : memref<53x128xf32, #tpu.memory_space<vmem>>[vector<16xi32>, vector<16xi32>], vector<16xf32>,
      tpu.vector_store_idx %arg9[%broadcast_in_dim3A_336, %iota3A], %gather3A_337 masked %lt3A_19 : memref<256x13xf32, #tpu.memory_space<vmem>>[vector<16xi32>, vector<16xi32>], vector<16xf32>, vector<16xi1>
      %gather3A_338 = tpu.vector_load_idx %arg8[%gather3A_335, %add3A_5] : memref<53x128xf32, #tpu.memory_space<vmem>>[vector<16xi32>, vector<16xi32>], vector<16xf32>,
      tpu.vector_store_idx %arg10[%broadcast_in_dim3A_336, %iota3A], %gather3A_338 masked %lt3A_22 : memref<256x4xf32, #tpu.memory_space<vmem>>[vector<16xi32>, vector<16xi32>], vector<16xf32>, vector<16xi1>
      %gather3A_339 = tpu.vector_load_idx %arg8[%gather3A_335, %add3A_8] : memref<53x128xf32, #tpu.memory_space<vmem>>[vector<16xi32>, vector<16xi32>], vector<16xf32>,
      %swap3A_340 = arith.index_cast %add3A_325 : i32 to index
      %swap3A_341 = arith.constant 0 : index
      %swap3A_342 = tpu.vector_load %arg11[%swap3A_340, %swap3A_341] {strides = array<i32>} : memref<256x52xf32, #tpu.memory_space<vmem>>, vector<16xf32>,
      tpu.vector_store %arg11[%swap3A_340, %swap3A_341], %gather3A_339 {strides = array<i32>} : memref<256x52xf32, #tpu.memory_space<vmem>>, vector<16xf32>,
      %gather3A_343 = tpu.vector_load_idx %arg8[%gather3A_335, %add3A_11] : memref<53x128xf32, #tpu.memory_space<vmem>>[vector<16xi32>, vector<16xi32>], vector<16xf32>,
      %swap3A_344 = arith.index_cast %add3A_325 : i32 to index
      %swap3A_345 = arith.constant 16 : index
      %swap3A_346 = tpu.vector_load %arg11[%swap3A_344, %swap3A_345] {strides = array<i32>} : memref<256x52xf32, #tpu.memory_space<vmem>>, vector<16xf32>,
      tpu.vector_store %arg11[%swap3A_344, %swap3A_345], %gather3A_343 {strides = array<i32>} : memref<256x52xf32, #tpu.memory_space<vmem>>, vector<16xf32>,
      %gather3A_347 = tpu.vector_load_idx %arg8[%gather3A_335, %add3A_14] : memref<53x128xf32, #tpu.memory_space<vmem>>[vector<16xi32>, vector<16xi32>], vector<16xf32>,
      %swap3A_348 = arith.index_cast %add3A_325 : i32 to index
      %swap3A_349 = arith.constant 32 : index
      %swap3A_350 = tpu.vector_load %arg11[%swap3A_348, %swap3A_349] {strides = array<i32>} : memref<256x52xf32, #tpu.memory_space<vmem>>, vector<16xf32>,
      tpu.vector_store %arg11[%swap3A_348, %swap3A_349], %gather3A_347 {strides = array<i32>} : memref<256x52xf32, #tpu.memory_space<vmem>>, vector<16xf32>,
      %gather3A_351 = tpu.vector_load_idx %arg8[%gather3A_335, %add3A_17] : memref<53x128xf32, #tpu.memory_space<vmem>>[vector<16xi32>, vector<16xi32>], vector<16xf32>,
      tpu.vector_store_idx %arg11[%broadcast_in_dim3A_336, %add3A_11], %gather3A_351 masked %lt3A_22 : memref<256x52xf32, #tpu.memory_space<vmem>>[vector<16xi32>, vector<16xi32>], vector<16xf32>, vector<16xi1>
      %add3A_352 = arith.constant 10 : i32
      %add3A_353 = arith.addi %mul3A_71, %add3A_352 : i32
      %lt3A_354 = arith.constant 0 : i32
      %lt3A_355 = vector.broadcast %lt3A_354 : i32 to vector<16xi32>
      %lt3A_356 = arith.cmpi slt, %broadcast_in_dim3A_43, %lt3A_355 : vector<16xi32>
      %add3A_357 = arith.constant 16 : i32
      %add3A_358 = vector.broadcast %add3A_357 : i32 to vector<16xi32>
      %add3A_359 = arith.addi %broadcast_in_dim3A_43, %add3A_358 : vector<16xi32>
      %select_n3A_360 = arith.select %lt3A_356, %add3A_359, %broadcast_in_dim3A_43 : vector<16xi1>, vector<16xi32>
      %broadcast_in_dim3A_361 = vector.shape_cast %select_n3A_360 : vector<16xi32> to vector<16x1xi32>
      %gather3A_362 = vector.shape_cast %broadcast_in_dim3A_361 : vector<16x1xi32> to vector<16xi32>
      %gather3A_363 = tpu.dynamic_gather %get3A_74[%gather3A_362] in [0] : vector<16xi32>, vector<16xi32> -> vector<16xi32>
      %broadcast_in_dim3A_364 = vector.broadcast %add3A_353 : i32 to vector<16xi32>
      %gather3A_365 = tpu.vector_load_idx %arg8[%gather3A_363, %iota3A] : memref<53x128xf32, #tpu.memory_space<vmem>>[vector<16xi32>, vector<16xi32>], vector<16xf32>,
      tpu.vector_store_idx %arg9[%broadcast_in_dim3A_364, %iota3A], %gather3A_365 masked %lt3A_19 : memref<256x13xf32, #tpu.memory_space<vmem>>[vector<16xi32>, vector<16xi32>], vector<16xf32>, vector<16xi1>
      %gather3A_366 = tpu.vector_load_idx %arg8[%gather3A_363, %add3A_5] : memref<53x128xf32, #tpu.memory_space<vmem>>[vector<16xi32>, vector<16xi32>], vector<16xf32>,
      tpu.vector_store_idx %arg10[%broadcast_in_dim3A_364, %iota3A], %gather3A_366 masked %lt3A_22 : memref<256x4xf32, #tpu.memory_space<vmem>>[vector<16xi32>, vector<16xi32>], vector<16xf32>, vector<16xi1>
      %gather3A_367 = tpu.vector_load_idx %arg8[%gather3A_363, %add3A_8] : memref<53x128xf32, #tpu.memory_space<vmem>>[vector<16xi32>, vector<16xi32>], vector<16xf32>,
      %swap3A_368 = arith.index_cast %add3A_353 : i32 to index
      %swap3A_369 = arith.constant 0 : index
      %swap3A_370 = tpu.vector_load %arg11[%swap3A_368, %swap3A_369] {strides = array<i32>} : memref<256x52xf32, #tpu.memory_space<vmem>>, vector<16xf32>,
      tpu.vector_store %arg11[%swap3A_368, %swap3A_369], %gather3A_367 {strides = array<i32>} : memref<256x52xf32, #tpu.memory_space<vmem>>, vector<16xf32>,
      %gather3A_371 = tpu.vector_load_idx %arg8[%gather3A_363, %add3A_11] : memref<53x128xf32, #tpu.memory_space<vmem>>[vector<16xi32>, vector<16xi32>], vector<16xf32>,
      %swap3A_372 = arith.index_cast %add3A_353 : i32 to index
      %swap3A_373 = arith.constant 16 : index
      %swap3A_374 = tpu.vector_load %arg11[%swap3A_372, %swap3A_373] {strides = array<i32>} : memref<256x52xf32, #tpu.memory_space<vmem>>, vector<16xf32>,
      tpu.vector_store %arg11[%swap3A_372, %swap3A_373], %gather3A_371 {strides = array<i32>} : memref<256x52xf32, #tpu.memory_space<vmem>>, vector<16xf32>,
      %gather3A_375 = tpu.vector_load_idx %arg8[%gather3A_363, %add3A_14] : memref<53x128xf32, #tpu.memory_space<vmem>>[vector<16xi32>, vector<16xi32>], vector<16xf32>,
      %swap3A_376 = arith.index_cast %add3A_353 : i32 to index
      %swap3A_377 = arith.constant 32 : index
      %swap3A_378 = tpu.vector_load %arg11[%swap3A_376, %swap3A_377] {strides = array<i32>} : memref<256x52xf32, #tpu.memory_space<vmem>>, vector<16xf32>,
      tpu.vector_store %arg11[%swap3A_376, %swap3A_377], %gather3A_375 {strides = array<i32>} : memref<256x52xf32, #tpu.memory_space<vmem>>, vector<16xf32>,
      %gather3A_379 = tpu.vector_load_idx %arg8[%gather3A_363, %add3A_17] : memref<53x128xf32, #tpu.memory_space<vmem>>[vector<16xi32>, vector<16xi32>], vector<16xf32>,
      tpu.vector_store_idx %arg11[%broadcast_in_dim3A_364, %add3A_11], %gather3A_379 masked %lt3A_22 : memref<256x52xf32, #tpu.memory_space<vmem>>[vector<16xi32>, vector<16xi32>], vector<16xf32>, vector<16xi1>
      %add3A_380 = arith.constant 11 : i32
      %add3A_381 = arith.addi %mul3A_71, %add3A_380 : i32
      %lt3A_382 = arith.constant 0 : i32
      %lt3A_383 = vector.broadcast %lt3A_382 : i32 to vector<16xi32>
      %lt3A_384 = arith.cmpi slt, %broadcast_in_dim3A_45, %lt3A_383 : vector<16xi32>
      %add3A_385 = arith.constant 16 : i32
      %add3A_386 = vector.broadcast %add3A_385 : i32 to vector<16xi32>
      %add3A_387 = arith.addi %broadcast_in_dim3A_45, %add3A_386 : vector<16xi32>
      %select_n3A_388 = arith.select %lt3A_384, %add3A_387, %broadcast_in_dim3A_45 : vector<16xi1>, vector<16xi32>
      %broadcast_in_dim3A_389 = vector.shape_cast %select_n3A_388 : vector<16xi32> to vector<16x1xi32>
      %gather3A_390 = vector.shape_cast %broadcast_in_dim3A_389 : vector<16x1xi32> to vector<16xi32>
      %gather3A_391 = tpu.dynamic_gather %get3A_74[%gather3A_390] in [0] : vector<16xi32>, vector<16xi32> -> vector<16xi32>
      %broadcast_in_dim3A_392 = vector.broadcast %add3A_381 : i32 to vector<16xi32>
      %gather3A_393 = tpu.vector_load_idx %arg8[%gather3A_391, %iota3A] : memref<53x128xf32, #tpu.memory_space<vmem>>[vector<16xi32>, vector<16xi32>], vector<16xf32>,
      tpu.vector_store_idx %arg9[%broadcast_in_dim3A_392, %iota3A], %gather3A_393 masked %lt3A_19 : memref<256x13xf32, #tpu.memory_space<vmem>>[vector<16xi32>, vector<16xi32>], vector<16xf32>, vector<16xi1>
      %gather3A_394 = tpu.vector_load_idx %arg8[%gather3A_391, %add3A_5] : memref<53x128xf32, #tpu.memory_space<vmem>>[vector<16xi32>, vector<16xi32>], vector<16xf32>,
      tpu.vector_store_idx %arg10[%broadcast_in_dim3A_392, %iota3A], %gather3A_394 masked %lt3A_22 : memref<256x4xf32, #tpu.memory_space<vmem>>[vector<16xi32>, vector<16xi32>], vector<16xf32>, vector<16xi1>
      %gather3A_395 = tpu.vector_load_idx %arg8[%gather3A_391, %add3A_8] : memref<53x128xf32, #tpu.memory_space<vmem>>[vector<16xi32>, vector<16xi32>], vector<16xf32>,
      %swap3A_396 = arith.index_cast %add3A_381 : i32 to index
      %swap3A_397 = arith.constant 0 : index
      %swap3A_398 = tpu.vector_load %arg11[%swap3A_396, %swap3A_397] {strides = array<i32>} : memref<256x52xf32, #tpu.memory_space<vmem>>, vector<16xf32>,
      tpu.vector_store %arg11[%swap3A_396, %swap3A_397], %gather3A_395 {strides = array<i32>} : memref<256x52xf32, #tpu.memory_space<vmem>>, vector<16xf32>,
      %gather3A_399 = tpu.vector_load_idx %arg8[%gather3A_391, %add3A_11] : memref<53x128xf32, #tpu.memory_space<vmem>>[vector<16xi32>, vector<16xi32>], vector<16xf32>,
      %swap3A_400 = arith.index_cast %add3A_381 : i32 to index
      %swap3A_401 = arith.constant 16 : index
      %swap3A_402 = tpu.vector_load %arg11[%swap3A_400, %swap3A_401] {strides = array<i32>} : memref<256x52xf32, #tpu.memory_space<vmem>>, vector<16xf32>,
      tpu.vector_store %arg11[%swap3A_400, %swap3A_401], %gather3A_399 {strides = array<i32>} : memref<256x52xf32, #tpu.memory_space<vmem>>, vector<16xf32>,
      %gather3A_403 = tpu.vector_load_idx %arg8[%gather3A_391, %add3A_14] : memref<53x128xf32, #tpu.memory_space<vmem>>[vector<16xi32>, vector<16xi32>], vector<16xf32>,
      %swap3A_404 = arith.index_cast %add3A_381 : i32 to index
      %swap3A_405 = arith.constant 32 : index
      %swap3A_406 = tpu.vector_load %arg11[%swap3A_404, %swap3A_405] {strides = array<i32>} : memref<256x52xf32, #tpu.memory_space<vmem>>, vector<16xf32>,
      tpu.vector_store %arg11[%swap3A_404, %swap3A_405], %gather3A_403 {strides = array<i32>} : memref<256x52xf32, #tpu.memory_space<vmem>>, vector<16xf32>,
      %gather3A_407 = tpu.vector_load_idx %arg8[%gather3A_391, %add3A_17] : memref<53x128xf32, #tpu.memory_space<vmem>>[vector<16xi32>, vector<16xi32>], vector<16xf32>,
      tpu.vector_store_idx %arg11[%broadcast_in_dim3A_392, %add3A_11], %gather3A_407 masked %lt3A_22 : memref<256x52xf32, #tpu.memory_space<vmem>>[vector<16xi32>, vector<16xi32>], vector<16xf32>, vector<16xi1>
      %add3A_408 = arith.constant 12 : i32
      %add3A_409 = arith.addi %mul3A_71, %add3A_408 : i32
      %lt3A_410 = arith.constant 0 : i32
      %lt3A_411 = vector.broadcast %lt3A_410 : i32 to vector<16xi32>
      %lt3A_412 = arith.cmpi slt, %broadcast_in_dim3A_47, %lt3A_411 : vector<16xi32>
      %add3A_413 = arith.constant 16 : i32
      %add3A_414 = vector.broadcast %add3A_413 : i32 to vector<16xi32>
      %add3A_415 = arith.addi %broadcast_in_dim3A_47, %add3A_414 : vector<16xi32>
      %select_n3A_416 = arith.select %lt3A_412, %add3A_415, %broadcast_in_dim3A_47 : vector<16xi1>, vector<16xi32>
      %broadcast_in_dim3A_417 = vector.shape_cast %select_n3A_416 : vector<16xi32> to vector<16x1xi32>
      %gather3A_418 = vector.shape_cast %broadcast_in_dim3A_417 : vector<16x1xi32> to vector<16xi32>
      %gather3A_419 = tpu.dynamic_gather %get3A_74[%gather3A_418] in [0] : vector<16xi32>, vector<16xi32> -> vector<16xi32>
      %broadcast_in_dim3A_420 = vector.broadcast %add3A_409 : i32 to vector<16xi32>
      %gather3A_421 = tpu.vector_load_idx %arg8[%gather3A_419, %iota3A] : memref<53x128xf32, #tpu.memory_space<vmem>>[vector<16xi32>, vector<16xi32>], vector<16xf32>,
      tpu.vector_store_idx %arg9[%broadcast_in_dim3A_420, %iota3A], %gather3A_421 masked %lt3A_19 : memref<256x13xf32, #tpu.memory_space<vmem>>[vector<16xi32>, vector<16xi32>], vector<16xf32>, vector<16xi1>
      %gather3A_422 = tpu.vector_load_idx %arg8[%gather3A_419, %add3A_5] : memref<53x128xf32, #tpu.memory_space<vmem>>[vector<16xi32>, vector<16xi32>], vector<16xf32>,
      tpu.vector_store_idx %arg10[%broadcast_in_dim3A_420, %iota3A], %gather3A_422 masked %lt3A_22 : memref<256x4xf32, #tpu.memory_space<vmem>>[vector<16xi32>, vector<16xi32>], vector<16xf32>, vector<16xi1>
      %gather3A_423 = tpu.vector_load_idx %arg8[%gather3A_419, %add3A_8] : memref<53x128xf32, #tpu.memory_space<vmem>>[vector<16xi32>, vector<16xi32>], vector<16xf32>,
      %swap3A_424 = arith.index_cast %add3A_409 : i32 to index
      %swap3A_425 = arith.constant 0 : index
      %swap3A_426 = tpu.vector_load %arg11[%swap3A_424, %swap3A_425] {strides = array<i32>} : memref<256x52xf32, #tpu.memory_space<vmem>>, vector<16xf32>,
      tpu.vector_store %arg11[%swap3A_424, %swap3A_425], %gather3A_423 {strides = array<i32>} : memref<256x52xf32, #tpu.memory_space<vmem>>, vector<16xf32>,
      %gather3A_427 = tpu.vector_load_idx %arg8[%gather3A_419, %add3A_11] : memref<53x128xf32, #tpu.memory_space<vmem>>[vector<16xi32>, vector<16xi32>], vector<16xf32>,
      %swap3A_428 = arith.index_cast %add3A_409 : i32 to index
      %swap3A_429 = arith.constant 16 : index
      %swap3A_430 = tpu.vector_load %arg11[%swap3A_428, %swap3A_429] {strides = array<i32>} : memref<256x52xf32, #tpu.memory_space<vmem>>, vector<16xf32>,
      tpu.vector_store %arg11[%swap3A_428, %swap3A_429], %gather3A_427 {strides = array<i32>} : memref<256x52xf32, #tpu.memory_space<vmem>>, vector<16xf32>,
      %gather3A_431 = tpu.vector_load_idx %arg8[%gather3A_419, %add3A_14] : memref<53x128xf32, #tpu.memory_space<vmem>>[vector<16xi32>, vector<16xi32>], vector<16xf32>,
      %swap3A_432 = arith.index_cast %add3A_409 : i32 to index
      %swap3A_433 = arith.constant 32 : index
      %swap3A_434 = tpu.vector_load %arg11[%swap3A_432, %swap3A_433] {strides = array<i32>} : memref<256x52xf32, #tpu.memory_space<vmem>>, vector<16xf32>,
      tpu.vector_store %arg11[%swap3A_432, %swap3A_433], %gather3A_431 {strides = array<i32>} : memref<256x52xf32, #tpu.memory_space<vmem>>, vector<16xf32>,
      %gather3A_435 = tpu.vector_load_idx %arg8[%gather3A_419, %add3A_17] : memref<53x128xf32, #tpu.memory_space<vmem>>[vector<16xi32>, vector<16xi32>], vector<16xf32>,
      tpu.vector_store_idx %arg11[%broadcast_in_dim3A_420, %add3A_11], %gather3A_435 masked %lt3A_22 : memref<256x52xf32, #tpu.memory_space<vmem>>[vector<16xi32>, vector<16xi32>], vector<16xf32>, vector<16xi1>
      %add3A_436 = arith.constant 13 : i32
      %add3A_437 = arith.addi %mul3A_71, %add3A_436 : i32
      %lt3A_438 = arith.constant 0 : i32
      %lt3A_439 = vector.broadcast %lt3A_438 : i32 to vector<16xi32>
      %lt3A_440 = arith.cmpi slt, %broadcast_in_dim3A_49, %lt3A_439 : vector<16xi32>
      %add3A_441 = arith.constant 16 : i32
      %add3A_442 = vector.broadcast %add3A_441 : i32 to vector<16xi32>
      %add3A_443 = arith.addi %broadcast_in_dim3A_49, %add3A_442 : vector<16xi32>
      %select_n3A_444 = arith.select %lt3A_440, %add3A_443, %broadcast_in_dim3A_49 : vector<16xi1>, vector<16xi32>
      %broadcast_in_dim3A_445 = vector.shape_cast %select_n3A_444 : vector<16xi32> to vector<16x1xi32>
      %gather3A_446 = vector.shape_cast %broadcast_in_dim3A_445 : vector<16x1xi32> to vector<16xi32>
      %gather3A_447 = tpu.dynamic_gather %get3A_74[%gather3A_446] in [0] : vector<16xi32>, vector<16xi32> -> vector<16xi32>
      %broadcast_in_dim3A_448 = vector.broadcast %add3A_437 : i32 to vector<16xi32>
      %gather3A_449 = tpu.vector_load_idx %arg8[%gather3A_447, %iota3A] : memref<53x128xf32, #tpu.memory_space<vmem>>[vector<16xi32>, vector<16xi32>], vector<16xf32>,
      tpu.vector_store_idx %arg9[%broadcast_in_dim3A_448, %iota3A], %gather3A_449 masked %lt3A_19 : memref<256x13xf32, #tpu.memory_space<vmem>>[vector<16xi32>, vector<16xi32>], vector<16xf32>, vector<16xi1>
      %gather3A_450 = tpu.vector_load_idx %arg8[%gather3A_447, %add3A_5] : memref<53x128xf32, #tpu.memory_space<vmem>>[vector<16xi32>, vector<16xi32>], vector<16xf32>,
      tpu.vector_store_idx %arg10[%broadcast_in_dim3A_448, %iota3A], %gather3A_450 masked %lt3A_22 : memref<256x4xf32, #tpu.memory_space<vmem>>[vector<16xi32>, vector<16xi32>], vector<16xf32>, vector<16xi1>
      %gather3A_451 = tpu.vector_load_idx %arg8[%gather3A_447, %add3A_8] : memref<53x128xf32, #tpu.memory_space<vmem>>[vector<16xi32>, vector<16xi32>], vector<16xf32>,
      %swap3A_452 = arith.index_cast %add3A_437 : i32 to index
      %swap3A_453 = arith.constant 0 : index
      %swap3A_454 = tpu.vector_load %arg11[%swap3A_452, %swap3A_453] {strides = array<i32>} : memref<256x52xf32, #tpu.memory_space<vmem>>, vector<16xf32>,
      tpu.vector_store %arg11[%swap3A_452, %swap3A_453], %gather3A_451 {strides = array<i32>} : memref<256x52xf32, #tpu.memory_space<vmem>>, vector<16xf32>,
      %gather3A_455 = tpu.vector_load_idx %arg8[%gather3A_447, %add3A_11] : memref<53x128xf32, #tpu.memory_space<vmem>>[vector<16xi32>, vector<16xi32>], vector<16xf32>,
      %swap3A_456 = arith.index_cast %add3A_437 : i32 to index
      %swap3A_457 = arith.constant 16 : index
      %swap3A_458 = tpu.vector_load %arg11[%swap3A_456, %swap3A_457] {strides = array<i32>} : memref<256x52xf32, #tpu.memory_space<vmem>>, vector<16xf32>,
      tpu.vector_store %arg11[%swap3A_456, %swap3A_457], %gather3A_455 {strides = array<i32>} : memref<256x52xf32, #tpu.memory_space<vmem>>, vector<16xf32>,
      %gather3A_459 = tpu.vector_load_idx %arg8[%gather3A_447, %add3A_14] : memref<53x128xf32, #tpu.memory_space<vmem>>[vector<16xi32>, vector<16xi32>], vector<16xf32>,
      %swap3A_460 = arith.index_cast %add3A_437 : i32 to index
      %swap3A_461 = arith.constant 32 : index
      %swap3A_462 = tpu.vector_load %arg11[%swap3A_460, %swap3A_461] {strides = array<i32>} : memref<256x52xf32, #tpu.memory_space<vmem>>, vector<16xf32>,
      tpu.vector_store %arg11[%swap3A_460, %swap3A_461], %gather3A_459 {strides = array<i32>} : memref<256x52xf32, #tpu.memory_space<vmem>>, vector<16xf32>,
      %gather3A_463 = tpu.vector_load_idx %arg8[%gather3A_447, %add3A_17] : memref<53x128xf32, #tpu.memory_space<vmem>>[vector<16xi32>, vector<16xi32>], vector<16xf32>,
      tpu.vector_store_idx %arg11[%broadcast_in_dim3A_448, %add3A_11], %gather3A_463 masked %lt3A_22 : memref<256x52xf32, #tpu.memory_space<vmem>>[vector<16xi32>, vector<16xi32>], vector<16xf32>, vector<16xi1>
      %add3A_464 = arith.constant 14 : i32
      %add3A_465 = arith.addi %mul3A_71, %add3A_464 : i32
      %lt3A_466 = arith.constant 0 : i32
      %lt3A_467 = vector.broadcast %lt3A_466 : i32 to vector<16xi32>
      %lt3A_468 = arith.cmpi slt, %broadcast_in_dim3A_51, %lt3A_467 : vector<16xi32>
      %add3A_469 = arith.constant 16 : i32
      %add3A_470 = vector.broadcast %add3A_469 : i32 to vector<16xi32>
      %add3A_471 = arith.addi %broadcast_in_dim3A_51, %add3A_470 : vector<16xi32>
      %select_n3A_472 = arith.select %lt3A_468, %add3A_471, %broadcast_in_dim3A_51 : vector<16xi1>, vector<16xi32>
      %broadcast_in_dim3A_473 = vector.shape_cast %select_n3A_472 : vector<16xi32> to vector<16x1xi32>
      %gather3A_474 = vector.shape_cast %broadcast_in_dim3A_473 : vector<16x1xi32> to vector<16xi32>
      %gather3A_475 = tpu.dynamic_gather %get3A_74[%gather3A_474] in [0] : vector<16xi32>, vector<16xi32> -> vector<16xi32>
      %broadcast_in_dim3A_476 = vector.broadcast %add3A_465 : i32 to vector<16xi32>
      %gather3A_477 = tpu.vector_load_idx %arg8[%gather3A_475, %iota3A] : memref<53x128xf32, #tpu.memory_space<vmem>>[vector<16xi32>, vector<16xi32>], vector<16xf32>,
      tpu.vector_store_idx %arg9[%broadcast_in_dim3A_476, %iota3A], %gather3A_477 masked %lt3A_19 : memref<256x13xf32, #tpu.memory_space<vmem>>[vector<16xi32>, vector<16xi32>], vector<16xf32>, vector<16xi1>
      %gather3A_478 = tpu.vector_load_idx %arg8[%gather3A_475, %add3A_5] : memref<53x128xf32, #tpu.memory_space<vmem>>[vector<16xi32>, vector<16xi32>], vector<16xf32>,
      tpu.vector_store_idx %arg10[%broadcast_in_dim3A_476, %iota3A], %gather3A_478 masked %lt3A_22 : memref<256x4xf32, #tpu.memory_space<vmem>>[vector<16xi32>, vector<16xi32>], vector<16xf32>, vector<16xi1>
      %gather3A_479 = tpu.vector_load_idx %arg8[%gather3A_475, %add3A_8] : memref<53x128xf32, #tpu.memory_space<vmem>>[vector<16xi32>, vector<16xi32>], vector<16xf32>,
      %swap3A_480 = arith.index_cast %add3A_465 : i32 to index
      %swap3A_481 = arith.constant 0 : index
      %swap3A_482 = tpu.vector_load %arg11[%swap3A_480, %swap3A_481] {strides = array<i32>} : memref<256x52xf32, #tpu.memory_space<vmem>>, vector<16xf32>,
      tpu.vector_store %arg11[%swap3A_480, %swap3A_481], %gather3A_479 {strides = array<i32>} : memref<256x52xf32, #tpu.memory_space<vmem>>, vector<16xf32>,
      %gather3A_483 = tpu.vector_load_idx %arg8[%gather3A_475, %add3A_11] : memref<53x128xf32, #tpu.memory_space<vmem>>[vector<16xi32>, vector<16xi32>], vector<16xf32>,
      %swap3A_484 = arith.index_cast %add3A_465 : i32 to index
      %swap3A_485 = arith.constant 16 : index
      %swap3A_486 = tpu.vector_load %arg11[%swap3A_484, %swap3A_485] {strides = array<i32>} : memref<256x52xf32, #tpu.memory_space<vmem>>, vector<16xf32>,
      tpu.vector_store %arg11[%swap3A_484, %swap3A_485], %gather3A_483 {strides = array<i32>} : memref<256x52xf32, #tpu.memory_space<vmem>>, vector<16xf32>,
      %gather3A_487 = tpu.vector_load_idx %arg8[%gather3A_475, %add3A_14] : memref<53x128xf32, #tpu.memory_space<vmem>>[vector<16xi32>, vector<16xi32>], vector<16xf32>,
      %swap3A_488 = arith.index_cast %add3A_465 : i32 to index
      %swap3A_489 = arith.constant 32 : index
      %swap3A_490 = tpu.vector_load %arg11[%swap3A_488, %swap3A_489] {strides = array<i32>} : memref<256x52xf32, #tpu.memory_space<vmem>>, vector<16xf32>,
      tpu.vector_store %arg11[%swap3A_488, %swap3A_489], %gather3A_487 {strides = array<i32>} : memref<256x52xf32, #tpu.memory_space<vmem>>, vector<16xf32>,
      %gather3A_491 = tpu.vector_load_idx %arg8[%gather3A_475, %add3A_17] : memref<53x128xf32, #tpu.memory_space<vmem>>[vector<16xi32>, vector<16xi32>], vector<16xf32>,
      tpu.vector_store_idx %arg11[%broadcast_in_dim3A_476, %add3A_11], %gather3A_491 masked %lt3A_22 : memref<256x52xf32, #tpu.memory_space<vmem>>[vector<16xi32>, vector<16xi32>], vector<16xf32>, vector<16xi1>
      %add3A_492 = arith.constant 15 : i32
      %add3A_493 = arith.addi %mul3A_71, %add3A_492 : i32
      %lt3A_494 = arith.constant 0 : i32
      %lt3A_495 = vector.broadcast %lt3A_494 : i32 to vector<16xi32>
      %lt3A_496 = arith.cmpi slt, %broadcast_in_dim3A_53, %lt3A_495 : vector<16xi32>
      %add3A_497 = arith.constant 16 : i32
      %add3A_498 = vector.broadcast %add3A_497 : i32 to vector<16xi32>
      %add3A_499 = arith.addi %broadcast_in_dim3A_53, %add3A_498 : vector<16xi32>
      %select_n3A_500 = arith.select %lt3A_496, %add3A_499, %broadcast_in_dim3A_53 : vector<16xi1>, vector<16xi32>
      %broadcast_in_dim3A_501 = vector.shape_cast %select_n3A_500 : vector<16xi32> to vector<16x1xi32>
      %gather3A_502 = vector.shape_cast %broadcast_in_dim3A_501 : vector<16x1xi32> to vector<16xi32>
      %gather3A_503 = tpu.dynamic_gather %get3A_74[%gather3A_502] in [0] : vector<16xi32>, vector<16xi32> -> vector<16xi32>
      %broadcast_in_dim3A_504 = vector.broadcast %add3A_493 : i32 to vector<16xi32>
      %gather3A_505 = tpu.vector_load_idx %arg8[%gather3A_503, %iota3A] : memref<53x128xf32, #tpu.memory_space<vmem>>[vector<16xi32>, vector<16xi32>], vector<16xf32>,
      tpu.vector_store_idx %arg9[%broadcast_in_dim3A_504, %iota3A], %gather3A_505 masked %lt3A_19 : memref<256x13xf32, #tpu.memory_space<vmem>>[vector<16xi32>, vector<16xi32>], vector<16xf32>, vector<16xi1>
      %gather3A_506 = tpu.vector_load_idx %arg8[%gather3A_503, %add3A_5] : memref<53x128xf32, #tpu.memory_space<vmem>>[vector<16xi32>, vector<16xi32>], vector<16xf32>,
      tpu.vector_store_idx %arg10[%broadcast_in_dim3A_504, %iota3A], %gather3A_506 masked %lt3A_22 : memref<256x4xf32, #tpu.memory_space<vmem>>[vector<16xi32>, vector<16xi32>], vector<16xf32>, vector<16xi1>
      %gather3A_507 = tpu.vector_load_idx %arg8[%gather3A_503, %add3A_8] : memref<53x128xf32, #tpu.memory_space<vmem>>[vector<16xi32>, vector<16xi32>], vector<16xf32>,
      %swap3A_508 = arith.index_cast %add3A_493 : i32 to index
      %swap3A_509 = arith.constant 0 : index
      %swap3A_510 = tpu.vector_load %arg11[%swap3A_508, %swap3A_509] {strides = array<i32>} : memref<256x52xf32, #tpu.memory_space<vmem>>, vector<16xf32>,
      tpu.vector_store %arg11[%swap3A_508, %swap3A_509], %gather3A_507 {strides = array<i32>} : memref<256x52xf32, #tpu.memory_space<vmem>>, vector<16xf32>,
      %gather3A_511 = tpu.vector_load_idx %arg8[%gather3A_503, %add3A_11] : memref<53x128xf32, #tpu.memory_space<vmem>>[vector<16xi32>, vector<16xi32>], vector<16xf32>,
      %swap3A_512 = arith.index_cast %add3A_493 : i32 to index
      %swap3A_513 = arith.constant 16 : index
      %swap3A_514 = tpu.vector_load %arg11[%swap3A_512, %swap3A_513] {strides = array<i32>} : memref<256x52xf32, #tpu.memory_space<vmem>>, vector<16xf32>,
      tpu.vector_store %arg11[%swap3A_512, %swap3A_513], %gather3A_511 {strides = array<i32>} : memref<256x52xf32, #tpu.memory_space<vmem>>, vector<16xf32>,
      %gather3A_515 = tpu.vector_load_idx %arg8[%gather3A_503, %add3A_14] : memref<53x128xf32, #tpu.memory_space<vmem>>[vector<16xi32>, vector<16xi32>], vector<16xf32>,
      %swap3A_516 = arith.index_cast %add3A_493 : i32 to index
      %swap3A_517 = arith.constant 32 : index
      %swap3A_518 = tpu.vector_load %arg11[%swap3A_516, %swap3A_517] {strides = array<i32>} : memref<256x52xf32, #tpu.memory_space<vmem>>, vector<16xf32>,
      tpu.vector_store %arg11[%swap3A_516, %swap3A_517], %gather3A_515 {strides = array<i32>} : memref<256x52xf32, #tpu.memory_space<vmem>>, vector<16xf32>,
      %gather3A_519 = tpu.vector_load_idx %arg8[%gather3A_503, %add3A_17] : memref<53x128xf32, #tpu.memory_space<vmem>>[vector<16xi32>, vector<16xi32>], vector<16xf32>,
      tpu.vector_store_idx %arg11[%broadcast_in_dim3A_504, %add3A_11], %gather3A_519 masked %lt3A_22 : memref<256x52xf32, #tpu.memory_space<vmem>>[vector<16xi32>, vector<16xi32>], vector<16xf32>, vector<16xi1>
    }
    %scan3A_58 = arith.constant 16 : i32
    %add3A_59 = arith.constant 0 : i32
    %add3A_60 = arith.addi %mul3A_2, %add3A_59 : i32
    "tpu.region"() ({
      %run_scoped3A = tpu.sem_alloc : memref<!tpu.dma_semaphore, #tpu.memory_space<semaphore_mem>>
      %dma_start3A = arith.constant 0 : i32
      %dma_start3A_69 = tpu.memref_slice %arg4[%add3A_60, %dma_start3A] : memref<16384x13xf32, #tpu.memory_space<hbm>> -> memref<256x13xf32, #tpu.memory_space<hbm>>
      %dma_start3A_70 = arith.constant 0 : i32
      %dma_start3A_71 = tpu.memref_slice %arg4[%add3A_60, %dma_start3A_70] : memref<16384x13xf32, #tpu.memory_space<hbm>> -> memref<256x13xf32, #tpu.memory_space<hbm>>
      tpu.enqueue_dma source(%arg9 : memref<256x13xf32, #tpu.memory_space<vmem>>) target(%dma_start3A_71 : memref<256x13xf32, #tpu.memory_space<hbm>>) target_semaphore(%run_scoped3A : memref<!tpu.dma_semaphore, #tpu.memory_space<semaphore_mem>>)
      %dma_wait3A = arith.constant 0 : i32
      %dma_wait3A_72 = tpu.memref_slice %arg4[%add3A_60, %dma_wait3A] : memref<16384x13xf32, #tpu.memory_space<hbm>> -> memref<256x13xf32, #tpu.memory_space<hbm>>
      %dma_wait3A_73 = arith.constant 0 : i32
      %dma_wait3A_74 = tpu.memref_slice %arg4[%add3A_60, %dma_wait3A_73] : memref<16384x13xf32, #tpu.memory_space<hbm>> -> memref<256x13xf32, #tpu.memory_space<hbm>>
      tpu.wait_dma2 semaphore(%run_scoped3A : memref<!tpu.dma_semaphore, #tpu.memory_space<semaphore_mem>>) src(%arg9 : memref<256x13xf32, #tpu.memory_space<vmem>>) dst(%dma_wait3A_74 : memref<256x13xf32, #tpu.memory_space<hbm>>)
      tpu.yield
    }) : () -> ()
    "tpu.region"() ({
      %run_scoped3A = tpu.sem_alloc : memref<!tpu.dma_semaphore, #tpu.memory_space<semaphore_mem>>
      %dma_start3A = arith.constant 0 : i32
      %dma_start3A_69 = tpu.memref_slice %arg5[%add3A_60, %dma_start3A] : memref<16384x4xf32, #tpu.memory_space<hbm>> -> memref<256x4xf32, #tpu.memory_space<hbm>>
      %dma_start3A_70 = arith.constant 0 : i32
      %dma_start3A_71 = tpu.memref_slice %arg5[%add3A_60, %dma_start3A_70] : memref<16384x4xf32, #tpu.memory_space<hbm>> -> memref<256x4xf32, #tpu.memory_space<hbm>>
      tpu.enqueue_dma source(%arg10 : memref<256x4xf32, #tpu.memory_space<vmem>>) target(%dma_start3A_71 : memref<256x4xf32, #tpu.memory_space<hbm>>) target_semaphore(%run_scoped3A : memref<!tpu.dma_semaphore, #tpu.memory_space<semaphore_mem>>)
      %dma_wait3A = arith.constant 0 : i32
      %dma_wait3A_72 = tpu.memref_slice %arg5[%add3A_60, %dma_wait3A] : memref<16384x4xf32, #tpu.memory_space<hbm>> -> memref<256x4xf32, #tpu.memory_space<hbm>>
      %dma_wait3A_73 = arith.constant 0 : i32
      %dma_wait3A_74 = tpu.memref_slice %arg5[%add3A_60, %dma_wait3A_73] : memref<16384x4xf32, #tpu.memory_space<hbm>> -> memref<256x4xf32, #tpu.memory_space<hbm>>
      tpu.wait_dma2 semaphore(%run_scoped3A : memref<!tpu.dma_semaphore, #tpu.memory_space<semaphore_mem>>) src(%arg10 : memref<256x4xf32, #tpu.memory_space<vmem>>) dst(%dma_wait3A_74 : memref<256x4xf32, #tpu.memory_space<hbm>>)
      tpu.yield
    }) : () -> ()
    "tpu.region"() ({
      %run_scoped3A = tpu.sem_alloc : memref<!tpu.dma_semaphore, #tpu.memory_space<semaphore_mem>>
      %dma_start3A = arith.constant 0 : i32
      %dma_start3A_69 = tpu.memref_slice %arg6[%add3A_60, %dma_start3A] : memref<16384x52xf32, #tpu.memory_space<hbm>> -> memref<256x52xf32, #tpu.memory_space<hbm>>
      %dma_start3A_70 = arith.constant 0 : i32
      %dma_start3A_71 = tpu.memref_slice %arg6[%add3A_60, %dma_start3A_70] : memref<16384x52xf32, #tpu.memory_space<hbm>> -> memref<256x52xf32, #tpu.memory_space<hbm>>
      tpu.enqueue_dma source(%arg11 : memref<256x52xf32, #tpu.memory_space<vmem>>) target(%dma_start3A_71 : memref<256x52xf32, #tpu.memory_space<hbm>>) target_semaphore(%run_scoped3A : memref<!tpu.dma_semaphore, #tpu.memory_space<semaphore_mem>>)
      %dma_wait3A = arith.constant 0 : i32
      %dma_wait3A_72 = tpu.memref_slice %arg6[%add3A_60, %dma_wait3A] : memref<16384x52xf32, #tpu.memory_space<hbm>> -> memref<256x52xf32, #tpu.memory_space<hbm>>
      %dma_wait3A_73 = arith.constant 0 : i32
      %dma_wait3A_74 = tpu.memref_slice %arg6[%add3A_60, %dma_wait3A_73] : memref<16384x52xf32, #tpu.memory_space<hbm>> -> memref<256x52xf32, #tpu.memory_space<hbm>>
      tpu.wait_dma2 semaphore(%run_scoped3A : memref<!tpu.dma_semaphore, #tpu.memory_space<semaphore_mem>>) src(%arg11 : memref<256x52xf32, #tpu.memory_space<vmem>>) dst(%dma_wait3A_74 : memref<256x52xf32, #tpu.memory_space<hbm>>)
      tpu.yield
    }) : () -> ()
    %scan3A_61 = arith.constant 0 : i32
    %scan3A_62 = arith.constant 0 : i32
    %scan3A_63 = arith.constant 16 : i32
    %scan3A_64 = arith.addi %scan3A_62, %scan3A_63 : i32
    %scan3A_65 = arith.constant 1 : i32
    scf.for %scan3A_69 = %scan3A_62 to %scan3A_64 step %scan3A_65  : i32 {
      %mul3A_70 = arith.constant 16 : i32
      %mul3A_71 = arith.muli %scan3A_69, %mul3A_70 : i32
      %add3A_72 = arith.constant 256 : i32
      %add3A_73 = arith.addi %add3A_72, %mul3A_71 : i32
      %get3A = arith.index_cast %add3A_73 : i32 to index
      %get3A_74 = tpu.vector_load %arg7[%get3A] {strides = array<i32>} : memref<512xi32, #tpu.memory_space<vmem>>, vector<16xi32>,
      %add3A_75 = arith.constant 0 : i32
      %add3A_76 = arith.addi %mul3A_71, %add3A_75 : i32
      %lt3A_77 = arith.constant 0 : i32
      %lt3A_78 = vector.broadcast %lt3A_77 : i32 to vector<16xi32>
      %lt3A_79 = arith.cmpi slt, %broadcast_in_dim3A_23, %lt3A_78 : vector<16xi32>
      %add3A_80 = arith.constant 16 : i32
      %add3A_81 = vector.broadcast %add3A_80 : i32 to vector<16xi32>
      %add3A_82 = arith.addi %broadcast_in_dim3A_23, %add3A_81 : vector<16xi32>
      %select_n3A = arith.select %lt3A_79, %add3A_82, %broadcast_in_dim3A_23 : vector<16xi1>, vector<16xi32>
      %broadcast_in_dim3A_83 = vector.shape_cast %select_n3A : vector<16xi32> to vector<16x1xi32>
      %gather3A = vector.shape_cast %broadcast_in_dim3A_83 : vector<16x1xi32> to vector<16xi32>
      %gather3A_84 = tpu.dynamic_gather %get3A_74[%gather3A] in [0] : vector<16xi32>, vector<16xi32> -> vector<16xi32>
      %broadcast_in_dim3A_85 = vector.broadcast %add3A_76 : i32 to vector<16xi32>
      %gather3A_86 = tpu.vector_load_idx %arg8[%gather3A_84, %iota3A] : memref<53x128xf32, #tpu.memory_space<vmem>>[vector<16xi32>, vector<16xi32>], vector<16xf32>,
      tpu.vector_store_idx %arg9[%broadcast_in_dim3A_85, %iota3A], %gather3A_86 masked %lt3A_19 : memref<256x13xf32, #tpu.memory_space<vmem>>[vector<16xi32>, vector<16xi32>], vector<16xf32>, vector<16xi1>
      %gather3A_87 = tpu.vector_load_idx %arg8[%gather3A_84, %add3A_5] : memref<53x128xf32, #tpu.memory_space<vmem>>[vector<16xi32>, vector<16xi32>], vector<16xf32>,
      tpu.vector_store_idx %arg10[%broadcast_in_dim3A_85, %iota3A], %gather3A_87 masked %lt3A_22 : memref<256x4xf32, #tpu.memory_space<vmem>>[vector<16xi32>, vector<16xi32>], vector<16xf32>, vector<16xi1>
      %gather3A_88 = tpu.vector_load_idx %arg8[%gather3A_84, %add3A_8] : memref<53x128xf32, #tpu.memory_space<vmem>>[vector<16xi32>, vector<16xi32>], vector<16xf32>,
      %swap3A = arith.index_cast %add3A_76 : i32 to index
      %swap3A_89 = arith.constant 0 : index
      %swap3A_90 = tpu.vector_load %arg11[%swap3A, %swap3A_89] {strides = array<i32>} : memref<256x52xf32, #tpu.memory_space<vmem>>, vector<16xf32>,
      tpu.vector_store %arg11[%swap3A, %swap3A_89], %gather3A_88 {strides = array<i32>} : memref<256x52xf32, #tpu.memory_space<vmem>>, vector<16xf32>,
      %gather3A_91 = tpu.vector_load_idx %arg8[%gather3A_84, %add3A_11] : memref<53x128xf32, #tpu.memory_space<vmem>>[vector<16xi32>, vector<16xi32>], vector<16xf32>,
      %swap3A_92 = arith.index_cast %add3A_76 : i32 to index
      %swap3A_93 = arith.constant 16 : index
      %swap3A_94 = tpu.vector_load %arg11[%swap3A_92, %swap3A_93] {strides = array<i32>} : memref<256x52xf32, #tpu.memory_space<vmem>>, vector<16xf32>,
      tpu.vector_store %arg11[%swap3A_92, %swap3A_93], %gather3A_91 {strides = array<i32>} : memref<256x52xf32, #tpu.memory_space<vmem>>, vector<16xf32>,
      %gather3A_95 = tpu.vector_load_idx %arg8[%gather3A_84, %add3A_14] : memref<53x128xf32, #tpu.memory_space<vmem>>[vector<16xi32>, vector<16xi32>], vector<16xf32>,
      %swap3A_96 = arith.index_cast %add3A_76 : i32 to index
      %swap3A_97 = arith.constant 32 : index
      %swap3A_98 = tpu.vector_load %arg11[%swap3A_96, %swap3A_97] {strides = array<i32>} : memref<256x52xf32, #tpu.memory_space<vmem>>, vector<16xf32>,
      tpu.vector_store %arg11[%swap3A_96, %swap3A_97], %gather3A_95 {strides = array<i32>} : memref<256x52xf32, #tpu.memory_space<vmem>>, vector<16xf32>,
      %gather3A_99 = tpu.vector_load_idx %arg8[%gather3A_84, %add3A_17] : memref<53x128xf32, #tpu.memory_space<vmem>>[vector<16xi32>, vector<16xi32>], vector<16xf32>,
      tpu.vector_store_idx %arg11[%broadcast_in_dim3A_85, %add3A_11], %gather3A_99 masked %lt3A_22 : memref<256x52xf32, #tpu.memory_space<vmem>>[vector<16xi32>, vector<16xi32>], vector<16xf32>, vector<16xi1>
      %add3A_100 = arith.constant 1 : i32
      %add3A_101 = arith.addi %mul3A_71, %add3A_100 : i32
      %lt3A_102 = arith.constant 0 : i32
      %lt3A_103 = vector.broadcast %lt3A_102 : i32 to vector<16xi32>
      %lt3A_104 = arith.cmpi slt, %broadcast_in_dim3A_25, %lt3A_103 : vector<16xi32>
      %add3A_105 = arith.constant 16 : i32
      %add3A_106 = vector.broadcast %add3A_105 : i32 to vector<16xi32>
      %add3A_107 = arith.addi %broadcast_in_dim3A_25, %add3A_106 : vector<16xi32>
      %select_n3A_108 = arith.select %lt3A_104, %add3A_107, %broadcast_in_dim3A_25 : vector<16xi1>, vector<16xi32>
      %broadcast_in_dim3A_109 = vector.shape_cast %select_n3A_108 : vector<16xi32> to vector<16x1xi32>
      %gather3A_110 = vector.shape_cast %broadcast_in_dim3A_109 : vector<16x1xi32> to vector<16xi32>
      %gather3A_111 = tpu.dynamic_gather %get3A_74[%gather3A_110] in [0] : vector<16xi32>, vector<16xi32> -> vector<16xi32>
      %broadcast_in_dim3A_112 = vector.broadcast %add3A_101 : i32 to vector<16xi32>
      %gather3A_113 = tpu.vector_load_idx %arg8[%gather3A_111, %iota3A] : memref<53x128xf32, #tpu.memory_space<vmem>>[vector<16xi32>, vector<16xi32>], vector<16xf32>,
      tpu.vector_store_idx %arg9[%broadcast_in_dim3A_112, %iota3A], %gather3A_113 masked %lt3A_19 : memref<256x13xf32, #tpu.memory_space<vmem>>[vector<16xi32>, vector<16xi32>], vector<16xf32>, vector<16xi1>
      %gather3A_114 = tpu.vector_load_idx %arg8[%gather3A_111, %add3A_5] : memref<53x128xf32, #tpu.memory_space<vmem>>[vector<16xi32>, vector<16xi32>], vector<16xf32>,
      tpu.vector_store_idx %arg10[%broadcast_in_dim3A_112, %iota3A], %gather3A_114 masked %lt3A_22 : memref<256x4xf32, #tpu.memory_space<vmem>>[vector<16xi32>, vector<16xi32>], vector<16xf32>, vector<16xi1>
      %gather3A_115 = tpu.vector_load_idx %arg8[%gather3A_111, %add3A_8] : memref<53x128xf32, #tpu.memory_space<vmem>>[vector<16xi32>, vector<16xi32>], vector<16xf32>,
      %swap3A_116 = arith.index_cast %add3A_101 : i32 to index
      %swap3A_117 = arith.constant 0 : index
      %swap3A_118 = tpu.vector_load %arg11[%swap3A_116, %swap3A_117] {strides = array<i32>} : memref<256x52xf32, #tpu.memory_space<vmem>>, vector<16xf32>,
      tpu.vector_store %arg11[%swap3A_116, %swap3A_117], %gather3A_115 {strides = array<i32>} : memref<256x52xf32, #tpu.memory_space<vmem>>, vector<16xf32>,
      %gather3A_119 = tpu.vector_load_idx %arg8[%gather3A_111, %add3A_11] : memref<53x128xf32, #tpu.memory_space<vmem>>[vector<16xi32>, vector<16xi32>], vector<16xf32>,
      %swap3A_120 = arith.index_cast %add3A_101 : i32 to index
      %swap3A_121 = arith.constant 16 : index
      %swap3A_122 = tpu.vector_load %arg11[%swap3A_120, %swap3A_121] {strides = array<i32>} : memref<256x52xf32, #tpu.memory_space<vmem>>, vector<16xf32>,
      tpu.vector_store %arg11[%swap3A_120, %swap3A_121], %gather3A_119 {strides = array<i32>} : memref<256x52xf32, #tpu.memory_space<vmem>>, vector<16xf32>,
      %gather3A_123 = tpu.vector_load_idx %arg8[%gather3A_111, %add3A_14] : memref<53x128xf32, #tpu.memory_space<vmem>>[vector<16xi32>, vector<16xi32>], vector<16xf32>,
      %swap3A_124 = arith.index_cast %add3A_101 : i32 to index
      %swap3A_125 = arith.constant 32 : index
      %swap3A_126 = tpu.vector_load %arg11[%swap3A_124, %swap3A_125] {strides = array<i32>} : memref<256x52xf32, #tpu.memory_space<vmem>>, vector<16xf32>,
      tpu.vector_store %arg11[%swap3A_124, %swap3A_125], %gather3A_123 {strides = array<i32>} : memref<256x52xf32, #tpu.memory_space<vmem>>, vector<16xf32>,
      %gather3A_127 = tpu.vector_load_idx %arg8[%gather3A_111, %add3A_17] : memref<53x128xf32, #tpu.memory_space<vmem>>[vector<16xi32>, vector<16xi32>], vector<16xf32>,
      tpu.vector_store_idx %arg11[%broadcast_in_dim3A_112, %add3A_11], %gather3A_127 masked %lt3A_22 : memref<256x52xf32, #tpu.memory_space<vmem>>[vector<16xi32>, vector<16xi32>], vector<16xf32>, vector<16xi1>
      %add3A_128 = arith.constant 2 : i32
      %add3A_129 = arith.addi %mul3A_71, %add3A_128 : i32
      %lt3A_130 = arith.constant 0 : i32
      %lt3A_131 = vector.broadcast %lt3A_130 : i32 to vector<16xi32>
      %lt3A_132 = arith.cmpi slt, %broadcast_in_dim3A_27, %lt3A_131 : vector<16xi32>
      %add3A_133 = arith.constant 16 : i32
      %add3A_134 = vector.broadcast %add3A_133 : i32 to vector<16xi32>
      %add3A_135 = arith.addi %broadcast_in_dim3A_27, %add3A_134 : vector<16xi32>
      %select_n3A_136 = arith.select %lt3A_132, %add3A_135, %broadcast_in_dim3A_27 : vector<16xi1>, vector<16xi32>
      %broadcast_in_dim3A_137 = vector.shape_cast %select_n3A_136 : vector<16xi32> to vector<16x1xi32>
      %gather3A_138 = vector.shape_cast %broadcast_in_dim3A_137 : vector<16x1xi32> to vector<16xi32>
      %gather3A_139 = tpu.dynamic_gather %get3A_74[%gather3A_138] in [0] : vector<16xi32>, vector<16xi32> -> vector<16xi32>
      %broadcast_in_dim3A_140 = vector.broadcast %add3A_129 : i32 to vector<16xi32>
      %gather3A_141 = tpu.vector_load_idx %arg8[%gather3A_139, %iota3A] : memref<53x128xf32, #tpu.memory_space<vmem>>[vector<16xi32>, vector<16xi32>], vector<16xf32>,
      tpu.vector_store_idx %arg9[%broadcast_in_dim3A_140, %iota3A], %gather3A_141 masked %lt3A_19 : memref<256x13xf32, #tpu.memory_space<vmem>>[vector<16xi32>, vector<16xi32>], vector<16xf32>, vector<16xi1>
      %gather3A_142 = tpu.vector_load_idx %arg8[%gather3A_139, %add3A_5] : memref<53x128xf32, #tpu.memory_space<vmem>>[vector<16xi32>, vector<16xi32>], vector<16xf32>,
      tpu.vector_store_idx %arg10[%broadcast_in_dim3A_140, %iota3A], %gather3A_142 masked %lt3A_22 : memref<256x4xf32, #tpu.memory_space<vmem>>[vector<16xi32>, vector<16xi32>], vector<16xf32>, vector<16xi1>
      %gather3A_143 = tpu.vector_load_idx %arg8[%gather3A_139, %add3A_8] : memref<53x128xf32, #tpu.memory_space<vmem>>[vector<16xi32>, vector<16xi32>], vector<16xf32>,
      %swap3A_144 = arith.index_cast %add3A_129 : i32 to index
      %swap3A_145 = arith.constant 0 : index
      %swap3A_146 = tpu.vector_load %arg11[%swap3A_144, %swap3A_145] {strides = array<i32>} : memref<256x52xf32, #tpu.memory_space<vmem>>, vector<16xf32>,
      tpu.vector_store %arg11[%swap3A_144, %swap3A_145], %gather3A_143 {strides = array<i32>} : memref<256x52xf32, #tpu.memory_space<vmem>>, vector<16xf32>,
      %gather3A_147 = tpu.vector_load_idx %arg8[%gather3A_139, %add3A_11] : memref<53x128xf32, #tpu.memory_space<vmem>>[vector<16xi32>, vector<16xi32>], vector<16xf32>,
      %swap3A_148 = arith.index_cast %add3A_129 : i32 to index
      %swap3A_149 = arith.constant 16 : index
      %swap3A_150 = tpu.vector_load %arg11[%swap3A_148, %swap3A_149] {strides = array<i32>} : memref<256x52xf32, #tpu.memory_space<vmem>>, vector<16xf32>,
      tpu.vector_store %arg11[%swap3A_148, %swap3A_149], %gather3A_147 {strides = array<i32>} : memref<256x52xf32, #tpu.memory_space<vmem>>, vector<16xf32>,
      %gather3A_151 = tpu.vector_load_idx %arg8[%gather3A_139, %add3A_14] : memref<53x128xf32, #tpu.memory_space<vmem>>[vector<16xi32>, vector<16xi32>], vector<16xf32>,
      %swap3A_152 = arith.index_cast %add3A_129 : i32 to index
      %swap3A_153 = arith.constant 32 : index
      %swap3A_154 = tpu.vector_load %arg11[%swap3A_152, %swap3A_153] {strides = array<i32>} : memref<256x52xf32, #tpu.memory_space<vmem>>, vector<16xf32>,
      tpu.vector_store %arg11[%swap3A_152, %swap3A_153], %gather3A_151 {strides = array<i32>} : memref<256x52xf32, #tpu.memory_space<vmem>>, vector<16xf32>,
      %gather3A_155 = tpu.vector_load_idx %arg8[%gather3A_139, %add3A_17] : memref<53x128xf32, #tpu.memory_space<vmem>>[vector<16xi32>, vector<16xi32>], vector<16xf32>,
      tpu.vector_store_idx %arg11[%broadcast_in_dim3A_140, %add3A_11], %gather3A_155 masked %lt3A_22 : memref<256x52xf32, #tpu.memory_space<vmem>>[vector<16xi32>, vector<16xi32>], vector<16xf32>, vector<16xi1>
      %add3A_156 = arith.constant 3 : i32
      %add3A_157 = arith.addi %mul3A_71, %add3A_156 : i32
      %lt3A_158 = arith.constant 0 : i32
      %lt3A_159 = vector.broadcast %lt3A_158 : i32 to vector<16xi32>
      %lt3A_160 = arith.cmpi slt, %broadcast_in_dim3A_29, %lt3A_159 : vector<16xi32>
      %add3A_161 = arith.constant 16 : i32
      %add3A_162 = vector.broadcast %add3A_161 : i32 to vector<16xi32>
      %add3A_163 = arith.addi %broadcast_in_dim3A_29, %add3A_162 : vector<16xi32>
      %select_n3A_164 = arith.select %lt3A_160, %add3A_163, %broadcast_in_dim3A_29 : vector<16xi1>, vector<16xi32>
      %broadcast_in_dim3A_165 = vector.shape_cast %select_n3A_164 : vector<16xi32> to vector<16x1xi32>
      %gather3A_166 = vector.shape_cast %broadcast_in_dim3A_165 : vector<16x1xi32> to vector<16xi32>
      %gather3A_167 = tpu.dynamic_gather %get3A_74[%gather3A_166] in [0] : vector<16xi32>, vector<16xi32> -> vector<16xi32>
      %broadcast_in_dim3A_168 = vector.broadcast %add3A_157 : i32 to vector<16xi32>
      %gather3A_169 = tpu.vector_load_idx %arg8[%gather3A_167, %iota3A] : memref<53x128xf32, #tpu.memory_space<vmem>>[vector<16xi32>, vector<16xi32>], vector<16xf32>,
      tpu.vector_store_idx %arg9[%broadcast_in_dim3A_168, %iota3A], %gather3A_169 masked %lt3A_19 : memref<256x13xf32, #tpu.memory_space<vmem>>[vector<16xi32>, vector<16xi32>], vector<16xf32>, vector<16xi1>
      %gather3A_170 = tpu.vector_load_idx %arg8[%gather3A_167, %add3A_5] : memref<53x128xf32, #tpu.memory_space<vmem>>[vector<16xi32>, vector<16xi32>], vector<16xf32>,
      tpu.vector_store_idx %arg10[%broadcast_in_dim3A_168, %iota3A], %gather3A_170 masked %lt3A_22 : memref<256x4xf32, #tpu.memory_space<vmem>>[vector<16xi32>, vector<16xi32>], vector<16xf32>, vector<16xi1>
      %gather3A_171 = tpu.vector_load_idx %arg8[%gather3A_167, %add3A_8] : memref<53x128xf32, #tpu.memory_space<vmem>>[vector<16xi32>, vector<16xi32>], vector<16xf32>,
      %swap3A_172 = arith.index_cast %add3A_157 : i32 to index
      %swap3A_173 = arith.constant 0 : index
      %swap3A_174 = tpu.vector_load %arg11[%swap3A_172, %swap3A_173] {strides = array<i32>} : memref<256x52xf32, #tpu.memory_space<vmem>>, vector<16xf32>,
      tpu.vector_store %arg11[%swap3A_172, %swap3A_173], %gather3A_171 {strides = array<i32>} : memref<256x52xf32, #tpu.memory_space<vmem>>, vector<16xf32>,
      %gather3A_175 = tpu.vector_load_idx %arg8[%gather3A_167, %add3A_11] : memref<53x128xf32, #tpu.memory_space<vmem>>[vector<16xi32>, vector<16xi32>], vector<16xf32>,
      %swap3A_176 = arith.index_cast %add3A_157 : i32 to index
      %swap3A_177 = arith.constant 16 : index
      %swap3A_178 = tpu.vector_load %arg11[%swap3A_176, %swap3A_177] {strides = array<i32>} : memref<256x52xf32, #tpu.memory_space<vmem>>, vector<16xf32>,
      tpu.vector_store %arg11[%swap3A_176, %swap3A_177], %gather3A_175 {strides = array<i32>} : memref<256x52xf32, #tpu.memory_space<vmem>>, vector<16xf32>,
      %gather3A_179 = tpu.vector_load_idx %arg8[%gather3A_167, %add3A_14] : memref<53x128xf32, #tpu.memory_space<vmem>>[vector<16xi32>, vector<16xi32>], vector<16xf32>,
      %swap3A_180 = arith.index_cast %add3A_157 : i32 to index
      %swap3A_181 = arith.constant 32 : index
      %swap3A_182 = tpu.vector_load %arg11[%swap3A_180, %swap3A_181] {strides = array<i32>} : memref<256x52xf32, #tpu.memory_space<vmem>>, vector<16xf32>,
      tpu.vector_store %arg11[%swap3A_180, %swap3A_181], %gather3A_179 {strides = array<i32>} : memref<256x52xf32, #tpu.memory_space<vmem>>, vector<16xf32>,
      %gather3A_183 = tpu.vector_load_idx %arg8[%gather3A_167, %add3A_17] : memref<53x128xf32, #tpu.memory_space<vmem>>[vector<16xi32>, vector<16xi32>], vector<16xf32>,
      tpu.vector_store_idx %arg11[%broadcast_in_dim3A_168, %add3A_11], %gather3A_183 masked %lt3A_22 : memref<256x52xf32, #tpu.memory_space<vmem>>[vector<16xi32>, vector<16xi32>], vector<16xf32>, vector<16xi1>
      %add3A_184 = arith.constant 4 : i32
      %add3A_185 = arith.addi %mul3A_71, %add3A_184 : i32
      %lt3A_186 = arith.constant 0 : i32
      %lt3A_187 = vector.broadcast %lt3A_186 : i32 to vector<16xi32>
      %lt3A_188 = arith.cmpi slt, %broadcast_in_dim3A_31, %lt3A_187 : vector<16xi32>
      %add3A_189 = arith.constant 16 : i32
      %add3A_190 = vector.broadcast %add3A_189 : i32 to vector<16xi32>
      %add3A_191 = arith.addi %broadcast_in_dim3A_31, %add3A_190 : vector<16xi32>
      %select_n3A_192 = arith.select %lt3A_188, %add3A_191, %broadcast_in_dim3A_31 : vector<16xi1>, vector<16xi32>
      %broadcast_in_dim3A_193 = vector.shape_cast %select_n3A_192 : vector<16xi32> to vector<16x1xi32>
      %gather3A_194 = vector.shape_cast %broadcast_in_dim3A_193 : vector<16x1xi32> to vector<16xi32>
      %gather3A_195 = tpu.dynamic_gather %get3A_74[%gather3A_194] in [0] : vector<16xi32>, vector<16xi32> -> vector<16xi32>
      %broadcast_in_dim3A_196 = vector.broadcast %add3A_185 : i32 to vector<16xi32>
      %gather3A_197 = tpu.vector_load_idx %arg8[%gather3A_195, %iota3A] : memref<53x128xf32, #tpu.memory_space<vmem>>[vector<16xi32>, vector<16xi32>], vector<16xf32>,
      tpu.vector_store_idx %arg9[%broadcast_in_dim3A_196, %iota3A], %gather3A_197 masked %lt3A_19 : memref<256x13xf32, #tpu.memory_space<vmem>>[vector<16xi32>, vector<16xi32>], vector<16xf32>, vector<16xi1>
      %gather3A_198 = tpu.vector_load_idx %arg8[%gather3A_195, %add3A_5] : memref<53x128xf32, #tpu.memory_space<vmem>>[vector<16xi32>, vector<16xi32>], vector<16xf32>,
      tpu.vector_store_idx %arg10[%broadcast_in_dim3A_196, %iota3A], %gather3A_198 masked %lt3A_22 : memref<256x4xf32, #tpu.memory_space<vmem>>[vector<16xi32>, vector<16xi32>], vector<16xf32>, vector<16xi1>
      %gather3A_199 = tpu.vector_load_idx %arg8[%gather3A_195, %add3A_8] : memref<53x128xf32, #tpu.memory_space<vmem>>[vector<16xi32>, vector<16xi32>], vector<16xf32>,
      %swap3A_200 = arith.index_cast %add3A_185 : i32 to index
      %swap3A_201 = arith.constant 0 : index
      %swap3A_202 = tpu.vector_load %arg11[%swap3A_200, %swap3A_201] {strides = array<i32>} : memref<256x52xf32, #tpu.memory_space<vmem>>, vector<16xf32>,
      tpu.vector_store %arg11[%swap3A_200, %swap3A_201], %gather3A_199 {strides = array<i32>} : memref<256x52xf32, #tpu.memory_space<vmem>>, vector<16xf32>,
      %gather3A_203 = tpu.vector_load_idx %arg8[%gather3A_195, %add3A_11] : memref<53x128xf32, #tpu.memory_space<vmem>>[vector<16xi32>, vector<16xi32>], vector<16xf32>,
      %swap3A_204 = arith.index_cast %add3A_185 : i32 to index
      %swap3A_205 = arith.constant 16 : index
      %swap3A_206 = tpu.vector_load %arg11[%swap3A_204, %swap3A_205] {strides = array<i32>} : memref<256x52xf32, #tpu.memory_space<vmem>>, vector<16xf32>,
      tpu.vector_store %arg11[%swap3A_204, %swap3A_205], %gather3A_203 {strides = array<i32>} : memref<256x52xf32, #tpu.memory_space<vmem>>, vector<16xf32>,
      %gather3A_207 = tpu.vector_load_idx %arg8[%gather3A_195, %add3A_14] : memref<53x128xf32, #tpu.memory_space<vmem>>[vector<16xi32>, vector<16xi32>], vector<16xf32>,
      %swap3A_208 = arith.index_cast %add3A_185 : i32 to index
      %swap3A_209 = arith.constant 32 : index
      %swap3A_210 = tpu.vector_load %arg11[%swap3A_208, %swap3A_209] {strides = array<i32>} : memref<256x52xf32, #tpu.memory_space<vmem>>, vector<16xf32>,
      tpu.vector_store %arg11[%swap3A_208, %swap3A_209], %gather3A_207 {strides = array<i32>} : memref<256x52xf32, #tpu.memory_space<vmem>>, vector<16xf32>,
      %gather3A_211 = tpu.vector_load_idx %arg8[%gather3A_195, %add3A_17] : memref<53x128xf32, #tpu.memory_space<vmem>>[vector<16xi32>, vector<16xi32>], vector<16xf32>,
      tpu.vector_store_idx %arg11[%broadcast_in_dim3A_196, %add3A_11], %gather3A_211 masked %lt3A_22 : memref<256x52xf32, #tpu.memory_space<vmem>>[vector<16xi32>, vector<16xi32>], vector<16xf32>, vector<16xi1>
      %add3A_212 = arith.constant 5 : i32
      %add3A_213 = arith.addi %mul3A_71, %add3A_212 : i32
      %lt3A_214 = arith.constant 0 : i32
      %lt3A_215 = vector.broadcast %lt3A_214 : i32 to vector<16xi32>
      %lt3A_216 = arith.cmpi slt, %broadcast_in_dim3A_33, %lt3A_215 : vector<16xi32>
      %add3A_217 = arith.constant 16 : i32
      %add3A_218 = vector.broadcast %add3A_217 : i32 to vector<16xi32>
      %add3A_219 = arith.addi %broadcast_in_dim3A_33, %add3A_218 : vector<16xi32>
      %select_n3A_220 = arith.select %lt3A_216, %add3A_219, %broadcast_in_dim3A_33 : vector<16xi1>, vector<16xi32>
      %broadcast_in_dim3A_221 = vector.shape_cast %select_n3A_220 : vector<16xi32> to vector<16x1xi32>
      %gather3A_222 = vector.shape_cast %broadcast_in_dim3A_221 : vector<16x1xi32> to vector<16xi32>
      %gather3A_223 = tpu.dynamic_gather %get3A_74[%gather3A_222] in [0] : vector<16xi32>, vector<16xi32> -> vector<16xi32>
      %broadcast_in_dim3A_224 = vector.broadcast %add3A_213 : i32 to vector<16xi32>
      %gather3A_225 = tpu.vector_load_idx %arg8[%gather3A_223, %iota3A] : memref<53x128xf32, #tpu.memory_space<vmem>>[vector<16xi32>, vector<16xi32>], vector<16xf32>,
      tpu.vector_store_idx %arg9[%broadcast_in_dim3A_224, %iota3A], %gather3A_225 masked %lt3A_19 : memref<256x13xf32, #tpu.memory_space<vmem>>[vector<16xi32>, vector<16xi32>], vector<16xf32>, vector<16xi1>
      %gather3A_226 = tpu.vector_load_idx %arg8[%gather3A_223, %add3A_5] : memref<53x128xf32, #tpu.memory_space<vmem>>[vector<16xi32>, vector<16xi32>], vector<16xf32>,
      tpu.vector_store_idx %arg10[%broadcast_in_dim3A_224, %iota3A], %gather3A_226 masked %lt3A_22 : memref<256x4xf32, #tpu.memory_space<vmem>>[vector<16xi32>, vector<16xi32>], vector<16xf32>, vector<16xi1>
      %gather3A_227 = tpu.vector_load_idx %arg8[%gather3A_223, %add3A_8] : memref<53x128xf32, #tpu.memory_space<vmem>>[vector<16xi32>, vector<16xi32>], vector<16xf32>,
      %swap3A_228 = arith.index_cast %add3A_213 : i32 to index
      %swap3A_229 = arith.constant 0 : index
      %swap3A_230 = tpu.vector_load %arg11[%swap3A_228, %swap3A_229] {strides = array<i32>} : memref<256x52xf32, #tpu.memory_space<vmem>>, vector<16xf32>,
      tpu.vector_store %arg11[%swap3A_228, %swap3A_229], %gather3A_227 {strides = array<i32>} : memref<256x52xf32, #tpu.memory_space<vmem>>, vector<16xf32>,
      %gather3A_231 = tpu.vector_load_idx %arg8[%gather3A_223, %add3A_11] : memref<53x128xf32, #tpu.memory_space<vmem>>[vector<16xi32>, vector<16xi32>], vector<16xf32>,
      %swap3A_232 = arith.index_cast %add3A_213 : i32 to index
      %swap3A_233 = arith.constant 16 : index
      %swap3A_234 = tpu.vector_load %arg11[%swap3A_232, %swap3A_233] {strides = array<i32>} : memref<256x52xf32, #tpu.memory_space<vmem>>, vector<16xf32>,
      tpu.vector_store %arg11[%swap3A_232, %swap3A_233], %gather3A_231 {strides = array<i32>} : memref<256x52xf32, #tpu.memory_space<vmem>>, vector<16xf32>,
      %gather3A_235 = tpu.vector_load_idx %arg8[%gather3A_223, %add3A_14] : memref<53x128xf32, #tpu.memory_space<vmem>>[vector<16xi32>, vector<16xi32>], vector<16xf32>,
      %swap3A_236 = arith.index_cast %add3A_213 : i32 to index
      %swap3A_237 = arith.constant 32 : index
      %swap3A_238 = tpu.vector_load %arg11[%swap3A_236, %swap3A_237] {strides = array<i32>} : memref<256x52xf32, #tpu.memory_space<vmem>>, vector<16xf32>,
      tpu.vector_store %arg11[%swap3A_236, %swap3A_237], %gather3A_235 {strides = array<i32>} : memref<256x52xf32, #tpu.memory_space<vmem>>, vector<16xf32>,
      %gather3A_239 = tpu.vector_load_idx %arg8[%gather3A_223, %add3A_17] : memref<53x128xf32, #tpu.memory_space<vmem>>[vector<16xi32>, vector<16xi32>], vector<16xf32>,
      tpu.vector_store_idx %arg11[%broadcast_in_dim3A_224, %add3A_11], %gather3A_239 masked %lt3A_22 : memref<256x52xf32, #tpu.memory_space<vmem>>[vector<16xi32>, vector<16xi32>], vector<16xf32>, vector<16xi1>
      %add3A_240 = arith.constant 6 : i32
      %add3A_241 = arith.addi %mul3A_71, %add3A_240 : i32
      %lt3A_242 = arith.constant 0 : i32
      %lt3A_243 = vector.broadcast %lt3A_242 : i32 to vector<16xi32>
      %lt3A_244 = arith.cmpi slt, %broadcast_in_dim3A_35, %lt3A_243 : vector<16xi32>
      %add3A_245 = arith.constant 16 : i32
      %add3A_246 = vector.broadcast %add3A_245 : i32 to vector<16xi32>
      %add3A_247 = arith.addi %broadcast_in_dim3A_35, %add3A_246 : vector<16xi32>
      %select_n3A_248 = arith.select %lt3A_244, %add3A_247, %broadcast_in_dim3A_35 : vector<16xi1>, vector<16xi32>
      %broadcast_in_dim3A_249 = vector.shape_cast %select_n3A_248 : vector<16xi32> to vector<16x1xi32>
      %gather3A_250 = vector.shape_cast %broadcast_in_dim3A_249 : vector<16x1xi32> to vector<16xi32>
      %gather3A_251 = tpu.dynamic_gather %get3A_74[%gather3A_250] in [0] : vector<16xi32>, vector<16xi32> -> vector<16xi32>
      %broadcast_in_dim3A_252 = vector.broadcast %add3A_241 : i32 to vector<16xi32>
      %gather3A_253 = tpu.vector_load_idx %arg8[%gather3A_251, %iota3A] : memref<53x128xf32, #tpu.memory_space<vmem>>[vector<16xi32>, vector<16xi32>], vector<16xf32>,
      tpu.vector_store_idx %arg9[%broadcast_in_dim3A_252, %iota3A], %gather3A_253 masked %lt3A_19 : memref<256x13xf32, #tpu.memory_space<vmem>>[vector<16xi32>, vector<16xi32>], vector<16xf32>, vector<16xi1>
      %gather3A_254 = tpu.vector_load_idx %arg8[%gather3A_251, %add3A_5] : memref<53x128xf32, #tpu.memory_space<vmem>>[vector<16xi32>, vector<16xi32>], vector<16xf32>,
      tpu.vector_store_idx %arg10[%broadcast_in_dim3A_252, %iota3A], %gather3A_254 masked %lt3A_22 : memref<256x4xf32, #tpu.memory_space<vmem>>[vector<16xi32>, vector<16xi32>], vector<16xf32>, vector<16xi1>
      %gather3A_255 = tpu.vector_load_idx %arg8[%gather3A_251, %add3A_8] : memref<53x128xf32, #tpu.memory_space<vmem>>[vector<16xi32>, vector<16xi32>], vector<16xf32>,
      %swap3A_256 = arith.index_cast %add3A_241 : i32 to index
      %swap3A_257 = arith.constant 0 : index
      %swap3A_258 = tpu.vector_load %arg11[%swap3A_256, %swap3A_257] {strides = array<i32>} : memref<256x52xf32, #tpu.memory_space<vmem>>, vector<16xf32>,
      tpu.vector_store %arg11[%swap3A_256, %swap3A_257], %gather3A_255 {strides = array<i32>} : memref<256x52xf32, #tpu.memory_space<vmem>>, vector<16xf32>,
      %gather3A_259 = tpu.vector_load_idx %arg8[%gather3A_251, %add3A_11] : memref<53x128xf32, #tpu.memory_space<vmem>>[vector<16xi32>, vector<16xi32>], vector<16xf32>,
      %swap3A_260 = arith.index_cast %add3A_241 : i32 to index
      %swap3A_261 = arith.constant 16 : index
      %swap3A_262 = tpu.vector_load %arg11[%swap3A_260, %swap3A_261] {strides = array<i32>} : memref<256x52xf32, #tpu.memory_space<vmem>>, vector<16xf32>,
      tpu.vector_store %arg11[%swap3A_260, %swap3A_261], %gather3A_259 {strides = array<i32>} : memref<256x52xf32, #tpu.memory_space<vmem>>, vector<16xf32>,
      %gather3A_263 = tpu.vector_load_idx %arg8[%gather3A_251, %add3A_14] : memref<53x128xf32, #tpu.memory_space<vmem>>[vector<16xi32>, vector<16xi32>], vector<16xf32>,
      %swap3A_264 = arith.index_cast %add3A_241 : i32 to index
      %swap3A_265 = arith.constant 32 : index
      %swap3A_266 = tpu.vector_load %arg11[%swap3A_264, %swap3A_265] {strides = array<i32>} : memref<256x52xf32, #tpu.memory_space<vmem>>, vector<16xf32>,
      tpu.vector_store %arg11[%swap3A_264, %swap3A_265], %gather3A_263 {strides = array<i32>} : memref<256x52xf32, #tpu.memory_space<vmem>>, vector<16xf32>,
      %gather3A_267 = tpu.vector_load_idx %arg8[%gather3A_251, %add3A_17] : memref<53x128xf32, #tpu.memory_space<vmem>>[vector<16xi32>, vector<16xi32>], vector<16xf32>,
      tpu.vector_store_idx %arg11[%broadcast_in_dim3A_252, %add3A_11], %gather3A_267 masked %lt3A_22 : memref<256x52xf32, #tpu.memory_space<vmem>>[vector<16xi32>, vector<16xi32>], vector<16xf32>, vector<16xi1>
      %add3A_268 = arith.constant 7 : i32
      %add3A_269 = arith.addi %mul3A_71, %add3A_268 : i32
      %lt3A_270 = arith.constant 0 : i32
      %lt3A_271 = vector.broadcast %lt3A_270 : i32 to vector<16xi32>
      %lt3A_272 = arith.cmpi slt, %broadcast_in_dim3A_37, %lt3A_271 : vector<16xi32>
      %add3A_273 = arith.constant 16 : i32
      %add3A_274 = vector.broadcast %add3A_273 : i32 to vector<16xi32>
      %add3A_275 = arith.addi %broadcast_in_dim3A_37, %add3A_274 : vector<16xi32>
      %select_n3A_276 = arith.select %lt3A_272, %add3A_275, %broadcast_in_dim3A_37 : vector<16xi1>, vector<16xi32>
      %broadcast_in_dim3A_277 = vector.shape_cast %select_n3A_276 : vector<16xi32> to vector<16x1xi32>
      %gather3A_278 = vector.shape_cast %broadcast_in_dim3A_277 : vector<16x1xi32> to vector<16xi32>
      %gather3A_279 = tpu.dynamic_gather %get3A_74[%gather3A_278] in [0] : vector<16xi32>, vector<16xi32> -> vector<16xi32>
      %broadcast_in_dim3A_280 = vector.broadcast %add3A_269 : i32 to vector<16xi32>
      %gather3A_281 = tpu.vector_load_idx %arg8[%gather3A_279, %iota3A] : memref<53x128xf32, #tpu.memory_space<vmem>>[vector<16xi32>, vector<16xi32>], vector<16xf32>,
      tpu.vector_store_idx %arg9[%broadcast_in_dim3A_280, %iota3A], %gather3A_281 masked %lt3A_19 : memref<256x13xf32, #tpu.memory_space<vmem>>[vector<16xi32>, vector<16xi32>], vector<16xf32>, vector<16xi1>
      %gather3A_282 = tpu.vector_load_idx %arg8[%gather3A_279, %add3A_5] : memref<53x128xf32, #tpu.memory_space<vmem>>[vector<16xi32>, vector<16xi32>], vector<16xf32>,
      tpu.vector_store_idx %arg10[%broadcast_in_dim3A_280, %iota3A], %gather3A_282 masked %lt3A_22 : memref<256x4xf32, #tpu.memory_space<vmem>>[vector<16xi32>, vector<16xi32>], vector<16xf32>, vector<16xi1>
      %gather3A_283 = tpu.vector_load_idx %arg8[%gather3A_279, %add3A_8] : memref<53x128xf32, #tpu.memory_space<vmem>>[vector<16xi32>, vector<16xi32>], vector<16xf32>,
      %swap3A_284 = arith.index_cast %add3A_269 : i32 to index
      %swap3A_285 = arith.constant 0 : index
      %swap3A_286 = tpu.vector_load %arg11[%swap3A_284, %swap3A_285] {strides = array<i32>} : memref<256x52xf32, #tpu.memory_space<vmem>>, vector<16xf32>,
      tpu.vector_store %arg11[%swap3A_284, %swap3A_285], %gather3A_283 {strides = array<i32>} : memref<256x52xf32, #tpu.memory_space<vmem>>, vector<16xf32>,
      %gather3A_287 = tpu.vector_load_idx %arg8[%gather3A_279, %add3A_11] : memref<53x128xf32, #tpu.memory_space<vmem>>[vector<16xi32>, vector<16xi32>], vector<16xf32>,
      %swap3A_288 = arith.index_cast %add3A_269 : i32 to index
      %swap3A_289 = arith.constant 16 : index
      %swap3A_290 = tpu.vector_load %arg11[%swap3A_288, %swap3A_289] {strides = array<i32>} : memref<256x52xf32, #tpu.memory_space<vmem>>, vector<16xf32>,
      tpu.vector_store %arg11[%swap3A_288, %swap3A_289], %gather3A_287 {strides = array<i32>} : memref<256x52xf32, #tpu.memory_space<vmem>>, vector<16xf32>,
      %gather3A_291 = tpu.vector_load_idx %arg8[%gather3A_279, %add3A_14] : memref<53x128xf32, #tpu.memory_space<vmem>>[vector<16xi32>, vector<16xi32>], vector<16xf32>,
      %swap3A_292 = arith.index_cast %add3A_269 : i32 to index
      %swap3A_293 = arith.constant 32 : index
      %swap3A_294 = tpu.vector_load %arg11[%swap3A_292, %swap3A_293] {strides = array<i32>} : memref<256x52xf32, #tpu.memory_space<vmem>>, vector<16xf32>,
      tpu.vector_store %arg11[%swap3A_292, %swap3A_293], %gather3A_291 {strides = array<i32>} : memref<256x52xf32, #tpu.memory_space<vmem>>, vector<16xf32>,
      %gather3A_295 = tpu.vector_load_idx %arg8[%gather3A_279, %add3A_17] : memref<53x128xf32, #tpu.memory_space<vmem>>[vector<16xi32>, vector<16xi32>], vector<16xf32>,
      tpu.vector_store_idx %arg11[%broadcast_in_dim3A_280, %add3A_11], %gather3A_295 masked %lt3A_22 : memref<256x52xf32, #tpu.memory_space<vmem>>[vector<16xi32>, vector<16xi32>], vector<16xf32>, vector<16xi1>
      %add3A_296 = arith.constant 8 : i32
      %add3A_297 = arith.addi %mul3A_71, %add3A_296 : i32
      %lt3A_298 = arith.constant 0 : i32
      %lt3A_299 = vector.broadcast %lt3A_298 : i32 to vector<16xi32>
      %lt3A_300 = arith.cmpi slt, %broadcast_in_dim3A_39, %lt3A_299 : vector<16xi32>
      %add3A_301 = arith.constant 16 : i32
      %add3A_302 = vector.broadcast %add3A_301 : i32 to vector<16xi32>
      %add3A_303 = arith.addi %broadcast_in_dim3A_39, %add3A_302 : vector<16xi32>
      %select_n3A_304 = arith.select %lt3A_300, %add3A_303, %broadcast_in_dim3A_39 : vector<16xi1>, vector<16xi32>
      %broadcast_in_dim3A_305 = vector.shape_cast %select_n3A_304 : vector<16xi32> to vector<16x1xi32>
      %gather3A_306 = vector.shape_cast %broadcast_in_dim3A_305 : vector<16x1xi32> to vector<16xi32>
      %gather3A_307 = tpu.dynamic_gather %get3A_74[%gather3A_306] in [0] : vector<16xi32>, vector<16xi32> -> vector<16xi32>
      %broadcast_in_dim3A_308 = vector.broadcast %add3A_297 : i32 to vector<16xi32>
      %gather3A_309 = tpu.vector_load_idx %arg8[%gather3A_307, %iota3A] : memref<53x128xf32, #tpu.memory_space<vmem>>[vector<16xi32>, vector<16xi32>], vector<16xf32>,
      tpu.vector_store_idx %arg9[%broadcast_in_dim3A_308, %iota3A], %gather3A_309 masked %lt3A_19 : memref<256x13xf32, #tpu.memory_space<vmem>>[vector<16xi32>, vector<16xi32>], vector<16xf32>, vector<16xi1>
      %gather3A_310 = tpu.vector_load_idx %arg8[%gather3A_307, %add3A_5] : memref<53x128xf32, #tpu.memory_space<vmem>>[vector<16xi32>, vector<16xi32>], vector<16xf32>,
      tpu.vector_store_idx %arg10[%broadcast_in_dim3A_308, %iota3A], %gather3A_310 masked %lt3A_22 : memref<256x4xf32, #tpu.memory_space<vmem>>[vector<16xi32>, vector<16xi32>], vector<16xf32>, vector<16xi1>
      %gather3A_311 = tpu.vector_load_idx %arg8[%gather3A_307, %add3A_8] : memref<53x128xf32, #tpu.memory_space<vmem>>[vector<16xi32>, vector<16xi32>], vector<16xf32>,
      %swap3A_312 = arith.index_cast %add3A_297 : i32 to index
      %swap3A_313 = arith.constant 0 : index
      %swap3A_314 = tpu.vector_load %arg11[%swap3A_312, %swap3A_313] {strides = array<i32>} : memref<256x52xf32, #tpu.memory_space<vmem>>, vector<16xf32>,
      tpu.vector_store %arg11[%swap3A_312, %swap3A_313], %gather3A_311 {strides = array<i32>} : memref<256x52xf32, #tpu.memory_space<vmem>>, vector<16xf32>,
      %gather3A_315 = tpu.vector_load_idx %arg8[%gather3A_307, %add3A_11] : memref<53x128xf32, #tpu.memory_space<vmem>>[vector<16xi32>, vector<16xi32>], vector<16xf32>,
      %swap3A_316 = arith.index_cast %add3A_297 : i32 to index
      %swap3A_317 = arith.constant 16 : index
      %swap3A_318 = tpu.vector_load %arg11[%swap3A_316, %swap3A_317] {strides = array<i32>} : memref<256x52xf32, #tpu.memory_space<vmem>>, vector<16xf32>,
      tpu.vector_store %arg11[%swap3A_316, %swap3A_317], %gather3A_315 {strides = array<i32>} : memref<256x52xf32, #tpu.memory_space<vmem>>, vector<16xf32>,
      %gather3A_319 = tpu.vector_load_idx %arg8[%gather3A_307, %add3A_14] : memref<53x128xf32, #tpu.memory_space<vmem>>[vector<16xi32>, vector<16xi32>], vector<16xf32>,
      %swap3A_320 = arith.index_cast %add3A_297 : i32 to index
      %swap3A_321 = arith.constant 32 : index
      %swap3A_322 = tpu.vector_load %arg11[%swap3A_320, %swap3A_321] {strides = array<i32>} : memref<256x52xf32, #tpu.memory_space<vmem>>, vector<16xf32>,
      tpu.vector_store %arg11[%swap3A_320, %swap3A_321], %gather3A_319 {strides = array<i32>} : memref<256x52xf32, #tpu.memory_space<vmem>>, vector<16xf32>,
      %gather3A_323 = tpu.vector_load_idx %arg8[%gather3A_307, %add3A_17] : memref<53x128xf32, #tpu.memory_space<vmem>>[vector<16xi32>, vector<16xi32>], vector<16xf32>,
      tpu.vector_store_idx %arg11[%broadcast_in_dim3A_308, %add3A_11], %gather3A_323 masked %lt3A_22 : memref<256x52xf32, #tpu.memory_space<vmem>>[vector<16xi32>, vector<16xi32>], vector<16xf32>, vector<16xi1>
      %add3A_324 = arith.constant 9 : i32
      %add3A_325 = arith.addi %mul3A_71, %add3A_324 : i32
      %lt3A_326 = arith.constant 0 : i32
      %lt3A_327 = vector.broadcast %lt3A_326 : i32 to vector<16xi32>
      %lt3A_328 = arith.cmpi slt, %broadcast_in_dim3A_41, %lt3A_327 : vector<16xi32>
      %add3A_329 = arith.constant 16 : i32
      %add3A_330 = vector.broadcast %add3A_329 : i32 to vector<16xi32>
      %add3A_331 = arith.addi %broadcast_in_dim3A_41, %add3A_330 : vector<16xi32>
      %select_n3A_332 = arith.select %lt3A_328, %add3A_331, %broadcast_in_dim3A_41 : vector<16xi1>, vector<16xi32>
      %broadcast_in_dim3A_333 = vector.shape_cast %select_n3A_332 : vector<16xi32> to vector<16x1xi32>
      %gather3A_334 = vector.shape_cast %broadcast_in_dim3A_333 : vector<16x1xi32> to vector<16xi32>
      %gather3A_335 = tpu.dynamic_gather %get3A_74[%gather3A_334] in [0] : vector<16xi32>, vector<16xi32> -> vector<16xi32>
      %broadcast_in_dim3A_336 = vector.broadcast %add3A_325 : i32 to vector<16xi32>
      %gather3A_337 = tpu.vector_load_idx %arg8[%gather3A_335, %iota3A] : memref<53x128xf32, #tpu.memory_space<vmem>>[vector<16xi32>, vector<16xi32>], vector<16xf32>,
      tpu.vector_store_idx %arg9[%broadcast_in_dim3A_336, %iota3A], %gather3A_337 masked %lt3A_19 : memref<256x13xf32, #tpu.memory_space<vmem>>[vector<16xi32>, vector<16xi32>], vector<16xf32>, vector<16xi1>
      %gather3A_338 = tpu.vector_load_idx %arg8[%gather3A_335, %add3A_5] : memref<53x128xf32, #tpu.memory_space<vmem>>[vector<16xi32>, vector<16xi32>], vector<16xf32>,
      tpu.vector_store_idx %arg10[%broadcast_in_dim3A_336, %iota3A], %gather3A_338 masked %lt3A_22 : memref<256x4xf32, #tpu.memory_space<vmem>>[vector<16xi32>, vector<16xi32>], vector<16xf32>, vector<16xi1>
      %gather3A_339 = tpu.vector_load_idx %arg8[%gather3A_335, %add3A_8] : memref<53x128xf32, #tpu.memory_space<vmem>>[vector<16xi32>, vector<16xi32>], vector<16xf32>,
      %swap3A_340 = arith.index_cast %add3A_325 : i32 to index
      %swap3A_341 = arith.constant 0 : index
      %swap3A_342 = tpu.vector_load %arg11[%swap3A_340, %swap3A_341] {strides = array<i32>} : memref<256x52xf32, #tpu.memory_space<vmem>>, vector<16xf32>,
      tpu.vector_store %arg11[%swap3A_340, %swap3A_341], %gather3A_339 {strides = array<i32>} : memref<256x52xf32, #tpu.memory_space<vmem>>, vector<16xf32>,
      %gather3A_343 = tpu.vector_load_idx %arg8[%gather3A_335, %add3A_11] : memref<53x128xf32, #tpu.memory_space<vmem>>[vector<16xi32>, vector<16xi32>], vector<16xf32>,
      %swap3A_344 = arith.index_cast %add3A_325 : i32 to index
      %swap3A_345 = arith.constant 16 : index
      %swap3A_346 = tpu.vector_load %arg11[%swap3A_344, %swap3A_345] {strides = array<i32>} : memref<256x52xf32, #tpu.memory_space<vmem>>, vector<16xf32>,
      tpu.vector_store %arg11[%swap3A_344, %swap3A_345], %gather3A_343 {strides = array<i32>} : memref<256x52xf32, #tpu.memory_space<vmem>>, vector<16xf32>,
      %gather3A_347 = tpu.vector_load_idx %arg8[%gather3A_335, %add3A_14] : memref<53x128xf32, #tpu.memory_space<vmem>>[vector<16xi32>, vector<16xi32>], vector<16xf32>,
      %swap3A_348 = arith.index_cast %add3A_325 : i32 to index
      %swap3A_349 = arith.constant 32 : index
      %swap3A_350 = tpu.vector_load %arg11[%swap3A_348, %swap3A_349] {strides = array<i32>} : memref<256x52xf32, #tpu.memory_space<vmem>>, vector<16xf32>,
      tpu.vector_store %arg11[%swap3A_348, %swap3A_349], %gather3A_347 {strides = array<i32>} : memref<256x52xf32, #tpu.memory_space<vmem>>, vector<16xf32>,
      %gather3A_351 = tpu.vector_load_idx %arg8[%gather3A_335, %add3A_17] : memref<53x128xf32, #tpu.memory_space<vmem>>[vector<16xi32>, vector<16xi32>], vector<16xf32>,
      tpu.vector_store_idx %arg11[%broadcast_in_dim3A_336, %add3A_11], %gather3A_351 masked %lt3A_22 : memref<256x52xf32, #tpu.memory_space<vmem>>[vector<16xi32>, vector<16xi32>], vector<16xf32>, vector<16xi1>
      %add3A_352 = arith.constant 10 : i32
      %add3A_353 = arith.addi %mul3A_71, %add3A_352 : i32
      %lt3A_354 = arith.constant 0 : i32
      %lt3A_355 = vector.broadcast %lt3A_354 : i32 to vector<16xi32>
      %lt3A_356 = arith.cmpi slt, %broadcast_in_dim3A_43, %lt3A_355 : vector<16xi32>
      %add3A_357 = arith.constant 16 : i32
      %add3A_358 = vector.broadcast %add3A_357 : i32 to vector<16xi32>
      %add3A_359 = arith.addi %broadcast_in_dim3A_43, %add3A_358 : vector<16xi32>
      %select_n3A_360 = arith.select %lt3A_356, %add3A_359, %broadcast_in_dim3A_43 : vector<16xi1>, vector<16xi32>
      %broadcast_in_dim3A_361 = vector.shape_cast %select_n3A_360 : vector<16xi32> to vector<16x1xi32>
      %gather3A_362 = vector.shape_cast %broadcast_in_dim3A_361 : vector<16x1xi32> to vector<16xi32>
      %gather3A_363 = tpu.dynamic_gather %get3A_74[%gather3A_362] in [0] : vector<16xi32>, vector<16xi32> -> vector<16xi32>
      %broadcast_in_dim3A_364 = vector.broadcast %add3A_353 : i32 to vector<16xi32>
      %gather3A_365 = tpu.vector_load_idx %arg8[%gather3A_363, %iota3A] : memref<53x128xf32, #tpu.memory_space<vmem>>[vector<16xi32>, vector<16xi32>], vector<16xf32>,
      tpu.vector_store_idx %arg9[%broadcast_in_dim3A_364, %iota3A], %gather3A_365 masked %lt3A_19 : memref<256x13xf32, #tpu.memory_space<vmem>>[vector<16xi32>, vector<16xi32>], vector<16xf32>, vector<16xi1>
      %gather3A_366 = tpu.vector_load_idx %arg8[%gather3A_363, %add3A_5] : memref<53x128xf32, #tpu.memory_space<vmem>>[vector<16xi32>, vector<16xi32>], vector<16xf32>,
      tpu.vector_store_idx %arg10[%broadcast_in_dim3A_364, %iota3A], %gather3A_366 masked %lt3A_22 : memref<256x4xf32, #tpu.memory_space<vmem>>[vector<16xi32>, vector<16xi32>], vector<16xf32>, vector<16xi1>
      %gather3A_367 = tpu.vector_load_idx %arg8[%gather3A_363, %add3A_8] : memref<53x128xf32, #tpu.memory_space<vmem>>[vector<16xi32>, vector<16xi32>], vector<16xf32>,
      %swap3A_368 = arith.index_cast %add3A_353 : i32 to index
      %swap3A_369 = arith.constant 0 : index
      %swap3A_370 = tpu.vector_load %arg11[%swap3A_368, %swap3A_369] {strides = array<i32>} : memref<256x52xf32, #tpu.memory_space<vmem>>, vector<16xf32>,
      tpu.vector_store %arg11[%swap3A_368, %swap3A_369], %gather3A_367 {strides = array<i32>} : memref<256x52xf32, #tpu.memory_space<vmem>>, vector<16xf32>,
      %gather3A_371 = tpu.vector_load_idx %arg8[%gather3A_363, %add3A_11] : memref<53x128xf32, #tpu.memory_space<vmem>>[vector<16xi32>, vector<16xi32>], vector<16xf32>,
      %swap3A_372 = arith.index_cast %add3A_353 : i32 to index
      %swap3A_373 = arith.constant 16 : index
      %swap3A_374 = tpu.vector_load %arg11[%swap3A_372, %swap3A_373] {strides = array<i32>} : memref<256x52xf32, #tpu.memory_space<vmem>>, vector<16xf32>,
      tpu.vector_store %arg11[%swap3A_372, %swap3A_373], %gather3A_371 {strides = array<i32>} : memref<256x52xf32, #tpu.memory_space<vmem>>, vector<16xf32>,
      %gather3A_375 = tpu.vector_load_idx %arg8[%gather3A_363, %add3A_14] : memref<53x128xf32, #tpu.memory_space<vmem>>[vector<16xi32>, vector<16xi32>], vector<16xf32>,
      %swap3A_376 = arith.index_cast %add3A_353 : i32 to index
      %swap3A_377 = arith.constant 32 : index
      %swap3A_378 = tpu.vector_load %arg11[%swap3A_376, %swap3A_377] {strides = array<i32>} : memref<256x52xf32, #tpu.memory_space<vmem>>, vector<16xf32>,
      tpu.vector_store %arg11[%swap3A_376, %swap3A_377], %gather3A_375 {strides = array<i32>} : memref<256x52xf32, #tpu.memory_space<vmem>>, vector<16xf32>,
      %gather3A_379 = tpu.vector_load_idx %arg8[%gather3A_363, %add3A_17] : memref<53x128xf32, #tpu.memory_space<vmem>>[vector<16xi32>, vector<16xi32>], vector<16xf32>,
      tpu.vector_store_idx %arg11[%broadcast_in_dim3A_364, %add3A_11], %gather3A_379 masked %lt3A_22 : memref<256x52xf32, #tpu.memory_space<vmem>>[vector<16xi32>, vector<16xi32>], vector<16xf32>, vector<16xi1>
      %add3A_380 = arith.constant 11 : i32
      %add3A_381 = arith.addi %mul3A_71, %add3A_380 : i32
      %lt3A_382 = arith.constant 0 : i32
      %lt3A_383 = vector.broadcast %lt3A_382 : i32 to vector<16xi32>
      %lt3A_384 = arith.cmpi slt, %broadcast_in_dim3A_45, %lt3A_383 : vector<16xi32>
      %add3A_385 = arith.constant 16 : i32
      %add3A_386 = vector.broadcast %add3A_385 : i32 to vector<16xi32>
      %add3A_387 = arith.addi %broadcast_in_dim3A_45, %add3A_386 : vector<16xi32>
      %select_n3A_388 = arith.select %lt3A_384, %add3A_387, %broadcast_in_dim3A_45 : vector<16xi1>, vector<16xi32>
      %broadcast_in_dim3A_389 = vector.shape_cast %select_n3A_388 : vector<16xi32> to vector<16x1xi32>
      %gather3A_390 = vector.shape_cast %broadcast_in_dim3A_389 : vector<16x1xi32> to vector<16xi32>
      %gather3A_391 = tpu.dynamic_gather %get3A_74[%gather3A_390] in [0] : vector<16xi32>, vector<16xi32> -> vector<16xi32>
      %broadcast_in_dim3A_392 = vector.broadcast %add3A_381 : i32 to vector<16xi32>
      %gather3A_393 = tpu.vector_load_idx %arg8[%gather3A_391, %iota3A] : memref<53x128xf32, #tpu.memory_space<vmem>>[vector<16xi32>, vector<16xi32>], vector<16xf32>,
      tpu.vector_store_idx %arg9[%broadcast_in_dim3A_392, %iota3A], %gather3A_393 masked %lt3A_19 : memref<256x13xf32, #tpu.memory_space<vmem>>[vector<16xi32>, vector<16xi32>], vector<16xf32>, vector<16xi1>
      %gather3A_394 = tpu.vector_load_idx %arg8[%gather3A_391, %add3A_5] : memref<53x128xf32, #tpu.memory_space<vmem>>[vector<16xi32>, vector<16xi32>], vector<16xf32>,
      tpu.vector_store_idx %arg10[%broadcast_in_dim3A_392, %iota3A], %gather3A_394 masked %lt3A_22 : memref<256x4xf32, #tpu.memory_space<vmem>>[vector<16xi32>, vector<16xi32>], vector<16xf32>, vector<16xi1>
      %gather3A_395 = tpu.vector_load_idx %arg8[%gather3A_391, %add3A_8] : memref<53x128xf32, #tpu.memory_space<vmem>>[vector<16xi32>, vector<16xi32>], vector<16xf32>,
      %swap3A_396 = arith.index_cast %add3A_381 : i32 to index
      %swap3A_397 = arith.constant 0 : index
      %swap3A_398 = tpu.vector_load %arg11[%swap3A_396, %swap3A_397] {strides = array<i32>} : memref<256x52xf32, #tpu.memory_space<vmem>>, vector<16xf32>,
      tpu.vector_store %arg11[%swap3A_396, %swap3A_397], %gather3A_395 {strides = array<i32>} : memref<256x52xf32, #tpu.memory_space<vmem>>, vector<16xf32>,
      %gather3A_399 = tpu.vector_load_idx %arg8[%gather3A_391, %add3A_11] : memref<53x128xf32, #tpu.memory_space<vmem>>[vector<16xi32>, vector<16xi32>], vector<16xf32>,
      %swap3A_400 = arith.index_cast %add3A_381 : i32 to index
      %swap3A_401 = arith.constant 16 : index
      %swap3A_402 = tpu.vector_load %arg11[%swap3A_400, %swap3A_401] {strides = array<i32>} : memref<256x52xf32, #tpu.memory_space<vmem>>, vector<16xf32>,
      tpu.vector_store %arg11[%swap3A_400, %swap3A_401], %gather3A_399 {strides = array<i32>} : memref<256x52xf32, #tpu.memory_space<vmem>>, vector<16xf32>,
      %gather3A_403 = tpu.vector_load_idx %arg8[%gather3A_391, %add3A_14] : memref<53x128xf32, #tpu.memory_space<vmem>>[vector<16xi32>, vector<16xi32>], vector<16xf32>,
      %swap3A_404 = arith.index_cast %add3A_381 : i32 to index
      %swap3A_405 = arith.constant 32 : index
      %swap3A_406 = tpu.vector_load %arg11[%swap3A_404, %swap3A_405] {strides = array<i32>} : memref<256x52xf32, #tpu.memory_space<vmem>>, vector<16xf32>,
      tpu.vector_store %arg11[%swap3A_404, %swap3A_405], %gather3A_403 {strides = array<i32>} : memref<256x52xf32, #tpu.memory_space<vmem>>, vector<16xf32>,
      %gather3A_407 = tpu.vector_load_idx %arg8[%gather3A_391, %add3A_17] : memref<53x128xf32, #tpu.memory_space<vmem>>[vector<16xi32>, vector<16xi32>], vector<16xf32>,
      tpu.vector_store_idx %arg11[%broadcast_in_dim3A_392, %add3A_11], %gather3A_407 masked %lt3A_22 : memref<256x52xf32, #tpu.memory_space<vmem>>[vector<16xi32>, vector<16xi32>], vector<16xf32>, vector<16xi1>
      %add3A_408 = arith.constant 12 : i32
      %add3A_409 = arith.addi %mul3A_71, %add3A_408 : i32
      %lt3A_410 = arith.constant 0 : i32
      %lt3A_411 = vector.broadcast %lt3A_410 : i32 to vector<16xi32>
      %lt3A_412 = arith.cmpi slt, %broadcast_in_dim3A_47, %lt3A_411 : vector<16xi32>
      %add3A_413 = arith.constant 16 : i32
      %add3A_414 = vector.broadcast %add3A_413 : i32 to vector<16xi32>
      %add3A_415 = arith.addi %broadcast_in_dim3A_47, %add3A_414 : vector<16xi32>
      %select_n3A_416 = arith.select %lt3A_412, %add3A_415, %broadcast_in_dim3A_47 : vector<16xi1>, vector<16xi32>
      %broadcast_in_dim3A_417 = vector.shape_cast %select_n3A_416 : vector<16xi32> to vector<16x1xi32>
      %gather3A_418 = vector.shape_cast %broadcast_in_dim3A_417 : vector<16x1xi32> to vector<16xi32>
      %gather3A_419 = tpu.dynamic_gather %get3A_74[%gather3A_418] in [0] : vector<16xi32>, vector<16xi32> -> vector<16xi32>
      %broadcast_in_dim3A_420 = vector.broadcast %add3A_409 : i32 to vector<16xi32>
      %gather3A_421 = tpu.vector_load_idx %arg8[%gather3A_419, %iota3A] : memref<53x128xf32, #tpu.memory_space<vmem>>[vector<16xi32>, vector<16xi32>], vector<16xf32>,
      tpu.vector_store_idx %arg9[%broadcast_in_dim3A_420, %iota3A], %gather3A_421 masked %lt3A_19 : memref<256x13xf32, #tpu.memory_space<vmem>>[vector<16xi32>, vector<16xi32>], vector<16xf32>, vector<16xi1>
      %gather3A_422 = tpu.vector_load_idx %arg8[%gather3A_419, %add3A_5] : memref<53x128xf32, #tpu.memory_space<vmem>>[vector<16xi32>, vector<16xi32>], vector<16xf32>,
      tpu.vector_store_idx %arg10[%broadcast_in_dim3A_420, %iota3A], %gather3A_422 masked %lt3A_22 : memref<256x4xf32, #tpu.memory_space<vmem>>[vector<16xi32>, vector<16xi32>], vector<16xf32>, vector<16xi1>
      %gather3A_423 = tpu.vector_load_idx %arg8[%gather3A_419, %add3A_8] : memref<53x128xf32, #tpu.memory_space<vmem>>[vector<16xi32>, vector<16xi32>], vector<16xf32>,
      %swap3A_424 = arith.index_cast %add3A_409 : i32 to index
      %swap3A_425 = arith.constant 0 : index
      %swap3A_426 = tpu.vector_load %arg11[%swap3A_424, %swap3A_425] {strides = array<i32>} : memref<256x52xf32, #tpu.memory_space<vmem>>, vector<16xf32>,
      tpu.vector_store %arg11[%swap3A_424, %swap3A_425], %gather3A_423 {strides = array<i32>} : memref<256x52xf32, #tpu.memory_space<vmem>>, vector<16xf32>,
      %gather3A_427 = tpu.vector_load_idx %arg8[%gather3A_419, %add3A_11] : memref<53x128xf32, #tpu.memory_space<vmem>>[vector<16xi32>, vector<16xi32>], vector<16xf32>,
      %swap3A_428 = arith.index_cast %add3A_409 : i32 to index
      %swap3A_429 = arith.constant 16 : index
      %swap3A_430 = tpu.vector_load %arg11[%swap3A_428, %swap3A_429] {strides = array<i32>} : memref<256x52xf32, #tpu.memory_space<vmem>>, vector<16xf32>,
      tpu.vector_store %arg11[%swap3A_428, %swap3A_429], %gather3A_427 {strides = array<i32>} : memref<256x52xf32, #tpu.memory_space<vmem>>, vector<16xf32>,
      %gather3A_431 = tpu.vector_load_idx %arg8[%gather3A_419, %add3A_14] : memref<53x128xf32, #tpu.memory_space<vmem>>[vector<16xi32>, vector<16xi32>], vector<16xf32>,
      %swap3A_432 = arith.index_cast %add3A_409 : i32 to index
      %swap3A_433 = arith.constant 32 : index
      %swap3A_434 = tpu.vector_load %arg11[%swap3A_432, %swap3A_433] {strides = array<i32>} : memref<256x52xf32, #tpu.memory_space<vmem>>, vector<16xf32>,
      tpu.vector_store %arg11[%swap3A_432, %swap3A_433], %gather3A_431 {strides = array<i32>} : memref<256x52xf32, #tpu.memory_space<vmem>>, vector<16xf32>,
      %gather3A_435 = tpu.vector_load_idx %arg8[%gather3A_419, %add3A_17] : memref<53x128xf32, #tpu.memory_space<vmem>>[vector<16xi32>, vector<16xi32>], vector<16xf32>,
      tpu.vector_store_idx %arg11[%broadcast_in_dim3A_420, %add3A_11], %gather3A_435 masked %lt3A_22 : memref<256x52xf32, #tpu.memory_space<vmem>>[vector<16xi32>, vector<16xi32>], vector<16xf32>, vector<16xi1>
      %add3A_436 = arith.constant 13 : i32
      %add3A_437 = arith.addi %mul3A_71, %add3A_436 : i32
      %lt3A_438 = arith.constant 0 : i32
      %lt3A_439 = vector.broadcast %lt3A_438 : i32 to vector<16xi32>
      %lt3A_440 = arith.cmpi slt, %broadcast_in_dim3A_49, %lt3A_439 : vector<16xi32>
      %add3A_441 = arith.constant 16 : i32
      %add3A_442 = vector.broadcast %add3A_441 : i32 to vector<16xi32>
      %add3A_443 = arith.addi %broadcast_in_dim3A_49, %add3A_442 : vector<16xi32>
      %select_n3A_444 = arith.select %lt3A_440, %add3A_443, %broadcast_in_dim3A_49 : vector<16xi1>, vector<16xi32>
      %broadcast_in_dim3A_445 = vector.shape_cast %select_n3A_444 : vector<16xi32> to vector<16x1xi32>
      %gather3A_446 = vector.shape_cast %broadcast_in_dim3A_445 : vector<16x1xi32> to vector<16xi32>
      %gather3A_447 = tpu.dynamic_gather %get3A_74[%gather3A_446] in [0] : vector<16xi32>, vector<16xi32> -> vector<16xi32>
      %broadcast_in_dim3A_448 = vector.broadcast %add3A_437 : i32 to vector<16xi32>
      %gather3A_449 = tpu.vector_load_idx %arg8[%gather3A_447, %iota3A] : memref<53x128xf32, #tpu.memory_space<vmem>>[vector<16xi32>, vector<16xi32>], vector<16xf32>,
      tpu.vector_store_idx %arg9[%broadcast_in_dim3A_448, %iota3A], %gather3A_449 masked %lt3A_19 : memref<256x13xf32, #tpu.memory_space<vmem>>[vector<16xi32>, vector<16xi32>], vector<16xf32>, vector<16xi1>
      %gather3A_450 = tpu.vector_load_idx %arg8[%gather3A_447, %add3A_5] : memref<53x128xf32, #tpu.memory_space<vmem>>[vector<16xi32>, vector<16xi32>], vector<16xf32>,
      tpu.vector_store_idx %arg10[%broadcast_in_dim3A_448, %iota3A], %gather3A_450 masked %lt3A_22 : memref<256x4xf32, #tpu.memory_space<vmem>>[vector<16xi32>, vector<16xi32>], vector<16xf32>, vector<16xi1>
      %gather3A_451 = tpu.vector_load_idx %arg8[%gather3A_447, %add3A_8] : memref<53x128xf32, #tpu.memory_space<vmem>>[vector<16xi32>, vector<16xi32>], vector<16xf32>,
      %swap3A_452 = arith.index_cast %add3A_437 : i32 to index
      %swap3A_453 = arith.constant 0 : index
      %swap3A_454 = tpu.vector_load %arg11[%swap3A_452, %swap3A_453] {strides = array<i32>} : memref<256x52xf32, #tpu.memory_space<vmem>>, vector<16xf32>,
      tpu.vector_store %arg11[%swap3A_452, %swap3A_453], %gather3A_451 {strides = array<i32>} : memref<256x52xf32, #tpu.memory_space<vmem>>, vector<16xf32>,
      %gather3A_455 = tpu.vector_load_idx %arg8[%gather3A_447, %add3A_11] : memref<53x128xf32, #tpu.memory_space<vmem>>[vector<16xi32>, vector<16xi32>], vector<16xf32>,
      %swap3A_456 = arith.index_cast %add3A_437 : i32 to index
      %swap3A_457 = arith.constant 16 : index
      %swap3A_458 = tpu.vector_load %arg11[%swap3A_456, %swap3A_457] {strides = array<i32>} : memref<256x52xf32, #tpu.memory_space<vmem>>, vector<16xf32>,
      tpu.vector_store %arg11[%swap3A_456, %swap3A_457], %gather3A_455 {strides = array<i32>} : memref<256x52xf32, #tpu.memory_space<vmem>>, vector<16xf32>,
      %gather3A_459 = tpu.vector_load_idx %arg8[%gather3A_447, %add3A_14] : memref<53x128xf32, #tpu.memory_space<vmem>>[vector<16xi32>, vector<16xi32>], vector<16xf32>,
      %swap3A_460 = arith.index_cast %add3A_437 : i32 to index
      %swap3A_461 = arith.constant 32 : index
      %swap3A_462 = tpu.vector_load %arg11[%swap3A_460, %swap3A_461] {strides = array<i32>} : memref<256x52xf32, #tpu.memory_space<vmem>>, vector<16xf32>,
      tpu.vector_store %arg11[%swap3A_460, %swap3A_461], %gather3A_459 {strides = array<i32>} : memref<256x52xf32, #tpu.memory_space<vmem>>, vector<16xf32>,
      %gather3A_463 = tpu.vector_load_idx %arg8[%gather3A_447, %add3A_17] : memref<53x128xf32, #tpu.memory_space<vmem>>[vector<16xi32>, vector<16xi32>], vector<16xf32>,
      tpu.vector_store_idx %arg11[%broadcast_in_dim3A_448, %add3A_11], %gather3A_463 masked %lt3A_22 : memref<256x52xf32, #tpu.memory_space<vmem>>[vector<16xi32>, vector<16xi32>], vector<16xf32>, vector<16xi1>
      %add3A_464 = arith.constant 14 : i32
      %add3A_465 = arith.addi %mul3A_71, %add3A_464 : i32
      %lt3A_466 = arith.constant 0 : i32
      %lt3A_467 = vector.broadcast %lt3A_466 : i32 to vector<16xi32>
      %lt3A_468 = arith.cmpi slt, %broadcast_in_dim3A_51, %lt3A_467 : vector<16xi32>
      %add3A_469 = arith.constant 16 : i32
      %add3A_470 = vector.broadcast %add3A_469 : i32 to vector<16xi32>
      %add3A_471 = arith.addi %broadcast_in_dim3A_51, %add3A_470 : vector<16xi32>
      %select_n3A_472 = arith.select %lt3A_468, %add3A_471, %broadcast_in_dim3A_51 : vector<16xi1>, vector<16xi32>
      %broadcast_in_dim3A_473 = vector.shape_cast %select_n3A_472 : vector<16xi32> to vector<16x1xi32>
      %gather3A_474 = vector.shape_cast %broadcast_in_dim3A_473 : vector<16x1xi32> to vector<16xi32>
      %gather3A_475 = tpu.dynamic_gather %get3A_74[%gather3A_474] in [0] : vector<16xi32>, vector<16xi32> -> vector<16xi32>
      %broadcast_in_dim3A_476 = vector.broadcast %add3A_465 : i32 to vector<16xi32>
      %gather3A_477 = tpu.vector_load_idx %arg8[%gather3A_475, %iota3A] : memref<53x128xf32, #tpu.memory_space<vmem>>[vector<16xi32>, vector<16xi32>], vector<16xf32>,
      tpu.vector_store_idx %arg9[%broadcast_in_dim3A_476, %iota3A], %gather3A_477 masked %lt3A_19 : memref<256x13xf32, #tpu.memory_space<vmem>>[vector<16xi32>, vector<16xi32>], vector<16xf32>, vector<16xi1>
      %gather3A_478 = tpu.vector_load_idx %arg8[%gather3A_475, %add3A_5] : memref<53x128xf32, #tpu.memory_space<vmem>>[vector<16xi32>, vector<16xi32>], vector<16xf32>,
      tpu.vector_store_idx %arg10[%broadcast_in_dim3A_476, %iota3A], %gather3A_478 masked %lt3A_22 : memref<256x4xf32, #tpu.memory_space<vmem>>[vector<16xi32>, vector<16xi32>], vector<16xf32>, vector<16xi1>
      %gather3A_479 = tpu.vector_load_idx %arg8[%gather3A_475, %add3A_8] : memref<53x128xf32, #tpu.memory_space<vmem>>[vector<16xi32>, vector<16xi32>], vector<16xf32>,
      %swap3A_480 = arith.index_cast %add3A_465 : i32 to index
      %swap3A_481 = arith.constant 0 : index
      %swap3A_482 = tpu.vector_load %arg11[%swap3A_480, %swap3A_481] {strides = array<i32>} : memref<256x52xf32, #tpu.memory_space<vmem>>, vector<16xf32>,
      tpu.vector_store %arg11[%swap3A_480, %swap3A_481], %gather3A_479 {strides = array<i32>} : memref<256x52xf32, #tpu.memory_space<vmem>>, vector<16xf32>,
      %gather3A_483 = tpu.vector_load_idx %arg8[%gather3A_475, %add3A_11] : memref<53x128xf32, #tpu.memory_space<vmem>>[vector<16xi32>, vector<16xi32>], vector<16xf32>,
      %swap3A_484 = arith.index_cast %add3A_465 : i32 to index
      %swap3A_485 = arith.constant 16 : index
      %swap3A_486 = tpu.vector_load %arg11[%swap3A_484, %swap3A_485] {strides = array<i32>} : memref<256x52xf32, #tpu.memory_space<vmem>>, vector<16xf32>,
      tpu.vector_store %arg11[%swap3A_484, %swap3A_485], %gather3A_483 {strides = array<i32>} : memref<256x52xf32, #tpu.memory_space<vmem>>, vector<16xf32>,
      %gather3A_487 = tpu.vector_load_idx %arg8[%gather3A_475, %add3A_14] : memref<53x128xf32, #tpu.memory_space<vmem>>[vector<16xi32>, vector<16xi32>], vector<16xf32>,
      %swap3A_488 = arith.index_cast %add3A_465 : i32 to index
      %swap3A_489 = arith.constant 32 : index
      %swap3A_490 = tpu.vector_load %arg11[%swap3A_488, %swap3A_489] {strides = array<i32>} : memref<256x52xf32, #tpu.memory_space<vmem>>, vector<16xf32>,
      tpu.vector_store %arg11[%swap3A_488, %swap3A_489], %gather3A_487 {strides = array<i32>} : memref<256x52xf32, #tpu.memory_space<vmem>>, vector<16xf32>,
      %gather3A_491 = tpu.vector_load_idx %arg8[%gather3A_475, %add3A_17] : memref<53x128xf32, #tpu.memory_space<vmem>>[vector<16xi32>, vector<16xi32>], vector<16xf32>,
      tpu.vector_store_idx %arg11[%broadcast_in_dim3A_476, %add3A_11], %gather3A_491 masked %lt3A_22 : memref<256x52xf32, #tpu.memory_space<vmem>>[vector<16xi32>, vector<16xi32>], vector<16xf32>, vector<16xi1>
      %add3A_492 = arith.constant 15 : i32
      %add3A_493 = arith.addi %mul3A_71, %add3A_492 : i32
      %lt3A_494 = arith.constant 0 : i32
      %lt3A_495 = vector.broadcast %lt3A_494 : i32 to vector<16xi32>
      %lt3A_496 = arith.cmpi slt, %broadcast_in_dim3A_53, %lt3A_495 : vector<16xi32>
      %add3A_497 = arith.constant 16 : i32
      %add3A_498 = vector.broadcast %add3A_497 : i32 to vector<16xi32>
      %add3A_499 = arith.addi %broadcast_in_dim3A_53, %add3A_498 : vector<16xi32>
      %select_n3A_500 = arith.select %lt3A_496, %add3A_499, %broadcast_in_dim3A_53 : vector<16xi1>, vector<16xi32>
      %broadcast_in_dim3A_501 = vector.shape_cast %select_n3A_500 : vector<16xi32> to vector<16x1xi32>
      %gather3A_502 = vector.shape_cast %broadcast_in_dim3A_501 : vector<16x1xi32> to vector<16xi32>
      %gather3A_503 = tpu.dynamic_gather %get3A_74[%gather3A_502] in [0] : vector<16xi32>, vector<16xi32> -> vector<16xi32>
      %broadcast_in_dim3A_504 = vector.broadcast %add3A_493 : i32 to vector<16xi32>
      %gather3A_505 = tpu.vector_load_idx %arg8[%gather3A_503, %iota3A] : memref<53x128xf32, #tpu.memory_space<vmem>>[vector<16xi32>, vector<16xi32>], vector<16xf32>,
      tpu.vector_store_idx %arg9[%broadcast_in_dim3A_504, %iota3A], %gather3A_505 masked %lt3A_19 : memref<256x13xf32, #tpu.memory_space<vmem>>[vector<16xi32>, vector<16xi32>], vector<16xf32>, vector<16xi1>
      %gather3A_506 = tpu.vector_load_idx %arg8[%gather3A_503, %add3A_5] : memref<53x128xf32, #tpu.memory_space<vmem>>[vector<16xi32>, vector<16xi32>], vector<16xf32>,
      tpu.vector_store_idx %arg10[%broadcast_in_dim3A_504, %iota3A], %gather3A_506 masked %lt3A_22 : memref<256x4xf32, #tpu.memory_space<vmem>>[vector<16xi32>, vector<16xi32>], vector<16xf32>, vector<16xi1>
      %gather3A_507 = tpu.vector_load_idx %arg8[%gather3A_503, %add3A_8] : memref<53x128xf32, #tpu.memory_space<vmem>>[vector<16xi32>, vector<16xi32>], vector<16xf32>,
      %swap3A_508 = arith.index_cast %add3A_493 : i32 to index
      %swap3A_509 = arith.constant 0 : index
      %swap3A_510 = tpu.vector_load %arg11[%swap3A_508, %swap3A_509] {strides = array<i32>} : memref<256x52xf32, #tpu.memory_space<vmem>>, vector<16xf32>,
      tpu.vector_store %arg11[%swap3A_508, %swap3A_509], %gather3A_507 {strides = array<i32>} : memref<256x52xf32, #tpu.memory_space<vmem>>, vector<16xf32>,
      %gather3A_511 = tpu.vector_load_idx %arg8[%gather3A_503, %add3A_11] : memref<53x128xf32, #tpu.memory_space<vmem>>[vector<16xi32>, vector<16xi32>], vector<16xf32>,
      %swap3A_512 = arith.index_cast %add3A_493 : i32 to index
      %swap3A_513 = arith.constant 16 : index
      %swap3A_514 = tpu.vector_load %arg11[%swap3A_512, %swap3A_513] {strides = array<i32>} : memref<256x52xf32, #tpu.memory_space<vmem>>, vector<16xf32>,
      tpu.vector_store %arg11[%swap3A_512, %swap3A_513], %gather3A_511 {strides = array<i32>} : memref<256x52xf32, #tpu.memory_space<vmem>>, vector<16xf32>,
      %gather3A_515 = tpu.vector_load_idx %arg8[%gather3A_503, %add3A_14] : memref<53x128xf32, #tpu.memory_space<vmem>>[vector<16xi32>, vector<16xi32>], vector<16xf32>,
      %swap3A_516 = arith.index_cast %add3A_493 : i32 to index
      %swap3A_517 = arith.constant 32 : index
      %swap3A_518 = tpu.vector_load %arg11[%swap3A_516, %swap3A_517] {strides = array<i32>} : memref<256x52xf32, #tpu.memory_space<vmem>>, vector<16xf32>,
      tpu.vector_store %arg11[%swap3A_516, %swap3A_517], %gather3A_515 {strides = array<i32>} : memref<256x52xf32, #tpu.memory_space<vmem>>, vector<16xf32>,
      %gather3A_519 = tpu.vector_load_idx %arg8[%gather3A_503, %add3A_17] : memref<53x128xf32, #tpu.memory_space<vmem>>[vector<16xi32>, vector<16xi32>], vector<16xf32>,
      tpu.vector_store_idx %arg11[%broadcast_in_dim3A_504, %add3A_11], %gather3A_519 masked %lt3A_22 : memref<256x52xf32, #tpu.memory_space<vmem>>[vector<16xi32>, vector<16xi32>], vector<16xf32>, vector<16xi1>
    }
    %scan3A_66 = arith.constant 16 : i32
    %add3A_67 = arith.constant 256 : i32
    %add3A_68 = arith.addi %mul3A_2, %add3A_67 : i32
    "tpu.region"() ({
      %run_scoped3A = tpu.sem_alloc : memref<!tpu.dma_semaphore, #tpu.memory_space<semaphore_mem>>
      %dma_start3A = arith.constant 0 : i32
      %dma_start3A_69 = tpu.memref_slice %arg4[%add3A_68, %dma_start3A] : memref<16384x13xf32, #tpu.memory_space<hbm>> -> memref<256x13xf32, #tpu.memory_space<hbm>>
      %dma_start3A_70 = arith.constant 0 : i32
      %dma_start3A_71 = tpu.memref_slice %arg4[%add3A_68, %dma_start3A_70] : memref<16384x13xf32, #tpu.memory_space<hbm>> -> memref<256x13xf32, #tpu.memory_space<hbm>>
      tpu.enqueue_dma source(%arg9 : memref<256x13xf32, #tpu.memory_space<vmem>>) target(%dma_start3A_71 : memref<256x13xf32, #tpu.memory_space<hbm>>) target_semaphore(%run_scoped3A : memref<!tpu.dma_semaphore, #tpu.memory_space<semaphore_mem>>)
      %dma_wait3A = arith.constant 0 : i32
      %dma_wait3A_72 = tpu.memref_slice %arg4[%add3A_68, %dma_wait3A] : memref<16384x13xf32, #tpu.memory_space<hbm>> -> memref<256x13xf32, #tpu.memory_space<hbm>>
      %dma_wait3A_73 = arith.constant 0 : i32
      %dma_wait3A_74 = tpu.memref_slice %arg4[%add3A_68, %dma_wait3A_73] : memref<16384x13xf32, #tpu.memory_space<hbm>> -> memref<256x13xf32, #tpu.memory_space<hbm>>
      tpu.wait_dma2 semaphore(%run_scoped3A : memref<!tpu.dma_semaphore, #tpu.memory_space<semaphore_mem>>) src(%arg9 : memref<256x13xf32, #tpu.memory_space<vmem>>) dst(%dma_wait3A_74 : memref<256x13xf32, #tpu.memory_space<hbm>>)
      tpu.yield
    }) : () -> ()
    "tpu.region"() ({
      %run_scoped3A = tpu.sem_alloc : memref<!tpu.dma_semaphore, #tpu.memory_space<semaphore_mem>>
      %dma_start3A = arith.constant 0 : i32
      %dma_start3A_69 = tpu.memref_slice %arg5[%add3A_68, %dma_start3A] : memref<16384x4xf32, #tpu.memory_space<hbm>> -> memref<256x4xf32, #tpu.memory_space<hbm>>
      %dma_start3A_70 = arith.constant 0 : i32
      %dma_start3A_71 = tpu.memref_slice %arg5[%add3A_68, %dma_start3A_70] : memref<16384x4xf32, #tpu.memory_space<hbm>> -> memref<256x4xf32, #tpu.memory_space<hbm>>
      tpu.enqueue_dma source(%arg10 : memref<256x4xf32, #tpu.memory_space<vmem>>) target(%dma_start3A_71 : memref<256x4xf32, #tpu.memory_space<hbm>>) target_semaphore(%run_scoped3A : memref<!tpu.dma_semaphore, #tpu.memory_space<semaphore_mem>>)
      %dma_wait3A = arith.constant 0 : i32
      %dma_wait3A_72 = tpu.memref_slice %arg5[%add3A_68, %dma_wait3A] : memref<16384x4xf32, #tpu.memory_space<hbm>> -> memref<256x4xf32, #tpu.memory_space<hbm>>
      %dma_wait3A_73 = arith.constant 0 : i32
      %dma_wait3A_74 = tpu.memref_slice %arg5[%add3A_68, %dma_wait3A_73] : memref<16384x4xf32, #tpu.memory_space<hbm>> -> memref<256x4xf32, #tpu.memory_space<hbm>>
      tpu.wait_dma2 semaphore(%run_scoped3A : memref<!tpu.dma_semaphore, #tpu.memory_space<semaphore_mem>>) src(%arg10 : memref<256x4xf32, #tpu.memory_space<vmem>>) dst(%dma_wait3A_74 : memref<256x4xf32, #tpu.memory_space<hbm>>)
      tpu.yield
    }) : () -> ()
    "tpu.region"() ({
      %run_scoped3A = tpu.sem_alloc : memref<!tpu.dma_semaphore, #tpu.memory_space<semaphore_mem>>
      %dma_start3A = arith.constant 0 : i32
      %dma_start3A_69 = tpu.memref_slice %arg6[%add3A_68, %dma_start3A] : memref<16384x52xf32, #tpu.memory_space<hbm>> -> memref<256x52xf32, #tpu.memory_space<hbm>>
      %dma_start3A_70 = arith.constant 0 : i32
      %dma_start3A_71 = tpu.memref_slice %arg6[%add3A_68, %dma_start3A_70] : memref<16384x52xf32, #tpu.memory_space<hbm>> -> memref<256x52xf32, #tpu.memory_space<hbm>>
      tpu.enqueue_dma source(%arg11 : memref<256x52xf32, #tpu.memory_space<vmem>>) target(%dma_start3A_71 : memref<256x52xf32, #tpu.memory_space<hbm>>) target_semaphore(%run_scoped3A : memref<!tpu.dma_semaphore, #tpu.memory_space<semaphore_mem>>)
      %dma_wait3A = arith.constant 0 : i32
      %dma_wait3A_72 = tpu.memref_slice %arg6[%add3A_68, %dma_wait3A] : memref<16384x52xf32, #tpu.memory_space<hbm>> -> memref<256x52xf32, #tpu.memory_space<hbm>>
      %dma_wait3A_73 = arith.constant 0 : i32
      %dma_wait3A_74 = tpu.memref_slice %arg6[%add3A_68, %dma_wait3A_73] : memref<16384x52xf32, #tpu.memory_space<hbm>> -> memref<256x52xf32, #tpu.memory_space<hbm>>
      tpu.wait_dma2 semaphore(%run_scoped3A : memref<!tpu.dma_semaphore, #tpu.memory_space<semaphore_mem>>) src(%arg11 : memref<256x52xf32, #tpu.memory_space<vmem>>) dst(%dma_wait3A_74 : memref<256x52xf32, #tpu.memory_space<hbm>>)
      tpu.yield
    }) : () -> ()
    return
  }
}

module attributes {stable_mosaic.version = 14 : i64} {
  func.func @_table_body(%arg0: memref<53x2xf32, #tpu.memory_space<vmem>>, %arg1: memref<53x2xf32, #tpu.memory_space<vmem>>, %arg2: memref<53x12xf32, #tpu.memory_space<vmem>>, %arg3: memref<16x16xf32, #tpu.memory_space<vmem>>, %arg4: memref<1x16xf32, #tpu.memory_space<vmem>>, %arg5: memref<16x13xf32, #tpu.memory_space<vmem>>, %arg6: memref<1x13xf32, #tpu.memory_space<vmem>>, %arg7: memref<16x4xf32, #tpu.memory_space<vmem>>, %arg8: memref<1x4xf32, #tpu.memory_space<vmem>>, %arg9: memref<16x52xf32, #tpu.memory_space<vmem>>, %arg10: memref<1x52xf32, #tpu.memory_space<vmem>>, %arg11: memref<53x128xf32, #tpu.memory_space<vmem>>) attributes {dimension_semantics = [], scalar_prefetch = 0 : i64, scratch_operands = 0 : i64, tpu.core_type = #tpu.core_type<tc>} {
    %get3A = arith.constant 0 : index
    %get3A_0 = arith.constant 0 : index
    %get3A_1 = vector.load %arg0[%get3A, %get3A_0] : memref<53x2xf32, #tpu.memory_space<vmem>>, vector<53x2xf32>
    %get3A_2 = arith.constant 0 : index
    %get3A_3 = arith.constant 0 : index
    %get3A_4 = vector.load %arg1[%get3A_2, %get3A_3] : memref<53x2xf32, #tpu.memory_space<vmem>>, vector<53x2xf32>
    %get3A_5 = arith.constant 0 : index
    %get3A_6 = arith.constant 0 : index
    %get3A_7 = vector.load %arg2[%get3A_5, %get3A_6] : memref<53x12xf32, #tpu.memory_space<vmem>>, vector<53x12xf32>
    %concatenate3A = tpu.concatenate %get3A_1, %get3A_4, %get3A_7 in 1 : vector<53x2xf32>, vector<53x2xf32>, vector<53x12xf32> -> vector<53x16xf32>
    %get3A_8 = arith.constant 0 : index
    %get3A_9 = arith.constant 0 : index
    %get3A_10 = vector.load %arg3[%get3A_8, %get3A_9] : memref<16x16xf32, #tpu.memory_space<vmem>>, vector<16x16xf32>
    %dot_general3A = arith.constant dense<0.000000e+00> : vector<53x16xf32>
    %dot_general3A_11 = tpu.matmul %concatenate3A, %get3A_10, %dot_general3A {dimension_numbers = #tpu.dot_dimension_numbers<[1], [0], [0], [1], [0, 0, 1, 1], [], []>, transpose_lhs_hint = false} : vector<53x16xf32>, vector<16x16xf32>, vector<53x16xf32> -> vector<53x16xf32>
    %get3A_12 = arith.constant 0 : index
    %get3A_13 = arith.constant 0 : index
    %get3A_14 = vector.load %arg4[%get3A_12, %get3A_13] : memref<1x16xf32, #tpu.memory_space<vmem>>, vector<1x16xf32>
    %add3A = vector.broadcast %get3A_14 : vector<1x16xf32> to vector<53x16xf32>
    %add3A_15 = arith.addf %dot_general3A_11, %add3A : vector<53x16xf32>
    %broadcast_in_dim3A = arith.constant 0.000000e+00 : f32
    %broadcast_in_dim3A_16 = vector.broadcast %broadcast_in_dim3A : f32 to vector<53x128xf32>
    %swap3A = arith.constant 0 : index
    %swap3A_17 = arith.constant 0 : index
    %swap3A_18 = vector.load %arg11[%swap3A, %swap3A_17] : memref<53x128xf32, #tpu.memory_space<vmem>>, vector<53x128xf32>
    tpu.vector_store %arg11[%swap3A, %swap3A_17], %broadcast_in_dim3A_16 {strides = array<i32>} : memref<53x128xf32, #tpu.memory_space<vmem>>, vector<53x128xf32>,
    %get3A_19 = arith.constant 0 : index
    %get3A_20 = arith.constant 0 : index
    %get3A_21 = vector.load %arg5[%get3A_19, %get3A_20] : memref<16x13xf32, #tpu.memory_space<vmem>>, vector<16x13xf32>
    %dot_general3A_22 = arith.constant dense<0.000000e+00> : vector<53x13xf32>
    %dot_general3A_23 = tpu.matmul %add3A_15, %get3A_21, %dot_general3A_22 {dimension_numbers = #tpu.dot_dimension_numbers<[1], [0], [0], [1], [0, 0, 1, 1], [], []>, transpose_lhs_hint = false} : vector<53x16xf32>, vector<16x13xf32>, vector<53x13xf32> -> vector<53x13xf32>
    %get3A_24 = arith.constant 0 : index
    %get3A_25 = arith.constant 0 : index
    %get3A_26 = vector.load %arg6[%get3A_24, %get3A_25] : memref<1x13xf32, #tpu.memory_space<vmem>>, vector<1x13xf32>
    %add3A_27 = vector.broadcast %get3A_26 : vector<1x13xf32> to vector<53x13xf32>
    %add3A_28 = arith.addf %dot_general3A_23, %add3A_27 : vector<53x13xf32>
    %swap3A_29 = arith.constant 0 : index
    %swap3A_30 = arith.constant 0 : index
    %swap3A_31 = vector.load %arg11[%swap3A_29, %swap3A_30] : memref<53x128xf32, #tpu.memory_space<vmem>>, vector<53x13xf32>
    tpu.vector_store %arg11[%swap3A_29, %swap3A_30], %add3A_28 {strides = array<i32>} : memref<53x128xf32, #tpu.memory_space<vmem>>, vector<53x13xf32>,
    %get3A_32 = arith.constant 0 : index
    %get3A_33 = arith.constant 0 : index
    %get3A_34 = vector.load %arg7[%get3A_32, %get3A_33] : memref<16x4xf32, #tpu.memory_space<vmem>>, vector<16x4xf32>
    %dot_general3A_35 = arith.constant dense<0.000000e+00> : vector<53x4xf32>
    %dot_general3A_36 = tpu.matmul %add3A_15, %get3A_34, %dot_general3A_35 {dimension_numbers = #tpu.dot_dimension_numbers<[1], [0], [0], [1], [0, 0, 1, 1], [], []>, transpose_lhs_hint = false} : vector<53x16xf32>, vector<16x4xf32>, vector<53x4xf32> -> vector<53x4xf32>
    %get3A_37 = arith.constant 0 : index
    %get3A_38 = arith.constant 0 : index
    %get3A_39 = vector.load %arg8[%get3A_37, %get3A_38] : memref<1x4xf32, #tpu.memory_space<vmem>>, vector<1x4xf32>
    %add3A_40 = vector.broadcast %get3A_39 : vector<1x4xf32> to vector<53x4xf32>
    %add3A_41 = arith.addf %dot_general3A_36, %add3A_40 : vector<53x4xf32>
    %swap3A_42 = arith.constant 0 : index
    %swap3A_43 = arith.constant 16 : index
    %swap3A_44 = vector.load %arg11[%swap3A_42, %swap3A_43] : memref<53x128xf32, #tpu.memory_space<vmem>>, vector<53x4xf32>
    tpu.vector_store %arg11[%swap3A_42, %swap3A_43], %add3A_41 {strides = array<i32>} : memref<53x128xf32, #tpu.memory_space<vmem>>, vector<53x4xf32>,
    %get3A_45 = arith.constant 0 : index
    %get3A_46 = arith.constant 0 : index
    %get3A_47 = vector.load %arg9[%get3A_45, %get3A_46] : memref<16x52xf32, #tpu.memory_space<vmem>>, vector<16x52xf32>
    %dot_general3A_48 = arith.constant dense<0.000000e+00> : vector<53x52xf32>
    %dot_general3A_49 = tpu.matmul %add3A_15, %get3A_47, %dot_general3A_48 {dimension_numbers = #tpu.dot_dimension_numbers<[1], [0], [0], [1], [0, 0, 1, 1], [], []>, transpose_lhs_hint = false} : vector<53x16xf32>, vector<16x52xf32>, vector<53x52xf32> -> vector<53x52xf32>
    %get3A_50 = arith.constant 0 : index
    %get3A_51 = arith.constant 0 : index
    %get3A_52 = vector.load %arg10[%get3A_50, %get3A_51] : memref<1x52xf32, #tpu.memory_space<vmem>>, vector<1x52xf32>
    %add3A_53 = vector.broadcast %get3A_52 : vector<1x52xf32> to vector<53x52xf32>
    %add3A_54 = arith.addf %dot_general3A_49, %add3A_53 : vector<53x52xf32>
    %swap3A_55 = arith.constant 0 : index
    %swap3A_56 = arith.constant 32 : index
    %swap3A_57 = vector.load %arg11[%swap3A_55, %swap3A_56] : memref<53x128xf32, #tpu.memory_space<vmem>>, vector<53x52xf32>
    tpu.vector_store %arg11[%swap3A_55, %swap3A_56], %add3A_54 {strides = array<i32>} : memref<53x128xf32, #tpu.memory_space<vmem>>, vector<53x52xf32>,
    return
  }
}

</mosaic_0001>

<sc_bundles>
// kernel: kernel.4.cloned.1.call-start
scs
__scs_entry_jumppad:
0x0: {  	(pc) =	sbr.rel $0x88, $3  }
0x1: {  	(tag) =	ssettag $0x0;
	lr =	simm.s32 $0x1  }
0x2: {  	[smem:$0x3F95] =	sst lr;
	_ =	strace $0xD0000000  }
0x3: {  	_ = 	snop  }
0x4: {  	_ = 	snop  }
0x5: {  	_ = 	snop  }
0x6: {  	_ = 	snop  }
0x7: {  	_ = 	snop  }
__scs_overlays_trampoline_lowered:
0x8: {  	[smem:$0x3FA4] =	sst s0  }
0x9: {  	[smem:$0x3FA5] =	sst s1  }
0xa: {  	[smem:$0x3FA6] =	sst s2  }
0xb: {  	[smem:$0x3FA7] =	sst s3  }
0xc: {  	[smem:$0x3FA8] =	sst s4  }
0xd: {  	[smem:$0x3FA9] =	sst s5  }
0xe: {  	[smem:$0x3FAA] =	sst s6  }
0xf: {  	[smem:$0x3FAB] =	sst s7  }
0x10: {  	[smem:$0x3FAC] =	sst s8  }
0x11: {  	[smem:$0x3FAD] =	sst s9;
	s0 =	simm.s32 @!p0 $0x0  }
0x12: {  	s1 =	sld [smem:$0x3F93];
	s0 =	simm.s32 @p0 $0x1  }
0x13: {  	[smem:$0x3FAE] =	sst s0;
	s0 =	simm.s32 @!p1 $0x0  }
0x14: {  	s2 =	sld [smem:$0x3F92];
	s0 =	simm.s32 @p1 $0x1  }
0x15: {  	[smem:$0x3FAF] =	sst s0;
	s0 =	simm.s32 @!p2 $0x0  }
0x16: {  	s3 =	sld [smem:$0x3FDB];
	s0 =	simm.s32 @p2 $0x1  }
0x17: {  	s4 =	simm.s32 $0x1BF5;
	[smem:$0x3FB1] =	sst s0  }
0x18: {  	s0 =	sld [smem:$0x3F94];
	_ =	swait.ge [sflag:s4], $0x0  }
0x19: {  	s7 =	sld [smem:$0x3F95]  }
0x1a: {  	s8 =	sadd.s32 $0xFFFFE003, lr  }
0x1b: {  	s9 =	sadd.s32 $0xFFFFFEF7, lr;
	s5 =	simm.s32 $0xFFFFFFFF;
	p2 =	slt.u32 s8, $0xFFFFF086  }
0x1c: {  	p1 =	slt.u32 s9, $0xF7A;
	s5 =	simm.s32 @!p2 $0x0  }
0x1d: {  	s5 =	simm.s32 @p1 $0x1;
	p0 =	seq.s32 s7, s2  }
0x1e: {  	s7 =	smul.u32 @!p0 $0xF7A, s2;
	p2 =	seq.s32 @!p0 s5, $0x0  }
0x1f: {  	s9 =	smul.u32 $0xF7A, s1;
	s8 =	simm.s32 @!p0 $0x1BF5;
	p2 =	por !p2, p0  }
0x20: {  	[sflag:s8] =	ssyncset.s32 @!p0 $0xFFFFF086;
	s6 =	sadd.s32 @!p0 s3, s7;
	s7 =	simm.s32 @!p0 $0x108  }
0x21: {  	s3 =	sadd.s32 s3, s9;
	s6 =	sadd.s32 @!p0 $0x88, s6;
	s7 =	simm.s32 @p2 $0x1082  }
0x22: {  	[simem:s7], [sflag:s8] =	dma.local @!p0 [hbm:s6], $0xF7A  }
0x23: {  	s9 =	sor.u32 $0xD0000000, s2;
	s6 =	simm.s32 $0x108;
	_ =	swait.ge @!p0 [sflag:s8], $0x0  }
0x24: {  	s3 =	sadd.s32 $0x88, s3;
	s6 =	simm.s32 @!p1 $0x1082;
	[sflag:s4] =	ssyncset.s32 $0xFFFFF086  }
0x25: {  	[simem:s6], [sflag:s4] =	dma.local [hbm:s3], $0xF7A  }
0x26: {  	[smem:$0x3F95] =	sst s1;
	(tag) =	ssettag s2;
	_ =	strace s9  }
0x27: {  	s1 =	sld [smem:$0x3FA5]  }
0x28: {  	s2 =	sld [smem:$0x3FA6]  }
0x29: {  	s4 =	sld [smem:$0x3FA8]  }
0x2a: {  	p0 =	seq.s32 s5, $0x0;
	s5 =	sld [smem:$0x3FA9]  }
0x2b: {  	s6 =	sld [smem:$0x3FAA]  }
0x2c: {  	s7 =	sld [smem:$0x3FAB]  }
0x2d: {  	s3 =	simm.s32 $0x108;
	s8 =	sld [smem:$0x3FAC]  }
0x2e: {  	s3 =	simm.s32 @!p0 $0x1082;
	s9 =	sld [smem:$0x3FAD]  }
0x2f: {  	lr =	sadd.s32 s0, s3;
	s0 =	sld [smem:$0x3FA4]  }
0x30: {  	s3 =	sld [smem:$0x3FA7]  }
0x31: {  	[smem:$0x3FB0] =	sst s10  }
0x32: {  	s10 =	sld [smem:$0x3FAE];
	_ =	sdelay $0x3  }
0x33: {  	p0 =	seq.s32 s10, $0x1;
	s10 =	sld [smem:$0x3FB0];
	_ =	sdelay $0x3  }
0x34: {  	[smem:$0x3FB0] =	sst s10  }
0x35: {  	s10 =	sld [smem:$0x3FAF];
	_ =	sdelay $0x3  }
0x36: {  	p1 =	seq.s32 s10, $0x1;
	s10 =	sld [smem:$0x3FB0];
	_ =	sdelay $0x3  }
0x37: {  	[smem:$0x3FB0] =	sst s10  }
0x38: {  	s10 =	sld [smem:$0x3FB1]  }
0x39: {  	_ = 	snop;
	(pc) =	sbr.ind lr, $3  }
0x3a: {  	_ = 	snop  }
0x3b: {  	_ = 	snop  }
0x3c: {  	p2 =	seq.s32 s10, $0x1;
	s10 =	sld [smem:$0x3FB0]  }
0x3d: {  	_ =	shalt  }
0x3e: {  	_ =	shalt  }
0x3f: {  	_ =	shalt  }
0x40: {  	_ =	shalt  }
0x41: {  	_ =	shalt  }
0x42: {  	_ =	shalt  }
0x43: {  	_ =	shalt  }
0x44: {  	_ =	shalt  }
0x45: {  	_ =	shalt  }
0x46: {  	_ =	shalt  }
0x47: {  	_ =	shalt  }
0x48: {  	_ =	shalt  }
0x49: {  	_ =	shalt  }
0x4a: {  	_ =	shalt  }
0x4b: {  	_ =	shalt  }
0x4c: {  	_ =	shalt  }
0x4d: {  	_ =	shalt  }
0x4e: {  	_ =	shalt  }
0x4f: {  	_ =	shalt  }
0x50: {  	_ =	shalt  }
0x51: {  	_ =	shalt  }
0x52: {  	_ =	shalt  }
0x53: {  	_ =	shalt  }
0x54: {  	_ =	shalt  }
0x55: {  	_ =	shalt  }
0x56: {  	_ =	shalt  }
0x57: {  	_ =	shalt  }
0x58: {  	_ =	shalt  }
0x59: {  	_ =	shalt  }
0x5a: {  	_ =	shalt  }
0x5b: {  	_ =	shalt  }
0x5c: {  	_ =	shalt  }
0x5d: {  	_ =	shalt  }
0x5e: {  	_ =	shalt  }
0x5f: {  	_ =	shalt  }
0x60: {  	_ =	shalt  }
0x61: {  	_ =	shalt  }
0x62: {  	_ =	shalt  }
0x63: {  	_ =	shalt  }
0x64: {  	_ =	shalt  }
0x65: {  	_ =	shalt  }
0x66: {  	_ =	shalt  }
0x67: {  	_ =	shalt  }
0x68: {  	_ =	shalt  }
0x69: {  	_ =	shalt  }
0x6a: {  	_ =	shalt  }
0x6b: {  	_ =	shalt  }
0x6c: {  	_ =	shalt  }
0x6d: {  	_ =	shalt  }
0x6e: {  	_ =	shalt  }
0x6f: {  	_ =	shalt  }
0x70: {  	_ =	shalt  }
0x71: {  	_ =	shalt  }
0x72: {  	_ =	shalt  }
0x73: {  	_ =	shalt  }
0x74: {  	_ =	shalt  }
0x75: {  	_ =	shalt  }
0x76: {  	_ =	shalt  }
0x77: {  	_ =	shalt  }
0x78: {  	_ =	shalt  }
0x79: {  	_ =	shalt  }
0x7a: {  	_ =	shalt  }
0x7b: {  	_ =	shalt  }
0x7c: {  	_ =	shalt  }
0x7d: {  	_ =	shalt  }
0x7e: {  	_ =	shalt  }
0x7f: {  	_ =	shalt  }
0x80: {  	_ =	shalt  }
0x81: {  	_ =	shalt  }
0x82: {  	_ =	shalt  }
0x83: {  	_ =	shalt  }
0x84: {  	_ =	shalt  }
0x85: {  	_ =	shalt  }
0x86: {  	_ =	shalt  }
0x87: {  	_ =	shalt  }
.Lfunc_end0:
.L_simem_size_0:
called_computation_lowered:
.L_overlay_start_0:
0x88: {  	s2 =	sld [smem:$0x3FD9]  }
0x89: {  	s3 =	sld [smem:$0x3FFE];
	_ =	sdelay $0x1  }
0x8a: {  	s1 =	srdreg.scid  }
0x8b: {  	s0 =	sand.u32 $0x1, s1  }
0x8c: {  	s14 =	sshll.u32 s0, $0xA;
	s2 =	sadd.s32 s3, s2  }
0x8d: {  	s2 =	sadd.s32 s2, s14  }
0x8e: {  	[smem:$0x3FBC] =	sst s2  }
0x8f: {  	_ = 	snop  }
0x90: {  	s2 =	sld [smem:$0x3FD0];
	_ =	sdelay $0x2  }
0x91: {  	s4 =	simm.s32 $0xA;
	s5 =	simm.s32 $0x10;
	s15 =	sld [smem:$0x3FC9]  }
0x92: {  	[smem:s5], [sflag:s4] =	dma.local [hbm:s2], $0x1  }
0x93: {  	_ =	swait.eq [sflag:s4], $0x1  }
0x94: {  	[sflag:s4] =	ssyncset.done $0x0  }
0x95: {  	[sflag:s4] =	ssyncadd.s32 $0xFFFFFFFF  }
0x96: {  	s16 =	sld [smem:$0x11];
	(tm) =	ssettm $0x1  }
0x97: {  	s17 =	sld [smem:$0x3FFB];
	_ =	sdelay $0x3  }
0x98: {  	_ =	strace s17  }
0x99: {  	s4 =	sld [smem:$0x3FFC];
	_ =	sdelay $0x3  }
0x9a: {  	_ =	strace s4  }
0x9b: {  	s4 =	sld [smem:$0x3FFD];
	_ =	sdelay $0x3  }
0x9c: {  	_ =	strace s4  }
0x9d: {  	_ =	strace $0x8FFFFFFF  }
0x9e: {  	s18 =	sld [smem:$0x3FDB];
	_ =	sdelay $0x1  }
0x9f: {  	s19 =	simm.s32 $_scs_section_size  }
0xa0: {  	s6 =	simm.s32 $_size__tile_overlayer_lowered;
	s7 =	simm.s32 $_tile_overlayer_lowered  }
0xa1: {  	s22 =	simm.s32 $0x1BFF;
	s21 =	sshll.u32 s7, $0x1;
	s4 =	sadd.s32 s19, s18  }
0xa2: {  	s8 =	simm.s32 $0x0;
	s20 =	sshll.u32 s6, $0x1;
	s6 =	sadd.s32 s21, s4  }
0xa3: {  	[timem:s8], [sflag:s22] =	dma.local [hbm:s6], s20  }
0xa4: {  	_ =	swait.ge [sflag:s22], s20  }
0xa5: {  	s5 =	ssub.s32 $0x0, s20;
	[sflag:s22] =	ssyncset.done $0x0  }
0xa6: {  	[sflag:s22] =	ssyncadd.s32 s5;
	_ =	sdelay $0x1  }
0xa7: {  	s23 =	simm.s32 $0x1B8B  }
0xa8: {  	_ =	swait.ge [sflag:s23], $0x1  }
0xa9: {  	[sflag:s23] =	ssyncset.done $0x0  }
0xaa: {  	s25 =	simm.s32 $0x1B8E;
	s24 =	sld [smem:$0x3FFE];
	[sflag:s23] =	ssyncadd.s32 $0xFFFFFFFF  }
0xab: {  	s26 =	simm.s32 $execute0_lowered;
	[smem:$0x3FD2] =	sst s25  }
0xac: {  	s6 =	sshll.u32 s26, $0x1;
	_ =	strace $0x80000046;
	[dreg:$0x1] =	wrdreg $0xFFFFFFFF  }
0xad: {  	s28 =	simm.s32 $_size_execute0_lowered;
	s4 =	sadd.s32 s4, s6;
	[dreg:$0x0] =	wrdreg $0x0  }
0xae: {  	s6 =	sshll.u32 s28, $0x1;
	[dreg:$0x2] =	wrdreg s4  }
0xaf: {  	[dreg:$0x3] =	wrdreg s6  }
0xb0: {  	[dreg:$0x4] =	wrdreg $0xC0  }
0xb1: {  	_ =	task [dreg:s8], $0x5FFFF  }
0xb2: {  	[dreg:$0x1] =	wrdreg $0xFFFFFFFF  }
0xb3: {  	[dreg:$0x0] =	wrdreg $0x60  }
0xb4: {  	[dreg:$0x2] =	wrdreg s16  }
0xb5: {  	[dreg:$0x3] =	wrdreg s15  }
0xb6: {  	[dreg:$0x4] =	wrdreg s24  }
0xb7: {  	[dreg:$0x5] =	wrdreg $0x9  }
0xb8: {  	_ =	task.clear_ibuf [dreg:s8], $0x6FFFF;
	_ =	strace $0x90000046  }
0xb9: {  	s29 =	simm.s32 $0x9;
	_ =	strace $0x80000048  }
0xba: {  	_ =	swait.ge [sflag:s29], $0x1  }
0xbb: {  	[sflag:s29] =	ssyncadd.s32 $0xFFFFFFFF  }
0xbc: {  	_ =	strace $0x90000048  }
0xbd: {  	_ =	sfence  }
0xbe: {  	s30 =	sld [smem:$0x0];
	_ =	sdelay $0x2  }
0xbf: {  	s31 =	sshll.u32 s1, $0xD;
	s1 =	sshrl.u32 s1, $0x2  }
0xc0: {  	s3 =	sand.u32 $0x4000, s31;
	s1 =	sadd.s32 s1, s30  }
0xc1: {  	s0 =	sor.u32 s3, s0;
	s1 =	sshll.u32 s1, $0x11  }
0xc2: {  	s0 =	sor.u32 s1, s0  }
0xc3: {  	s0 =	sadd.s32 $0x8F2B, s0  }
0xc4: {  	[sflag:s0] =	ssyncadd.remote.s32 $0x1  }
0xc5: {  	_ =	sfence.sel $0xFFFF  }
0xc6: {  	[dreg:$0x0] =	wrdreg $0xFFFFFFFF;
	(pc) =	sbr.abs _section_cstart, $3  }
0xc7: {  	[dreg:$0x1] =	wrdreg $0xFFFFFFFF  }
0xc8: {  	_ =	task.clear_ibuf [dreg:s8], $0x2FFFF;
	_ =	strace $0x9FFFFFFF  }
0xc9: {  	(tm) =	ssettm $0x7FFFFFFF  }
tec
execute0_lowered:
.L_overlay_start_1:
0x0: {  	(tag) =	ssettag $0x1  }
0x1: {  	s1 =	rddreg [dreg:$0x0]  }
0x2: {  	s4 =	rddreg [dreg:$0x1]  }
0x3: {  	s5 =	rddreg [dreg:$0x2]  }
0x4: {  	s0 =	rddreg [dreg:$0x3];
	s2 =	simm.s32 $0x0;
	s6 =	srdreg.scid  }
0x5: {  	s3 =	stileid.u32;
	s13 =	simm.s32 $0x200;
	s14 =	simm.s32 $0x1E00  }
0x6: {  	s15 =	simm.s32 $0x9E00;
	s16 =	simm.s32 $0x11E00;
	s17 =	simm.s32 $0x0  }
0x7: {  	v0 =	vlaneseq.u32;
	[smem:$0x7FF] =	sst s2;
	s8 =	sadd.s32 $0x2000, s5;
	s6 =	sand.u32 $0x1, s6  }
0x8: {  	v1 =	vimm.s32 $0x0;
	v2 =	vimm.s32 $0x7;
	v8 =	vimm.s32 $0x1;
	s10 =	sshll.u32 s3, $0xA;
	s7 =	ssub.s32 $0x2, s6;
	s6 =	sshll.u32 s6, $0x9  }
0x9: {  	v9 =	vimm.s32 $0x2;
	v10 =	vimm.s32 $0x3;
	v11 =	vimm.s32 $0x4;
	s9 =	sadd.s32 $0x42000, s5;
	s11 =	sadd.s32 $0x82000, s5;
	s6 =	sor.u32 s6, s10  }
0xa: {  	v12 =	vimm.s32 $0x5;
	v13 =	vimm.s32 $0x6;
	v14 =	vimm.s32 $0x8;
	_ =	strace $0x80000047;
	s28 =	sshrl.u32 s7, $0x1;
	s29 =	sshrl.u32 s6, $0x3  }
0xb: {  	v15 =	vimm.s32 $0x9;
	v16 =	vimm.s32 $0xA;
	v17 =	vimm.s32 $0xB;
	s12 =	ssub.s32 s7, s28;
	s30 =	sshll.u32 s6, $0x4;
	s4 =	sadd.s32 s4, s29  }
0xc: {  	v18 =	vimm.s32 $0xC;
	v19 =	vimm.s32 $0xD;
	v20 =	vimm.s32 $0xE;
	s5 =	sadd.s32 s8, s30;
	s31 =	sor.u32 $0x1000, s30;
	s6 =	sadd.s32 s9, s30  }
0xd: {  	v21 =	vimm.s32 $0xF;
	v3 =	vor.u32 $0x10, v0;
	v4 =	vor.u32 $0x20, v0;
	s7 =	sadd.s32 s11, s30;
	s8 =	sadd.s32 s8, s31;
	s9 =	sadd.s32 s9, s31  }
0xe: {  	v5 =	vor.u32 $0x30, v0;
	v6 =	vor.u32 $0x40, v0;
	v7 =	vor.u32 $0x50, v0;
	s10 =	sadd.s32 s11, s31;
	s11 =	smax.u32 s12, $0x1;
	s12 =	simm.s32 $0x1  }
.LBB2_1:
0xf: {  	[tilespmem:s2], [sflag:$0x1] =	stream.linear.gather [hbm4b:s4+s2], $0x200, $0x38;
	[tilespmem:$0x19E00] =	vst v63  }
0x10: {  	_ =	swait.ge [sflag:s12], $0x200  }
0x11: {  	[sflag:s12] =	ssyncset.done $0x0  }
0x12: {  	[sflag:s12] =	ssyncadd.s32 $0xFFFFFE00  }
0x13: {  	[tilespmem:s13], [sflag:$0x1] =	stream.linear.gather [hbm4b:s1+s2], $0x1A80, $0x38;
	[tilespmem:$0x19E00] =	vst v63  }
0x14: {  	_ =	swait.ge [sflag:s12], $0x1A80  }
0x15: {  	s18 =	simm.s32 $0xF;
	[sflag:s12] =	ssyncset.done $0x0  }
0x16: {  	s19 =	simm.s32 $0x12200;
	s20 =	simm.s32 $0x0;
	[sflag:s12] =	ssyncadd.s32 $0xFFFFE580  }
.LBB2_2:
0x17: {  	v22 =	vld [tilespmem:s20+$0x0];
	_ =	sdelay $0x4  }
0x18: {  	v23 =	vperm.xlane v22, v1;
	_ =	sdelay $0x1  }
0x19: {  	v23 =	vshll.u32 v23, $0x7  }
0x1a: {  	v24 =	vor.u32 v0, v23;
	_ =	sdelay $0x2  }
0x1b: {  	s21 =	sshll.u32 s18, $0x7  }
0x1c: {  	s22 =	sadd.s32 $0xFFFFF880, s21  }
0x1d: {  	v25 =	vor.u32 s22, v0;
	v24 =	vld.idx.msk [tilespmem:v24+s13+$0x0], $0xffff  }
0x1e: {  	v26 =	vor.u32 v3, v23;
	_ =	sdelay $0x3  }
0x1f: {  	[tilespmem:v25+s14+$0x0] =	vst.idx.msk $0x1fff, v24  }
0x20: {  	v24 =	vld.idx.msk [tilespmem:v26+s13+$0x0], $0xffff  }
0x21: {  	v36 =	vor.u32 v4, v23;
	_ =	sdelay $0x3  }
0x22: {  	[tilespmem:v25+s15+$0x0] =	vst.idx.msk $0xf, v24  }
0x23: {  	v24 =	vld.idx.msk [tilespmem:v36+s13+$0x0], $0xffff  }
0x24: {  	v37 =	vor.u32 v5, v23;
	_ =	sdelay $0x3  }
0x25: {  	[tilespmem:s19+$0xFFFFFC00] =	vst v24  }
0x26: {  	v24 =	vld.idx.msk [tilespmem:v37+s13+$0x0], $0xffff  }
0x27: {  	v38 =	vor.u32 v6, v23;
	_ =	sdelay $0x3  }
0x28: {  	[tilespmem:s19+$0xFFFFFC10] =	vst v24  }
0x29: {  	v24 =	vld.idx.msk [tilespmem:v38+s13+$0x0], $0xffff  }
0x2a: {  	v23 =	vor.u32 v7, v23;
	_ =	sdelay $0x2  }
0x2b: {  	v39 =	vperm.xlane v22, v8  }
0x2c: {  	[tilespmem:s19+$0xFFFFFC20] =	vst v24  }
0x2d: {  	v40 =	vor.u32 s22, v5;
	v25 =	vshll.u32 v39, $0x7;
	v23 =	vld.idx.msk [tilespmem:v23+s13+$0x0], $0xffff  }
0x2e: {  	v41 =	vor.u32 v0, v25;
	_ =	sdelay $0x3  }
0x2f: {  	s25 =	sadd.s32 $0xFFFFF900, s21;
	[tilespmem:v40+s16+$0x0] =	vst.idx.msk $0xf, v23  }
0x30: {  	v42 =	vor.u32 s25, v0;
	v23 =	vld.idx.msk [tilespmem:v41+s13+$0x0], $0xffff  }
0x31: {  	v43 =	vor.u32 v3, v25;
	_ =	sdelay $0x3  }
0x32: {  	[tilespmem:v42+s14+$0x0] =	vst.idx.msk $0x1fff, v23  }
0x33: {  	v23 =	vld.idx.msk [tilespmem:v43+s13+$0x0], $0xffff  }
0x34: {  	v44 =	vor.u32 v4, v25;
	_ =	sdelay $0x3  }
0x35: {  	[tilespmem:v42+s15+$0x0] =	vst.idx.msk $0xf, v23  }
0x36: {  	v23 =	vld.idx.msk [tilespmem:v44+s13+$0x0], $0xffff  }
0x37: {  	v45 =	vor.u32 v5, v25;
	_ =	sdelay $0x3  }
0x38: {  	[tilespmem:s19+$0xFFFFFC80] =	vst v23  }
0x39: {  	v23 =	vld.idx.msk [tilespmem:v45+s13+$0x0], $0xffff  }
0x3a: {  	v46 =	vor.u32 v6, v25;
	_ =	sdelay $0x3  }
0x3b: {  	[tilespmem:s19+$0xFFFFFC90] =	vst v23  }
0x3c: {  	v23 =	vld.idx.msk [tilespmem:v46+s13+$0x0], $0xffff  }
0x3d: {  	v47 =	vor.u32 v7, v25;
	_ =	sdelay $0x2  }
0x3e: {  	v48 =	vperm.xlane v22, v9  }
0x3f: {  	[tilespmem:s19+$0xFFFFFCA0] =	vst v23  }
0x40: {  	v49 =	vor.u32 s25, v5;
	v25 =	vshll.u32 v48, $0x7;
	v23 =	vld.idx.msk [tilespmem:v47+s13+$0x0], $0xffff  }
0x41: {  	v50 =	vor.u32 v0, v25;
	_ =	sdelay $0x3  }
0x42: {  	s26 =	sadd.s32 $0xFFFFF980, s21;
	[tilespmem:v49+s16+$0x0] =	vst.idx.msk $0xf, v23  }
0x43: {  	v51 =	vor.u32 s26, v0;
	v23 =	vld.idx.msk [tilespmem:v50+s13+$0x0], $0xffff  }
0x44: {  	v52 =	vor.u32 v3, v25;
	_ =	sdelay $0x3  }
0x45: {  	[tilespmem:v51+s14+$0x0] =	vst.idx.msk $0x1fff, v23  }
0x46: {  	v23 =	vld.idx.msk [tilespmem:v52+s13+$0x0], $0xffff  }
0x47: {  	v53 =	vor.u32 v4, v25;
	_ =	sdelay $0x3  }
0x48: {  	[tilespmem:v51+s15+$0x0] =	vst.idx.msk $0xf, v23  }
0x49: {  	v23 =	vld.idx.msk [tilespmem:v53+s13+$0x0], $0xffff  }
0x4a: {  	v54 =	vor.u32 v5, v25;
	_ =	sdelay $0x3  }
0x4b: {  	[tilespmem:s19+$0xFFFFFD00] =	vst v23  }
0x4c: {  	v23 =	vld.idx.msk [tilespmem:v54+s13+$0x0], $0xffff  }
0x4d: {  	v55 =	vor.u32 v6, v25;
	_ =	sdelay $0x3  }
0x4e: {  	[tilespmem:s19+$0xFFFFFD10] =	vst v23  }
0x4f: {  	v23 =	vld.idx.msk [tilespmem:v55+s13+$0x0], $0xffff  }
0x50: {  	v56 =	vor.u32 v7, v25;
	_ =	sdelay $0x2  }
0x51: {  	v57 =	vperm.xlane v22, v10  }
0x52: {  	[tilespmem:s19+$0xFFFFFD20] =	vst v23  }
0x53: {  	v58 =	vor.u32 s26, v5;
	v25 =	vshll.u32 v57, $0x7;
	v23 =	vld.idx.msk [tilespmem:v56+s13+$0x0], $0xffff  }
0x54: {  	v59 =	vor.u32 v0, v25;
	_ =	sdelay $0x3  }
0x55: {  	s28 =	sadd.s32 $0xFFFFFA00, s21;
	[tilespmem:v58+s16+$0x0] =	vst.idx.msk $0xf, v23  }
0x56: {  	v60 =	vor.u32 s28, v0;
	v23 =	vld.idx.msk [tilespmem:v59+s13+$0x0], $0xffff  }
0x57: {  	v61 =	vor.u32 v3, v25;
	_ =	sdelay $0x3  }
0x58: {  	[tilespmem:v60+s14+$0x0] =	vst.idx.msk $0x1fff, v23  }
0x59: {  	v23 =	vld.idx.msk [tilespmem:v61+s13+$0x0], $0xffff  }
0x5a: {  	v62 =	vor.u32 v4, v25;
	_ =	sdelay $0x3  }
0x5b: {  	[tilespmem:v60+s15+$0x0] =	vst.idx.msk $0xf, v23  }
0x5c: {  	v23 =	vld.idx.msk [tilespmem:v62+s13+$0x0], $0xffff  }
0x5d: {  	v63 =	vor.u32 v5, v25;
	_ =	sdelay $0x3  }
0x5e: {  	[tilespmem:s19+$0xFFFFFD80] =	vst v23  }
0x5f: {  	v23 =	vld.idx.msk [tilespmem:v63+s13+$0x0], $0xffff  }
0x60: {  	v28 =	vor.u32 v6, v25;
	_ =	sdelay $0x3  }
0x61: {  	[tilespmem:s19+$0xFFFFFD90] =	vst v23  }
0x62: {  	v23 =	vld.idx.msk [tilespmem:v28+s13+$0x0], $0xffff  }
0x63: {  	v29 =	vor.u32 v7, v25;
	_ =	sdelay $0x2  }
0x64: {  	v30 =	vperm.xlane v22, v11  }
0x65: {  	[tilespmem:s19+$0xFFFFFDA0] =	vst v23  }
0x66: {  	v31 =	vor.u32 s28, v5;
	v25 =	vshll.u32 v30, $0x7;
	v23 =	vld.idx.msk [tilespmem:v29+s13+$0x0], $0xffff  }
0x67: {  	v32 =	vor.u32 v0, v25;
	_ =	sdelay $0x3  }
0x68: {  	s29 =	sadd.s32 $0xFFFFFA80, s21;
	[tilespmem:v31+s16+$0x0] =	vst.idx.msk $0xf, v23  }
0x69: {  	v33 =	vor.u32 s29, v0;
	v23 =	vld.idx.msk [tilespmem:v32+s13+$0x0], $0xffff  }
0x6a: {  	v34 =	vor.u32 v3, v25;
	_ =	sdelay $0x3  }
0x6b: {  	[tilespmem:v33+s14+$0x0] =	vst.idx.msk $0x1fff, v23  }
0x6c: {  	v23 =	vld.idx.msk [tilespmem:v34+s13+$0x0], $0xffff  }
0x6d: {  	v35 =	vor.u32 v4, v25;
	_ =	sdelay $0x3  }
0x6e: {  	[tilespmem:v33+s15+$0x0] =	vst.idx.msk $0xf, v23  }
0x6f: {  	v23 =	vld.idx.msk [tilespmem:v35+s13+$0x0], $0xffff  }
0x70: {  	v36 =	vor.u32 v5, v25;
	_ =	sdelay $0x3  }
0x71: {  	[tilespmem:s19+$0xFFFFFE00] =	vst v23  }
0x72: {  	v23 =	vld.idx.msk [tilespmem:v36+s13+$0x0], $0xffff  }
0x73: {  	v37 =	vor.u32 v6, v25;
	_ =	sdelay $0x3  }
0x74: {  	[tilespmem:s19+$0xFFFFFE10] =	vst v23  }
0x75: {  	v23 =	vld.idx.msk [tilespmem:v37+s13+$0x0], $0xffff  }
0x76: {  	v38 =	vor.u32 v7, v25;
	_ =	sdelay $0x2  }
0x77: {  	v39 =	vperm.xlane v22, v12  }
0x78: {  	[tilespmem:s19+$0xFFFFFE20] =	vst v23  }
0x79: {  	v25 =	vshll.u32 v39, $0x7;
	v40 =	vor.u32 s29, v5;
	v23 =	vld.idx.msk [tilespmem:v38+s13+$0x0], $0xffff  }
0x7a: {  	v41 =	vor.u32 v0, v25;
	_ =	sdelay $0x3  }
0x7b: {  	s30 =	sadd.s32 $0xFFFFFB00, s21;
	[tilespmem:v40+s16+$0x0] =	vst.idx.msk $0xf, v23  }
0x7c: {  	v42 =	vor.u32 s30, v0;
	v23 =	vld.idx.msk [tilespmem:v41+s13+$0x0], $0xffff  }
0x7d: {  	v43 =	vor.u32 v3, v25;
	_ =	sdelay $0x3  }
0x7e: {  	[tilespmem:v42+s14+$0x0] =	vst.idx.msk $0x1fff, v23  }
0x7f: {  	v23 =	vld.idx.msk [tilespmem:v43+s13+$0x0], $0xffff  }
0x80: {  	v44 =	vor.u32 v4, v25;
	_ =	sdelay $0x3  }
0x81: {  	[tilespmem:v42+s15+$0x0] =	vst.idx.msk $0xf, v23  }
0x82: {  	v23 =	vld.idx.msk [tilespmem:v44+s13+$0x0], $0xffff  }
0x83: {  	v45 =	vor.u32 v5, v25;
	_ =	sdelay $0x3  }
0x84: {  	[tilespmem:s19+$0xFFFFFE80] =	vst v23  }
0x85: {  	v23 =	vld.idx.msk [tilespmem:v45+s13+$0x0], $0xffff  }
0x86: {  	v46 =	vor.u32 v6, v25;
	_ =	sdelay $0x3  }
0x87: {  	[tilespmem:s19+$0xFFFFFE90] =	vst v23  }
0x88: {  	v23 =	vld.idx.msk [tilespmem:v46+s13+$0x0], $0xffff  }
0x89: {  	v47 =	vor.u32 v7, v25;
	_ =	sdelay $0x2  }
0x8a: {  	v48 =	vperm.xlane v22, v13  }
0x8b: {  	[tilespmem:s19+$0xFFFFFEA0] =	vst v23  }
0x8c: {  	v25 =	vshll.u32 v48, $0x7;
	v49 =	vor.u32 s30, v5;
	v23 =	vld.idx.msk [tilespmem:v47+s13+$0x0], $0xffff  }
0x8d: {  	v50 =	vor.u32 v0, v25;
	_ =	sdelay $0x3  }
0x8e: {  	s31 =	sadd.s32 $0xFFFFFB80, s21;
	[tilespmem:v49+s16+$0x0] =	vst.idx.msk $0xf, v23  }
0x8f: {  	v51 =	vor.u32 s31, v0;
	v23 =	vld.idx.msk [tilespmem:v50+s13+$0x0], $0xffff  }
0x90: {  	v52 =	vor.u32 v3, v25;
	_ =	sdelay $0x3  }
0x91: {  	[tilespmem:v51+s14+$0x0] =	vst.idx.msk $0x1fff, v23  }
0x92: {  	v23 =	vld.idx.msk [tilespmem:v52+s13+$0x0], $0xffff  }
0x93: {  	v53 =	vor.u32 v4, v25;
	_ =	sdelay $0x3  }
0x94: {  	[tilespmem:v51+s15+$0x0] =	vst.idx.msk $0xf, v23  }
0x95: {  	v23 =	vld.idx.msk [tilespmem:v53+s13+$0x0], $0xffff  }
0x96: {  	v54 =	vor.u32 v5, v25;
	_ =	sdelay $0x3  }
0x97: {  	[tilespmem:s19+$0xFFFFFF00] =	vst v23  }
0x98: {  	v23 =	vld.idx.msk [tilespmem:v54+s13+$0x0], $0xffff  }
0x99: {  	v55 =	vor.u32 v6, v25;
	_ =	sdelay $0x3  }
0x9a: {  	[tilespmem:s19+$0xFFFFFF10] =	vst v23  }
0x9b: {  	v23 =	vld.idx.msk [tilespmem:v55+s13+$0x0], $0xffff  }
0x9c: {  	v56 =	vor.u32 v7, v25;
	_ =	sdelay $0x2  }
0x9d: {  	v57 =	vperm.xlane v22, v2  }
0x9e: {  	[tilespmem:s19+$0xFFFFFF20] =	vst v23  }
0x9f: {  	v25 =	vshll.u32 v57, $0x7;
	v58 =	vor.u32 s31, v5;
	v23 =	vld.idx.msk [tilespmem:v56+s13+$0x0], $0xffff  }
0xa0: {  	v59 =	vor.u32 v0, v25;
	_ =	sdelay $0x3  }
0xa1: {  	s23 =	sadd.s32 $0xFFFFFC00, s21;
	[tilespmem:v58+s16+$0x0] =	vst.idx.msk $0xf, v23  }
0xa2: {  	v60 =	vor.u32 s23, v0;
	v23 =	vld.idx.msk [tilespmem:v59+s13+$0x0], $0xffff  }
0xa3: {  	v61 =	vor.u32 v3, v25;
	_ =	sdelay $0x3  }
0xa4: {  	[tilespmem:v60+s14+$0x0] =	vst.idx.msk $0x1fff, v23  }
0xa5: {  	v23 =	vld.idx.msk [tilespmem:v61+s13+$0x0], $0xffff  }
0xa6: {  	v62 =	vor.u32 v4, v25;
	_ =	sdelay $0x3  }
0xa7: {  	[tilespmem:v60+s15+$0x0] =	vst.idx.msk $0xf, v23  }
0xa8: {  	v23 =	vld.idx.msk [tilespmem:v62+s13+$0x0], $0xffff  }
0xa9: {  	v63 =	vor.u32 v5, v25;
	_ =	sdelay $0x3  }
0xaa: {  	[tilespmem:s19+$0xFFFFFF80] =	vst v23  }
0xab: {  	v23 =	vld.idx.msk [tilespmem:v63+s13+$0x0], $0xffff  }
0xac: {  	v28 =	vor.u32 v6, v25;
	_ =	sdelay $0x3  }
0xad: {  	[tilespmem:s19+$0xFFFFFF90] =	vst v23  }
0xae: {  	v23 =	vld.idx.msk [tilespmem:v28+s13+$0x0], $0xffff  }
0xaf: {  	v29 =	vor.u32 v7, v25;
	_ =	sdelay $0x2  }
0xb0: {  	v30 =	vperm.xlane v22, v14  }
0xb1: {  	[tilespmem:s19+$0xFFFFFFA0] =	vst v23  }
0xb2: {  	v25 =	vshll.u32 v30, $0x7;
	v31 =	vor.u32 s23, v5;
	v23 =	vld.idx.msk [tilespmem:v29+s13+$0x0], $0xffff  }
0xb3: {  	v32 =	vor.u32 v0, v25;
	_ =	sdelay $0x3  }
0xb4: {  	s24 =	sadd.s32 $0xFFFFFC80, s21;
	[tilespmem:v31+s16+$0x0] =	vst.idx.msk $0xf, v23  }
0xb5: {  	v33 =	vor.u32 s24, v0;
	v23 =	vld.idx.msk [tilespmem:v32+s13+$0x0], $0xffff  }
0xb6: {  	v34 =	vor.u32 v3, v25;
	_ =	sdelay $0x3  }
0xb7: {  	[tilespmem:v33+s14+$0x0] =	vst.idx.msk $0x1fff, v23  }
0xb8: {  	v23 =	vld.idx.msk [tilespmem:v34+s13+$0x0], $0xffff  }
0xb9: {  	v35 =	vor.u32 v4, v25;
	_ =	sdelay $0x3  }
0xba: {  	[tilespmem:v33+s15+$0x0] =	vst.idx.msk $0xf, v23  }
0xbb: {  	v23 =	vld.idx.msk [tilespmem:v35+s13+$0x0], $0xffff  }
0xbc: {  	v36 =	vor.u32 v5, v25;
	_ =	sdelay $0x3  }
0xbd: {  	[tilespmem:s19+$0x0] =	vst v23  }
0xbe: {  	v23 =	vld.idx.msk [tilespmem:v36+s13+$0x0], $0xffff  }
0xbf: {  	v37 =	vor.u32 v6, v25;
	_ =	sdelay $0x3  }
0xc0: {  	[tilespmem:s19+$0x10] =	vst v23  }
0xc1: {  	v23 =	vld.idx.msk [tilespmem:v37+s13+$0x0], $0xffff  }
0xc2: {  	v38 =	vor.u32 v7, v25;
	_ =	sdelay $0x2  }
0xc3: {  	v39 =	vperm.xlane v22, v15  }
0xc4: {  	[tilespmem:s19+$0x20] =	vst v23  }
0xc5: {  	v25 =	vshll.u32 v39, $0x7;
	v40 =	vor.u32 s24, v5;
	v23 =	vld.idx.msk [tilespmem:v38+s13+$0x0], $0xffff  }
0xc6: {  	v41 =	vor.u32 v0, v25;
	_ =	sdelay $0x3  }
0xc7: {  	s25 =	sadd.s32 $0xFFFFFD00, s21;
	[tilespmem:v40+s16+$0x0] =	vst.idx.msk $0xf, v23  }
0xc8: {  	v42 =	vor.u32 s25, v0;
	v23 =	vld.idx.msk [tilespmem:v41+s13+$0x0], $0xffff  }
0xc9: {  	v43 =	vor.u32 v3, v25;
	_ =	sdelay $0x3  }
0xca: {  	[tilespmem:v42+s14+$0x0] =	vst.idx.msk $0x1fff, v23  }
0xcb: {  	v23 =	vld.idx.msk [tilespmem:v43+s13+$0x0], $0xffff  }
0xcc: {  	v44 =	vor.u32 v4, v25;
	_ =	sdelay $0x3  }
0xcd: {  	[tilespmem:v42+s15+$0x0] =	vst.idx.msk $0xf, v23  }
0xce: {  	v23 =	vld.idx.msk [tilespmem:v44+s13+$0x0], $0xffff  }
0xcf: {  	v45 =	vor.u32 v5, v25;
	_ =	sdelay $0x3  }
0xd0: {  	[tilespmem:s19+$0x80] =	vst v23  }
0xd1: {  	v23 =	vld.idx.msk [tilespmem:v45+s13+$0x0], $0xffff  }
0xd2: {  	v46 =	vor.u32 v6, v25;
	_ =	sdelay $0x3  }
0xd3: {  	[tilespmem:s19+$0x90] =	vst v23  }
0xd4: {  	v23 =	vld.idx.msk [tilespmem:v46+s13+$0x0], $0xffff  }
0xd5: {  	v47 =	vor.u32 v7, v25;
	_ =	sdelay $0x2  }
0xd6: {  	v48 =	vperm.xlane v22, v16  }
0xd7: {  	[tilespmem:s19+$0xA0] =	vst v23  }
0xd8: {  	v25 =	vshll.u32 v48, $0x7;
	v49 =	vor.u32 s25, v5;
	v23 =	vld.idx.msk [tilespmem:v47+s13+$0x0], $0xffff  }
0xd9: {  	v50 =	vor.u32 v0, v25;
	_ =	sdelay $0x3  }
0xda: {  	s26 =	sadd.s32 $0xFFFFFD80, s21;
	[tilespmem:v49+s16+$0x0] =	vst.idx.msk $0xf, v23  }
0xdb: {  	v51 =	vor.u32 s26, v0;
	v23 =	vld.idx.msk [tilespmem:v50+s13+$0x0], $0xffff  }
0xdc: {  	v52 =	vor.u32 v3, v25;
	_ =	sdelay $0x3  }
0xdd: {  	[tilespmem:v51+s14+$0x0] =	vst.idx.msk $0x1fff, v23  }
0xde: {  	v23 =	vld.idx.msk [tilespmem:v52+s13+$0x0], $0xffff  }
0xdf: {  	v53 =	vor.u32 v4, v25;
	_ =	sdelay $0x3  }
0xe0: {  	[tilespmem:v51+s15+$0x0] =	vst.idx.msk $0xf, v23  }
0xe1: {  	v23 =	vld.idx.msk [tilespmem:v53+s13+$0x0], $0xffff  }
0xe2: {  	v54 =	vor.u32 v5, v25;
	_ =	sdelay $0x3  }
0xe3: {  	[tilespmem:s19+$0x100] =	vst v23  }
0xe4: {  	v23 =	vld.idx.msk [tilespmem:v54+s13+$0x0], $0xffff  }
0xe5: {  	v55 =	vor.u32 v6, v25;
	_ =	sdelay $0x3  }
0xe6: {  	[tilespmem:s19+$0x110] =	vst v23  }
0xe7: {  	v23 =	vld.idx.msk [tilespmem:v55+s13+$0x0], $0xffff  }
0xe8: {  	v56 =	vor.u32 v7, v25;
	_ =	sdelay $0x2  }
0xe9: {  	v57 =	vperm.xlane v22, v17  }
0xea: {  	[tilespmem:s19+$0x120] =	vst v23  }
0xeb: {  	v25 =	vshll.u32 v57, $0x7;
	v58 =	vor.u32 s26, v5;
	v23 =	vld.idx.msk [tilespmem:v56+s13+$0x0], $0xffff  }
0xec: {  	v59 =	vor.u32 v0, v25;
	_ =	sdelay $0x3  }
0xed: {  	s28 =	sadd.s32 $0xFFFFFE00, s21;
	[tilespmem:v58+s16+$0x0] =	vst.idx.msk $0xf, v23  }
0xee: {  	v60 =	vor.u32 s28, v0;
	v23 =	vld.idx.msk [tilespmem:v59+s13+$0x0], $0xffff  }
0xef: {  	v61 =	vor.u32 v3, v25;
	_ =	sdelay $0x3  }
0xf0: {  	[tilespmem:v60+s14+$0x0] =	vst.idx.msk $0x1fff, v23  }
0xf1: {  	v23 =	vld.idx.msk [tilespmem:v61+s13+$0x0], $0xffff  }
0xf2: {  	v62 =	vor.u32 v4, v25;
	_ =	sdelay $0x3  }
0xf3: {  	[tilespmem:v60+s15+$0x0] =	vst.idx.msk $0xf, v23  }
0xf4: {  	v23 =	vld.idx.msk [tilespmem:v62+s13+$0x0], $0xffff  }
0xf5: {  	v63 =	vor.u32 v5, v25;
	_ =	sdelay $0x3  }
0xf6: {  	[tilespmem:s19+$0x180] =	vst v23  }
0xf7: {  	v23 =	vld.idx.msk [tilespmem:v63+s13+$0x0], $0xffff  }
0xf8: {  	v28 =	vor.u32 v6, v25;
	_ =	sdelay $0x3  }
0xf9: {  	[tilespmem:s19+$0x190] =	vst v23  }
0xfa: {  	v23 =	vld.idx.msk [tilespmem:v28+s13+$0x0], $0xffff  }
0xfb: {  	v29 =	vor.u32 v7, v25;
	_ =	sdelay $0x2  }
0xfc: {  	v30 =	vperm.xlane v22, v18  }
0xfd: {  	[tilespmem:s19+$0x1A0] =	vst v23  }
0xfe: {  	v25 =	vshll.u32 v30, $0x7;
	v31 =	vor.u32 s28, v5;
	v23 =	vld.idx.msk [tilespmem:v29+s13+$0x0], $0xffff  }
0xff: {  	v32 =	vor.u32 v0, v25;
	_ =	sdelay $0x3  }
0x100: {  	s29 =	sadd.s32 $0xFFFFFE80, s21;
	[tilespmem:v31+s16+$0x0] =	vst.idx.msk $0xf, v23  }
0x101: {  	v33 =	vor.u32 s29, v0;
	v23 =	vld.idx.msk [tilespmem:v32+s13+$0x0], $0xffff  }
0x102: {  	v34 =	vor.u32 v3, v25;
	_ =	sdelay $0x3  }
0x103: {  	[tilespmem:v33+s14+$0x0] =	vst.idx.msk $0x1fff, v23  }
0x104: {  	v23 =	vld.idx.msk [tilespmem:v34+s13+$0x0], $0xffff  }
0x105: {  	v35 =	vor.u32 v4, v25;
	_ =	sdelay $0x3  }
0x106: {  	[tilespmem:v33+s15+$0x0] =	vst.idx.msk $0xf, v23  }
0x107: {  	v23 =	vld.idx.msk [tilespmem:v35+s13+$0x0], $0xffff  }
0x108: {  	v36 =	vor.u32 v5, v25;
	_ =	sdelay $0x3  }
0x109: {  	[tilespmem:s19+$0x200] =	vst v23  }
0x10a: {  	v23 =	vld.idx.msk [tilespmem:v36+s13+$0x0], $0xffff  }
0x10b: {  	v37 =	vor.u32 v6, v25;
	_ =	sdelay $0x3  }
0x10c: {  	[tilespmem:s19+$0x210] =	vst v23  }
0x10d: {  	v23 =	vld.idx.msk [tilespmem:v37+s13+$0x0], $0xffff  }
0x10e: {  	v38 =	vor.u32 v7, v25;
	_ =	sdelay $0x2  }
0x10f: {  	v39 =	vperm.xlane v22, v19  }
0x110: {  	[tilespmem:s19+$0x220] =	vst v23  }
0x111: {  	v25 =	vshll.u32 v39, $0x7;
	v40 =	vor.u32 s29, v5;
	v23 =	vld.idx.msk [tilespmem:v38+s13+$0x0], $0xffff  }
0x112: {  	v41 =	vor.u32 v0, v25;
	_ =	sdelay $0x3  }
0x113: {  	s30 =	sadd.s32 $0xFFFFFF00, s21;
	[tilespmem:v40+s16+$0x0] =	vst.idx.msk $0xf, v23  }
0x114: {  	v42 =	vor.u32 s30, v0;
	v23 =	vld.idx.msk [tilespmem:v41+s13+$0x0], $0xffff  }
0x115: {  	v43 =	vor.u32 v3, v25;
	_ =	sdelay $0x3  }
0x116: {  	[tilespmem:v42+s14+$0x0] =	vst.idx.msk $0x1fff, v23  }
0x117: {  	v23 =	vld.idx.msk [tilespmem:v43+s13+$0x0], $0xffff  }
0x118: {  	v44 =	vor.u32 v4, v25;
	_ =	sdelay $0x3  }
0x119: {  	[tilespmem:v42+s15+$0x0] =	vst.idx.msk $0xf, v23  }
0x11a: {  	v23 =	vld.idx.msk [tilespmem:v44+s13+$0x0], $0xffff  }
0x11b: {  	v45 =	vor.u32 v5, v25;
	_ =	sdelay $0x3  }
0x11c: {  	[tilespmem:s19+$0x280] =	vst v23  }
0x11d: {  	v23 =	vld.idx.msk [tilespmem:v45+s13+$0x0], $0xffff  }
0x11e: {  	v46 =	vor.u32 v6, v25;
	_ =	sdelay $0x3  }
0x11f: {  	[tilespmem:s19+$0x290] =	vst v23  }
0x120: {  	v23 =	vld.idx.msk [tilespmem:v46+s13+$0x0], $0xffff  }
0x121: {  	v47 =	vor.u32 v7, v25;
	_ =	sdelay $0x2  }
0x122: {  	v48 =	vperm.xlane v22, v20  }
0x123: {  	[tilespmem:s19+$0x2A0] =	vst v23  }
0x124: {  	v25 =	vshll.u32 v48, $0x7;
	v49 =	vor.u32 s30, v5;
	v23 =	vld.idx.msk [tilespmem:v47+s13+$0x0], $0xffff  }
0x125: {  	v50 =	vor.u32 v0, v25;
	_ =	sdelay $0x3  }
0x126: {  	s31 =	sadd.s32 $0xFFFFFF80, s21;
	[tilespmem:v49+s16+$0x0] =	vst.idx.msk $0xf, v23  }
0x127: {  	v51 =	vor.u32 s31, v0;
	v23 =	vld.idx.msk [tilespmem:v50+s13+$0x0], $0xffff  }
0x128: {  	v52 =	vor.u32 v3, v25;
	_ =	sdelay $0x3  }
0x129: {  	[tilespmem:v51+s14+$0x0] =	vst.idx.msk $0x1fff, v23  }
0x12a: {  	v23 =	vld.idx.msk [tilespmem:v52+s13+$0x0], $0xffff  }
0x12b: {  	v53 =	vor.u32 v4, v25;
	_ =	sdelay $0x3  }
0x12c: {  	[tilespmem:v51+s15+$0x0] =	vst.idx.msk $0xf, v23  }
0x12d: {  	v23 =	vld.idx.msk [tilespmem:v53+s13+$0x0], $0xffff  }
0x12e: {  	v54 =	vor.u32 v5, v25;
	_ =	sdelay $0x3  }
0x12f: {  	[tilespmem:s19+$0x300] =	vst v23  }
0x130: {  	v23 =	vld.idx.msk [tilespmem:v54+s13+$0x0], $0xffff  }
0x131: {  	v55 =	vor.u32 v6, v25;
	_ =	sdelay $0x3  }
0x132: {  	[tilespmem:s19+$0x310] =	vst v23  }
0x133: {  	v23 =	vld.idx.msk [tilespmem:v55+s13+$0x0], $0xffff  }
0x134: {  	v56 =	vor.u32 v7, v25;
	_ =	sdelay $0x2  }
0x135: {  	v22 =	vperm.xlane v22, v21  }
0x136: {  	[tilespmem:s19+$0x320] =	vst v23  }
0x137: {  	v22 =	vshll.u32 v22, $0x7;
	v57 =	vor.u32 s31, v5;
	v23 =	vld.idx.msk [tilespmem:v56+s13+$0x0], $0xffff  }
0x138: {  	v58 =	vor.u32 v0, v22;
	_ =	sdelay $0x3  }
0x139: {  	[tilespmem:v57+s16+$0x0] =	vst.idx.msk $0xf, v23  }
0x13a: {  	v59 =	vor.u32 s21, v0;
	v23 =	vld.idx.msk [tilespmem:v58+s13+$0x0], $0xffff  }
0x13b: {  	v60 =	vor.u32 v3, v22;
	_ =	sdelay $0x3  }
0x13c: {  	[tilespmem:v59+s14+$0x0] =	vst.idx.msk $0x1fff, v23  }
0x13d: {  	v23 =	vld.idx.msk [tilespmem:v60+s13+$0x0], $0xffff  }
0x13e: {  	v61 =	vor.u32 v4, v22;
	_ =	sdelay $0x3  }
0x13f: {  	[tilespmem:v59+s15+$0x0] =	vst.idx.msk $0xf, v23  }
0x140: {  	v23 =	vld.idx.msk [tilespmem:v61+s13+$0x0], $0xffff  }
0x141: {  	v62 =	vor.u32 v5, v22;
	_ =	sdelay $0x3  }
0x142: {  	[tilespmem:s19+$0x380] =	vst v23  }
0x143: {  	v23 =	vld.idx.msk [tilespmem:v62+s13+$0x0], $0xffff  }
0x144: {  	v63 =	vor.u32 v6, v22;
	_ =	sdelay $0x3  }
0x145: {  	[tilespmem:s19+$0x390] =	vst v23  }
0x146: {  	v23 =	vld.idx.msk [tilespmem:v63+s13+$0x0], $0xffff  }
0x147: {  	v22 =	vor.u32 v7, v22;
	_ =	sdelay $0x3  }
0x148: {  	[tilespmem:s19+$0x3A0] =	vst v23  }
0x149: {  	p0 =	sne.s32 s18, $0xFF;
	v23 =	vor.u32 s21, v5;
	v22 =	vld.idx.msk [tilespmem:v22+s13+$0x0], $0xffff  }
.Ltmp0:
0x14a: {  	_ = 	snop;
	(pc) =	sbr.rel @p0 .LBB2_2-.Ltmp0, $2  }
0x14b: {  	_ =	sdelay $0x2  }
0x14c: {  	s20 =	sadd.s32 $0x10, s20;
	s18 =	sadd.s32 $0x10, s18;
	s19 =	sadd.s32 $0x800, s19;
	[tilespmem:v23+s16+$0x0] =	vst.idx.msk $0xf, v22  }
0x14d: {  	[hbm4b:s5+s2] =	stream.linear.scatter [tilespmem:s14], [sflag:$0x1], $0x8000, $0x38;
	[tilespmem:$0x19E00] =	vst v63  }
0x14e: {  	_ =	swait.ge [sflag:s12], $0x8000  }
0x14f: {  	[sflag:s12] =	ssyncset.done $0x0  }
0x150: {  	[sflag:s12] =	ssyncadd.s32 $0xFFFF8000  }
0x151: {  	[hbm4b:s6+s2] =	stream.linear.scatter [tilespmem:s15], [sflag:$0x1], $0x8000, $0x38;
	[tilespmem:$0x19E00] =	vst v63  }
0x152: {  	_ =	swait.ge [sflag:s12], $0x8000  }
0x153: {  	[sflag:s12] =	ssyncset.done $0x0  }
0x154: {  	[sflag:s12] =	ssyncadd.s32 $0xFFFF8000  }
0x155: {  	[hbm4b:s7+s2] =	stream.linear.scatter [tilespmem:s16], [sflag:$0x1], $0x8000, $0x38;
	[tilespmem:$0x19E00] =	vst v63  }
0x156: {  	_ =	swait.ge [sflag:s12], $0x8000  }
0x157: {  	[sflag:s12] =	ssyncset.done $0x0  }
0x158: {  	s18 =	simm.s32 $0xF;
	s19 =	simm.s32 $0x12200;
	[sflag:s12] =	ssyncadd.s32 $0xFFFF8000  }
.LBB2_4:
0x159: {  	s20 =	sadd.s32 $0xFFFFFFF1, s18  }
0x15a: {  	s21 =	sand.u32 $0xF0, s20  }
0x15b: {  	v22 =	vld [tilespmem:s21+$0x100];
	_ =	sdelay $0x4  }
0x15c: {  	v23 =	vperm.xlane v22, v1;
	_ =	sdelay $0x1  }
0x15d: {  	v23 =	vshll.u32 v23, $0x7  }
0x15e: {  	v24 =	vor.u32 v0, v23;
	_ =	sdelay $0x3  }
0x15f: {  	s20 =	sshll.u32 s20, $0x7  }
0x160: {  	v25 =	vor.u32 s20, v0;
	v24 =	vld.idx.msk [tilespmem:v24+s13+$0x0], $0xffff  }
0x161: {  	v26 =	vor.u32 v3, v23;
	_ =	sdelay $0x3  }
0x162: {  	[tilespmem:v25+s14+$0x0] =	vst.idx.msk $0x1fff, v24  }
0x163: {  	v24 =	vld.idx.msk [tilespmem:v26+s13+$0x0], $0xffff  }
0x164: {  	v36 =	vor.u32 v4, v23;
	_ =	sdelay $0x3  }
0x165: {  	[tilespmem:v25+s15+$0x0] =	vst.idx.msk $0xf, v24  }
0x166: {  	v24 =	vld.idx.msk [tilespmem:v36+s13+$0x0], $0xffff  }
0x167: {  	v37 =	vor.u32 v5, v23;
	_ =	sdelay $0x3  }
0x168: {  	[tilespmem:s19+$0xFFFFFC00] =	vst v24  }
0x169: {  	v24 =	vld.idx.msk [tilespmem:v37+s13+$0x0], $0xffff  }
0x16a: {  	v38 =	vor.u32 v6, v23;
	_ =	sdelay $0x3  }
0x16b: {  	[tilespmem:s19+$0xFFFFFC10] =	vst v24  }
0x16c: {  	v24 =	vld.idx.msk [tilespmem:v38+s13+$0x0], $0xffff  }
0x16d: {  	v23 =	vor.u32 v7, v23;
	_ =	sdelay $0x2  }
0x16e: {  	v39 =	vperm.xlane v22, v8  }
0x16f: {  	[tilespmem:s19+$0xFFFFFC20] =	vst v24  }
0x170: {  	v40 =	vor.u32 s20, v5;
	v25 =	vshll.u32 v39, $0x7;
	v23 =	vld.idx.msk [tilespmem:v23+s13+$0x0], $0xffff  }
0x171: {  	v41 =	vor.u32 v0, v25;
	_ =	sdelay $0x2  }
0x172: {  	s20 =	sshll.u32 s18, $0x7  }
0x173: {  	s26 =	sadd.s32 $0xFFFFF900, s20;
	[tilespmem:v40+s16+$0x0] =	vst.idx.msk $0xf, v23  }
0x174: {  	v42 =	vor.u32 s26, v0;
	v23 =	vld.idx.msk [tilespmem:v41+s13+$0x0], $0xffff  }
0x175: {  	v43 =	vor.u32 v3, v25;
	_ =	sdelay $0x3  }
0x176: {  	[tilespmem:v42+s14+$0x0] =	vst.idx.msk $0x1fff, v23  }
0x177: {  	v23 =	vld.idx.msk [tilespmem:v43+s13+$0x0], $0xffff  }
0x178: {  	v44 =	vor.u32 v4, v25;
	_ =	sdelay $0x3  }
0x179: {  	[tilespmem:v42+s15+$0x0] =	vst.idx.msk $0xf, v23  }
0x17a: {  	v23 =	vld.idx.msk [tilespmem:v44+s13+$0x0], $0xffff  }
0x17b: {  	v45 =	vor.u32 v5, v25;
	_ =	sdelay $0x3  }
0x17c: {  	[tilespmem:s19+$0xFFFFFC80] =	vst v23  }
0x17d: {  	v23 =	vld.idx.msk [tilespmem:v45+s13+$0x0], $0xffff  }
0x17e: {  	v46 =	vor.u32 v6, v25;
	_ =	sdelay $0x3  }
0x17f: {  	[tilespmem:s19+$0xFFFFFC90] =	vst v23  }
0x180: {  	v23 =	vld.idx.msk [tilespmem:v46+s13+$0x0], $0xffff  }
0x181: {  	v47 =	vor.u32 v7, v25;
	_ =	sdelay $0x2  }
0x182: {  	v48 =	vperm.xlane v22, v9  }
0x183: {  	[tilespmem:s19+$0xFFFFFCA0] =	vst v23  }
0x184: {  	v49 =	vor.u32 s26, v5;
	v25 =	vshll.u32 v48, $0x7;
	v23 =	vld.idx.msk [tilespmem:v47+s13+$0x0], $0xffff  }
0x185: {  	v50 =	vor.u32 v0, v25;
	_ =	sdelay $0x3  }
0x186: {  	s28 =	sadd.s32 $0xFFFFF980, s20;
	[tilespmem:v49+s16+$0x0] =	vst.idx.msk $0xf, v23  }
0x187: {  	v51 =	vor.u32 s28, v0;
	v23 =	vld.idx.msk [tilespmem:v50+s13+$0x0], $0xffff  }
0x188: {  	v52 =	vor.u32 v3, v25;
	_ =	sdelay $0x3  }
0x189: {  	[tilespmem:v51+s14+$0x0] =	vst.idx.msk $0x1fff, v23  }
0x18a: {  	v23 =	vld.idx.msk [tilespmem:v52+s13+$0x0], $0xffff  }
0x18b: {  	v53 =	vor.u32 v4, v25;
	_ =	sdelay $0x3  }
0x18c: {  	[tilespmem:v51+s15+$0x0] =	vst.idx.msk $0xf, v23  }
0x18d: {  	v23 =	vld.idx.msk [tilespmem:v53+s13+$0x0], $0xffff  }
0x18e: {  	v54 =	vor.u32 v5, v25;
	_ =	sdelay $0x3  }
0x18f: {  	[tilespmem:s19+$0xFFFFFD00] =	vst v23  }
0x190: {  	v23 =	vld.idx.msk [tilespmem:v54+s13+$0x0], $0xffff  }
0x191: {  	v55 =	vor.u32 v6, v25;
	_ =	sdelay $0x3  }
0x192: {  	[tilespmem:s19+$0xFFFFFD10] =	vst v23  }
0x193: {  	v23 =	vld.idx.msk [tilespmem:v55+s13+$0x0], $0xffff  }
0x194: {  	v56 =	vor.u32 v7, v25;
	_ =	sdelay $0x2  }
0x195: {  	v57 =	vperm.xlane v22, v10  }
0x196: {  	[tilespmem:s19+$0xFFFFFD20] =	vst v23  }
0x197: {  	v58 =	vor.u32 s28, v5;
	v25 =	vshll.u32 v57, $0x7;
	v23 =	vld.idx.msk [tilespmem:v56+s13+$0x0], $0xffff  }
0x198: {  	v59 =	vor.u32 v0, v25;
	_ =	sdelay $0x3  }
0x199: {  	s29 =	sadd.s32 $0xFFFFFA00, s20;
	[tilespmem:v58+s16+$0x0] =	vst.idx.msk $0xf, v23  }
0x19a: {  	v60 =	vor.u32 s29, v0;
	v23 =	vld.idx.msk [tilespmem:v59+s13+$0x0], $0xffff  }
0x19b: {  	v61 =	vor.u32 v3, v25;
	_ =	sdelay $0x3  }
0x19c: {  	[tilespmem:v60+s14+$0x0] =	vst.idx.msk $0x1fff, v23  }
0x19d: {  	v23 =	vld.idx.msk [tilespmem:v61+s13+$0x0], $0xffff  }
0x19e: {  	v62 =	vor.u32 v4, v25;
	_ =	sdelay $0x3  }
0x19f: {  	[tilespmem:v60+s15+$0x0] =	vst.idx.msk $0xf, v23  }
0x1a0: {  	v23 =	vld.idx.msk [tilespmem:v62+s13+$0x0], $0xffff  }
0x1a1: {  	v63 =	vor.u32 v5, v25;
	_ =	sdelay $0x3  }
0x1a2: {  	[tilespmem:s19+$0xFFFFFD80] =	vst v23  }
0x1a3: {  	v23 =	vld.idx.msk [tilespmem:v63+s13+$0x0], $0xffff  }
0x1a4: {  	v28 =	vor.u32 v6, v25;
	_ =	sdelay $0x3  }
0x1a5: {  	[tilespmem:s19+$0xFFFFFD90] =	vst v23  }
0x1a6: {  	v23 =	vld.idx.msk [tilespmem:v28+s13+$0x0], $0xffff  }
0x1a7: {  	v29 =	vor.u32 v7, v25;
	_ =	sdelay $0x2  }
0x1a8: {  	v30 =	vperm.xlane v22, v11  }
0x1a9: {  	[tilespmem:s19+$0xFFFFFDA0] =	vst v23  }
0x1aa: {  	v31 =	vor.u32 s29, v5;
	v25 =	vshll.u32 v30, $0x7;
	v23 =	vld.idx.msk [tilespmem:v29+s13+$0x0], $0xffff  }
0x1ab: {  	v32 =	vor.u32 v0, v25;
	_ =	sdelay $0x3  }
0x1ac: {  	s30 =	sadd.s32 $0xFFFFFA80, s20;
	[tilespmem:v31+s16+$0x0] =	vst.idx.msk $0xf, v23  }
0x1ad: {  	v33 =	vor.u32 s30, v0;
	v23 =	vld.idx.msk [tilespmem:v32+s13+$0x0], $0xffff  }
0x1ae: {  	v34 =	vor.u32 v3, v25;
	_ =	sdelay $0x3  }
0x1af: {  	[tilespmem:v33+s14+$0x0] =	vst.idx.msk $0x1fff, v23  }
0x1b0: {  	v23 =	vld.idx.msk [tilespmem:v34+s13+$0x0], $0xffff  }
0x1b1: {  	v35 =	vor.u32 v4, v25;
	_ =	sdelay $0x3  }
0x1b2: {  	[tilespmem:v33+s15+$0x0] =	vst.idx.msk $0xf, v23  }
0x1b3: {  	v23 =	vld.idx.msk [tilespmem:v35+s13+$0x0], $0xffff  }
0x1b4: {  	v36 =	vor.u32 v5, v25;
	_ =	sdelay $0x3  }
0x1b5: {  	[tilespmem:s19+$0xFFFFFE00] =	vst v23  }
0x1b6: {  	v23 =	vld.idx.msk [tilespmem:v36+s13+$0x0], $0xffff  }
0x1b7: {  	v37 =	vor.u32 v6, v25;
	_ =	sdelay $0x3  }
0x1b8: {  	[tilespmem:s19+$0xFFFFFE10] =	vst v23  }
0x1b9: {  	v23 =	vld.idx.msk [tilespmem:v37+s13+$0x0], $0xffff  }
0x1ba: {  	v38 =	vor.u32 v7, v25;
	_ =	sdelay $0x2  }
0x1bb: {  	v39 =	vperm.xlane v22, v12  }
0x1bc: {  	[tilespmem:s19+$0xFFFFFE20] =	vst v23  }
0x1bd: {  	v25 =	vshll.u32 v39, $0x7;
	v40 =	vor.u32 s30, v5;
	v23 =	vld.idx.msk [tilespmem:v38+s13+$0x0], $0xffff  }
0x1be: {  	v41 =	vor.u32 v0, v25;
	_ =	sdelay $0x3  }
0x1bf: {  	s31 =	sadd.s32 $0xFFFFFB00, s20;
	[tilespmem:v40+s16+$0x0] =	vst.idx.msk $0xf, v23  }
0x1c0: {  	v42 =	vor.u32 s31, v0;
	v23 =	vld.idx.msk [tilespmem:v41+s13+$0x0], $0xffff  }
0x1c1: {  	v43 =	vor.u32 v3, v25;
	_ =	sdelay $0x3  }
0x1c2: {  	[tilespmem:v42+s14+$0x0] =	vst.idx.msk $0x1fff, v23  }
0x1c3: {  	v23 =	vld.idx.msk [tilespmem:v43+s13+$0x0], $0xffff  }
0x1c4: {  	v44 =	vor.u32 v4, v25;
	_ =	sdelay $0x3  }
0x1c5: {  	[tilespmem:v42+s15+$0x0] =	vst.idx.msk $0xf, v23  }
0x1c6: {  	v23 =	vld.idx.msk [tilespmem:v44+s13+$0x0], $0xffff  }
0x1c7: {  	v45 =	vor.u32 v5, v25;
	_ =	sdelay $0x3  }
0x1c8: {  	[tilespmem:s19+$0xFFFFFE80] =	vst v23  }
0x1c9: {  	v23 =	vld.idx.msk [tilespmem:v45+s13+$0x0], $0xffff  }
0x1ca: {  	v46 =	vor.u32 v6, v25;
	_ =	sdelay $0x3  }
0x1cb: {  	[tilespmem:s19+$0xFFFFFE90] =	vst v23  }
0x1cc: {  	v23 =	vld.idx.msk [tilespmem:v46+s13+$0x0], $0xffff  }
0x1cd: {  	v47 =	vor.u32 v7, v25;
	_ =	sdelay $0x2  }
0x1ce: {  	v48 =	vperm.xlane v22, v13  }
0x1cf: {  	[tilespmem:s19+$0xFFFFFEA0] =	vst v23  }
0x1d0: {  	v25 =	vshll.u32 v48, $0x7;
	v49 =	vor.u32 s31, v5;
	v23 =	vld.idx.msk [tilespmem:v47+s13+$0x0], $0xffff  }
0x1d1: {  	v50 =	vor.u32 v0, v25;
	_ =	sdelay $0x3  }
0x1d2: {  	s22 =	sadd.s32 $0xFFFFFB80, s20;
	[tilespmem:v49+s16+$0x0] =	vst.idx.msk $0xf, v23  }
0x1d3: {  	v51 =	vor.u32 s22, v0;
	v23 =	vld.idx.msk [tilespmem:v50+s13+$0x0], $0xffff  }
0x1d4: {  	v52 =	vor.u32 v3, v25;
	_ =	sdelay $0x3  }
0x1d5: {  	[tilespmem:v51+s14+$0x0] =	vst.idx.msk $0x1fff, v23  }
0x1d6: {  	v23 =	vld.idx.msk [tilespmem:v52+s13+$0x0], $0xffff  }
0x1d7: {  	v53 =	vor.u32 v4, v25;
	_ =	sdelay $0x3  }
0x1d8: {  	[tilespmem:v51+s15+$0x0] =	vst.idx.msk $0xf, v23  }
0x1d9: {  	v23 =	vld.idx.msk [tilespmem:v53+s13+$0x0], $0xffff  }
0x1da: {  	v54 =	vor.u32 v5, v25;
	_ =	sdelay $0x3  }
0x1db: {  	[tilespmem:s19+$0xFFFFFF00] =	vst v23  }
0x1dc: {  	v23 =	vld.idx.msk [tilespmem:v54+s13+$0x0], $0xffff  }
0x1dd: {  	v55 =	vor.u32 v6, v25;
	_ =	sdelay $0x3  }
0x1de: {  	[tilespmem:s19+$0xFFFFFF10] =	vst v23  }
0x1df: {  	v23 =	vld.idx.msk [tilespmem:v55+s13+$0x0], $0xffff  }
0x1e0: {  	v56 =	vor.u32 v7, v25;
	_ =	sdelay $0x2  }
0x1e1: {  	v57 =	vperm.xlane v22, v2  }
0x1e2: {  	[tilespmem:s19+$0xFFFFFF20] =	vst v23  }
0x1e3: {  	v25 =	vshll.u32 v57, $0x7;
	v58 =	vor.u32 s22, v5;
	v23 =	vld.idx.msk [tilespmem:v56+s13+$0x0], $0xffff  }
0x1e4: {  	v59 =	vor.u32 v0, v25;
	_ =	sdelay $0x3  }
0x1e5: {  	s23 =	sadd.s32 $0xFFFFFC00, s20;
	[tilespmem:v58+s16+$0x0] =	vst.idx.msk $0xf, v23  }
0x1e6: {  	v60 =	vor.u32 s23, v0;
	v23 =	vld.idx.msk [tilespmem:v59+s13+$0x0], $0xffff  }
0x1e7: {  	v61 =	vor.u32 v3, v25;
	_ =	sdelay $0x3  }
0x1e8: {  	[tilespmem:v60+s14+$0x0] =	vst.idx.msk $0x1fff, v23  }
0x1e9: {  	v23 =	vld.idx.msk [tilespmem:v61+s13+$0x0], $0xffff  }
0x1ea: {  	v62 =	vor.u32 v4, v25;
	_ =	sdelay $0x3  }
0x1eb: {  	[tilespmem:v60+s15+$0x0] =	vst.idx.msk $0xf, v23  }
0x1ec: {  	v23 =	vld.idx.msk [tilespmem:v62+s13+$0x0], $0xffff  }
0x1ed: {  	v63 =	vor.u32 v5, v25;
	_ =	sdelay $0x3  }
0x1ee: {  	[tilespmem:s19+$0xFFFFFF80] =	vst v23  }
0x1ef: {  	v23 =	vld.idx.msk [tilespmem:v63+s13+$0x0], $0xffff  }
0x1f0: {  	v28 =	vor.u32 v6, v25;
	_ =	sdelay $0x3  }
0x1f1: {  	[tilespmem:s19+$0xFFFFFF90] =	vst v23  }
0x1f2: {  	v23 =	vld.idx.msk [tilespmem:v28+s13+$0x0], $0xffff  }
0x1f3: {  	v29 =	vor.u32 v7, v25;
	_ =	sdelay $0x2  }
0x1f4: {  	v30 =	vperm.xlane v22, v14  }
0x1f5: {  	[tilespmem:s19+$0xFFFFFFA0] =	vst v23  }
0x1f6: {  	v25 =	vshll.u32 v30, $0x7;
	v31 =	vor.u32 s23, v5;
	v23 =	vld.idx.msk [tilespmem:v29+s13+$0x0], $0xffff  }
0x1f7: {  	v32 =	vor.u32 v0, v25;
	_ =	sdelay $0x3  }
0x1f8: {  	s24 =	sadd.s32 $0xFFFFFC80, s20;
	[tilespmem:v31+s16+$0x0] =	vst.idx.msk $0xf, v23  }
0x1f9: {  	v33 =	vor.u32 s24, v0;
	v23 =	vld.idx.msk [tilespmem:v32+s13+$0x0], $0xffff  }
0x1fa: {  	v34 =	vor.u32 v3, v25;
	_ =	sdelay $0x3  }
0x1fb: {  	[tilespmem:v33+s14+$0x0] =	vst.idx.msk $0x1fff, v23  }
0x1fc: {  	v23 =	vld.idx.msk [tilespmem:v34+s13+$0x0], $0xffff  }
0x1fd: {  	v35 =	vor.u32 v4, v25;
	_ =	sdelay $0x3  }
0x1fe: {  	[tilespmem:v33+s15+$0x0] =	vst.idx.msk $0xf, v23  }
0x1ff: {  	v23 =	vld.idx.msk [tilespmem:v35+s13+$0x0], $0xffff  }
0x200: {  	v36 =	vor.u32 v5, v25;
	_ =	sdelay $0x3  }
0x201: {  	[tilespmem:s19+$0x0] =	vst v23  }
0x202: {  	v23 =	vld.idx.msk [tilespmem:v36+s13+$0x0], $0xffff  }
0x203: {  	v37 =	vor.u32 v6, v25;
	_ =	sdelay $0x3  }
0x204: {  	[tilespmem:s19+$0x10] =	vst v23  }
0x205: {  	v23 =	vld.idx.msk [tilespmem:v37+s13+$0x0], $0xffff  }
0x206: {  	v38 =	vor.u32 v7, v25;
	_ =	sdelay $0x2  }
0x207: {  	v39 =	vperm.xlane v22, v15  }
0x208: {  	[tilespmem:s19+$0x20] =	vst v23  }
0x209: {  	v25 =	vshll.u32 v39, $0x7;
	v40 =	vor.u32 s24, v5;
	v23 =	vld.idx.msk [tilespmem:v38+s13+$0x0], $0xffff  }
0x20a: {  	v41 =	vor.u32 v0, v25;
	_ =	sdelay $0x3  }
0x20b: {  	s25 =	sadd.s32 $0xFFFFFD00, s20;
	[tilespmem:v40+s16+$0x0] =	vst.idx.msk $0xf, v23  }
0x20c: {  	v42 =	vor.u32 s25, v0;
	v23 =	vld.idx.msk [tilespmem:v41+s13+$0x0], $0xffff  }
0x20d: {  	v43 =	vor.u32 v3, v25;
	_ =	sdelay $0x3  }
0x20e: {  	[tilespmem:v42+s14+$0x0] =	vst.idx.msk $0x1fff, v23  }
0x20f: {  	v23 =	vld.idx.msk [tilespmem:v43+s13+$0x0], $0xffff  }
0x210: {  	v44 =	vor.u32 v4, v25;
	_ =	sdelay $0x3  }
0x211: {  	[tilespmem:v42+s15+$0x0] =	vst.idx.msk $0xf, v23  }
0x212: {  	v23 =	vld.idx.msk [tilespmem:v44+s13+$0x0], $0xffff  }
0x213: {  	v45 =	vor.u32 v5, v25;
	_ =	sdelay $0x3  }
0x214: {  	[tilespmem:s19+$0x80] =	vst v23  }
0x215: {  	v23 =	vld.idx.msk [tilespmem:v45+s13+$0x0], $0xffff  }
0x216: {  	v46 =	vor.u32 v6, v25;
	_ =	sdelay $0x3  }
0x217: {  	[tilespmem:s19+$0x90] =	vst v23  }
0x218: {  	v23 =	vld.idx.msk [tilespmem:v46+s13+$0x0], $0xffff  }
0x219: {  	v47 =	vor.u32 v7, v25;
	_ =	sdelay $0x2  }
0x21a: {  	v48 =	vperm.xlane v22, v16  }
0x21b: {  	[tilespmem:s19+$0xA0] =	vst v23  }
0x21c: {  	v25 =	vshll.u32 v48, $0x7;
	v49 =	vor.u32 s25, v5;
	v23 =	vld.idx.msk [tilespmem:v47+s13+$0x0], $0xffff  }
0x21d: {  	v50 =	vor.u32 v0, v25;
	_ =	sdelay $0x3  }
0x21e: {  	s26 =	sadd.s32 $0xFFFFFD80, s20;
	[tilespmem:v49+s16+$0x0] =	vst.idx.msk $0xf, v23  }
0x21f: {  	v51 =	vor.u32 s26, v0;
	v23 =	vld.idx.msk [tilespmem:v50+s13+$0x0], $0xffff  }
0x220: {  	v52 =	vor.u32 v3, v25;
	_ =	sdelay $0x3  }
0x221: {  	[tilespmem:v51+s14+$0x0] =	vst.idx.msk $0x1fff, v23  }
0x222: {  	v23 =	vld.idx.msk [tilespmem:v52+s13+$0x0], $0xffff  }
0x223: {  	v53 =	vor.u32 v4, v25;
	_ =	sdelay $0x3  }
0x224: {  	[tilespmem:v51+s15+$0x0] =	vst.idx.msk $0xf, v23  }
0x225: {  	v23 =	vld.idx.msk [tilespmem:v53+s13+$0x0], $0xffff  }
0x226: {  	v54 =	vor.u32 v5, v25;
	_ =	sdelay $0x3  }
0x227: {  	[tilespmem:s19+$0x100] =	vst v23  }
0x228: {  	v23 =	vld.idx.msk [tilespmem:v54+s13+$0x0], $0xffff  }
0x229: {  	v55 =	vor.u32 v6, v25;
	_ =	sdelay $0x3  }
0x22a: {  	[tilespmem:s19+$0x110] =	vst v23  }
0x22b: {  	v23 =	vld.idx.msk [tilespmem:v55+s13+$0x0], $0xffff  }
0x22c: {  	v56 =	vor.u32 v7, v25;
	_ =	sdelay $0x2  }
0x22d: {  	v57 =	vperm.xlane v22, v17  }
0x22e: {  	[tilespmem:s19+$0x120] =	vst v23  }
0x22f: {  	v25 =	vshll.u32 v57, $0x7;
	v58 =	vor.u32 s26, v5;
	v23 =	vld.idx.msk [tilespmem:v56+s13+$0x0], $0xffff  }
0x230: {  	v59 =	vor.u32 v0, v25;
	_ =	sdelay $0x3  }
0x231: {  	s28 =	sadd.s32 $0xFFFFFE00, s20;
	[tilespmem:v58+s16+$0x0] =	vst.idx.msk $0xf, v23  }
0x232: {  	v60 =	vor.u32 s28, v0;
	v23 =	vld.idx.msk [tilespmem:v59+s13+$0x0], $0xffff  }
0x233: {  	v61 =	vor.u32 v3, v25;
	_ =	sdelay $0x3  }
0x234: {  	[tilespmem:v60+s14+$0x0] =	vst.idx.msk $0x1fff, v23  }
0x235: {  	v23 =	vld.idx.msk [tilespmem:v61+s13+$0x0], $0xffff  }
0x236: {  	v62 =	vor.u32 v4, v25;
	_ =	sdelay $0x3  }
0x237: {  	[tilespmem:v60+s15+$0x0] =	vst.idx.msk $0xf, v23  }
0x238: {  	v23 =	vld.idx.msk [tilespmem:v62+s13+$0x0], $0xffff  }
0x239: {  	v63 =	vor.u32 v5, v25;
	_ =	sdelay $0x3  }
0x23a: {  	[tilespmem:s19+$0x180] =	vst v23  }
0x23b: {  	v23 =	vld.idx.msk [tilespmem:v63+s13+$0x0], $0xffff  }
0x23c: {  	v28 =	vor.u32 v6, v25;
	_ =	sdelay $0x3  }
0x23d: {  	[tilespmem:s19+$0x190] =	vst v23  }
0x23e: {  	v23 =	vld.idx.msk [tilespmem:v28+s13+$0x0], $0xffff  }
0x23f: {  	v29 =	vor.u32 v7, v25;
	_ =	sdelay $0x2  }
0x240: {  	v30 =	vperm.xlane v22, v18  }
0x241: {  	[tilespmem:s19+$0x1A0] =	vst v23  }
0x242: {  	v25 =	vshll.u32 v30, $0x7;
	v31 =	vor.u32 s28, v5;
	v23 =	vld.idx.msk [tilespmem:v29+s13+$0x0], $0xffff  }
0x243: {  	v32 =	vor.u32 v0, v25;
	_ =	sdelay $0x3  }
0x244: {  	s29 =	sadd.s32 $0xFFFFFE80, s20;
	[tilespmem:v31+s16+$0x0] =	vst.idx.msk $0xf, v23  }
0x245: {  	v33 =	vor.u32 s29, v0;
	v23 =	vld.idx.msk [tilespmem:v32+s13+$0x0], $0xffff  }
0x246: {  	v34 =	vor.u32 v3, v25;
	_ =	sdelay $0x3  }
0x247: {  	[tilespmem:v33+s14+$0x0] =	vst.idx.msk $0x1fff, v23  }
0x248: {  	v23 =	vld.idx.msk [tilespmem:v34+s13+$0x0], $0xffff  }
0x249: {  	v35 =	vor.u32 v4, v25;
	_ =	sdelay $0x3  }
0x24a: {  	[tilespmem:v33+s15+$0x0] =	vst.idx.msk $0xf, v23  }
0x24b: {  	v23 =	vld.idx.msk [tilespmem:v35+s13+$0x0], $0xffff  }
0x24c: {  	v36 =	vor.u32 v5, v25;
	_ =	sdelay $0x3  }
0x24d: {  	[tilespmem:s19+$0x200] =	vst v23  }
0x24e: {  	v23 =	vld.idx.msk [tilespmem:v36+s13+$0x0], $0xffff  }
0x24f: {  	v37 =	vor.u32 v6, v25;
	_ =	sdelay $0x3  }
0x250: {  	[tilespmem:s19+$0x210] =	vst v23  }
0x251: {  	v23 =	vld.idx.msk [tilespmem:v37+s13+$0x0], $0xffff  }
0x252: {  	v38 =	vor.u32 v7, v25;
	_ =	sdelay $0x2  }
0x253: {  	v39 =	vperm.xlane v22, v19  }
0x254: {  	[tilespmem:s19+$0x220] =	vst v23  }
0x255: {  	v25 =	vshll.u32 v39, $0x7;
	v40 =	vor.u32 s29, v5;
	v23 =	vld.idx.msk [tilespmem:v38+s13+$0x0], $0xffff  }
0x256: {  	v41 =	vor.u32 v0, v25;
	_ =	sdelay $0x3  }
0x257: {  	s30 =	sadd.s32 $0xFFFFFF00, s20;
	[tilespmem:v40+s16+$0x0] =	vst.idx.msk $0xf, v23  }
0x258: {  	v42 =	vor.u32 s30, v0;
	v23 =	vld.idx.msk [tilespmem:v41+s13+$0x0], $0xffff  }
0x259: {  	v43 =	vor.u32 v3, v25;
	_ =	sdelay $0x3  }
0x25a: {  	[tilespmem:v42+s14+$0x0] =	vst.idx.msk $0x1fff, v23  }
0x25b: {  	v23 =	vld.idx.msk [tilespmem:v43+s13+$0x0], $0xffff  }
0x25c: {  	v44 =	vor.u32 v4, v25;
	_ =	sdelay $0x3  }
0x25d: {  	[tilespmem:v42+s15+$0x0] =	vst.idx.msk $0xf, v23  }
0x25e: {  	v23 =	vld.idx.msk [tilespmem:v44+s13+$0x0], $0xffff  }
0x25f: {  	v45 =	vor.u32 v5, v25;
	_ =	sdelay $0x3  }
0x260: {  	[tilespmem:s19+$0x280] =	vst v23  }
0x261: {  	v23 =	vld.idx.msk [tilespmem:v45+s13+$0x0], $0xffff  }
0x262: {  	v46 =	vor.u32 v6, v25;
	_ =	sdelay $0x3  }
0x263: {  	[tilespmem:s19+$0x290] =	vst v23  }
0x264: {  	v23 =	vld.idx.msk [tilespmem:v46+s13+$0x0], $0xffff  }
0x265: {  	v47 =	vor.u32 v7, v25;
	_ =	sdelay $0x2  }
0x266: {  	v48 =	vperm.xlane v22, v20  }
0x267: {  	[tilespmem:s19+$0x2A0] =	vst v23  }
0x268: {  	v25 =	vshll.u32 v48, $0x7;
	v49 =	vor.u32 s30, v5;
	v23 =	vld.idx.msk [tilespmem:v47+s13+$0x0], $0xffff  }
0x269: {  	v50 =	vor.u32 v0, v25;
	_ =	sdelay $0x3  }
0x26a: {  	s31 =	sadd.s32 $0xFFFFFF80, s20;
	[tilespmem:v49+s16+$0x0] =	vst.idx.msk $0xf, v23  }
0x26b: {  	v51 =	vor.u32 s31, v0;
	v23 =	vld.idx.msk [tilespmem:v50+s13+$0x0], $0xffff  }
0x26c: {  	v52 =	vor.u32 v3, v25;
	_ =	sdelay $0x3  }
0x26d: {  	[tilespmem:v51+s14+$0x0] =	vst.idx.msk $0x1fff, v23  }
0x26e: {  	v23 =	vld.idx.msk [tilespmem:v52+s13+$0x0], $0xffff  }
0x26f: {  	v53 =	vor.u32 v4, v25;
	_ =	sdelay $0x3  }
0x270: {  	[tilespmem:v51+s15+$0x0] =	vst.idx.msk $0xf, v23  }
0x271: {  	v23 =	vld.idx.msk [tilespmem:v53+s13+$0x0], $0xffff  }
0x272: {  	v54 =	vor.u32 v5, v25;
	_ =	sdelay $0x3  }
0x273: {  	[tilespmem:s19+$0x300] =	vst v23  }
0x274: {  	v23 =	vld.idx.msk [tilespmem:v54+s13+$0x0], $0xffff  }
0x275: {  	v55 =	vor.u32 v6, v25;
	_ =	sdelay $0x3  }
0x276: {  	[tilespmem:s19+$0x310] =	vst v23  }
0x277: {  	v23 =	vld.idx.msk [tilespmem:v55+s13+$0x0], $0xffff  }
0x278: {  	v56 =	vor.u32 v7, v25;
	_ =	sdelay $0x2  }
0x279: {  	v22 =	vperm.xlane v22, v21  }
0x27a: {  	[tilespmem:s19+$0x320] =	vst v23  }
0x27b: {  	v22 =	vshll.u32 v22, $0x7;
	v57 =	vor.u32 s31, v5;
	v23 =	vld.idx.msk [tilespmem:v56+s13+$0x0], $0xffff  }
0x27c: {  	v58 =	vor.u32 v0, v22;
	_ =	sdelay $0x3  }
0x27d: {  	[tilespmem:v57+s16+$0x0] =	vst.idx.msk $0xf, v23  }
0x27e: {  	v59 =	vor.u32 s20, v0;
	v23 =	vld.idx.msk [tilespmem:v58+s13+$0x0], $0xffff  }
0x27f: {  	v60 =	vor.u32 v3, v22;
	_ =	sdelay $0x3  }
0x280: {  	[tilespmem:v59+s14+$0x0] =	vst.idx.msk $0x1fff, v23  }
0x281: {  	v23 =	vld.idx.msk [tilespmem:v60+s13+$0x0], $0xffff  }
0x282: {  	v61 =	vor.u32 v4, v22;
	_ =	sdelay $0x3  }
0x283: {  	[tilespmem:v59+s15+$0x0] =	vst.idx.msk $0xf, v23  }
0x284: {  	v23 =	vld.idx.msk [tilespmem:v61+s13+$0x0], $0xffff  }
0x285: {  	v62 =	vor.u32 v5, v22;
	_ =	sdelay $0x3  }
0x286: {  	[tilespmem:s19+$0x380] =	vst v23  }
0x287: {  	v23 =	vld.idx.msk [tilespmem:v62+s13+$0x0], $0xffff  }
0x288: {  	v63 =	vor.u32 v6, v22;
	_ =	sdelay $0x3  }
0x289: {  	[tilespmem:s19+$0x390] =	vst v23  }
0x28a: {  	v23 =	vld.idx.msk [tilespmem:v63+s13+$0x0], $0xffff  }
0x28b: {  	v22 =	vor.u32 v7, v22;
	_ =	sdelay $0x3  }
0x28c: {  	[tilespmem:s19+$0x3A0] =	vst v23  }
0x28d: {  	p0 =	sne.s32 s18, $0xFF;
	v23 =	vor.u32 s20, v5;
	v22 =	vld.idx.msk [tilespmem:v22+s13+$0x0], $0xffff  }
.Ltmp1:
0x28e: {  	_ = 	snop;
	(pc) =	sbr.rel @p0 .LBB2_4-.Ltmp1, $2  }
0x28f: {  	_ =	sdelay $0x2  }
0x290: {  	s18 =	sadd.s32 $0x10, s18;
	s19 =	sadd.s32 $0x800, s19;
	[tilespmem:v23+s16+$0x0] =	vst.idx.msk $0xf, v22  }
0x291: {  	[hbm4b:s8+s2] =	stream.linear.scatter [tilespmem:s14], [sflag:$0x1], $0x8000, $0x38;
	[tilespmem:$0x19E00] =	vst v63  }
0x292: {  	_ =	swait.ge [sflag:s12], $0x8000  }
0x293: {  	[sflag:s12] =	ssyncset.done $0x0  }
0x294: {  	[sflag:s12] =	ssyncadd.s32 $0xFFFF8000  }
0x295: {  	[hbm4b:s9+s2] =	stream.linear.scatter [tilespmem:s15], [sflag:$0x1], $0x8000, $0x38;
	[tilespmem:$0x19E00] =	vst v63  }
0x296: {  	s17 =	sadd.s32 $0x1, s17;
	_ =	swait.ge [sflag:s12], $0x8000  }
0x297: {  	p0 =	sne.s32 s17, s11;
	[sflag:s12] =	ssyncset.done $0x0  }
.Ltmp2:
0x298: {  	[sflag:s12] =	ssyncadd.s32 $0xFFFF8000;
	(pc) =	sbr.rel @p0 .LBB2_1-.Ltmp2, $4  }
0x299: {  	[hbm4b:s10+s2] =	stream.linear.scatter [tilespmem:s16], [sflag:$0x1], $0x8000, $0x38;
	[tilespmem:$0x19E00] =	vst v63  }
0x29a: {  	_ =	swait.ge [sflag:s12], $0x8000  }
0x29b: {  	[sflag:s12] =	ssyncset.done $0x0  }
0x29c: {  	[sflag:s12] =	ssyncadd.s32 $0xFFFF8000  }
0x29d: {  	_ =	sfence.sel $0x180000  }
0x29e: {  	[bflag:$0x0] =	sbarrier.arrive $0xFFFF  }
0x29f: {  	p0 =	sne.s32 s3, $0x0;
	_ =	strace $0x90000047  }
0x2a0: {  	s0 =	sadd.s32 @!p0 $0x100000, s0;
	[bflag:$0x2] =	sbarrier.arrive $0xFFFF  }
0x2a1: {  	[sflag:s0] =	ssyncadd.tile.s32 @!p0 $0x1;
	_ =	shalt  }
.Lfunc_end2:
_tile_overlayer_lowered:
.L_overlay_start_2:
0x2a2: {  	(tag) =	ssettag $0x2  }
0x2a3: {  	s0 =	rddreg [dreg:$0x0];
	s2 =	stileid.u32  }
0x2a4: {  	s1 =	rddreg [dreg:$0x1];
	p0 =	sne.s32 s2, $0x0  }
0x2a5: {  	s3 =	rddreg [dreg:$0x2];
	[bflag:$0x3] =	sbarrier.arrive $0xFFFF;
	s2 =	simm.s32 @!p0 $0x1C01  }
0x2a6: {  	[timem:s3], [sflag:s2] =	dma.local @!p0 [hbm:s0], s1  }
0x2a7: {  	s0 =	simm.s32 @!p0 $0x1  }
0x2a8: {  	_ =	swait.ge @!p0 [sflag:s0], s1  }
0x2a9: {  	s1 =	ssub.s32 @!p0 $0x0, s1;
	[sflag:s0] =	ssyncset.done @!p0 $0x0  }
0x2aa: {  	[sflag:s0] =	ssyncadd.s32 @!p0 s1  }
0x2ab: {  	[bflag:$0x3] =	sbarrier.arrive $0xFFFF  }
0x2ac: {  	_ =	shalt  }

</sc_bundles>
